<compile_context>
chip_gen: v7x
topology: tpu7x:2x2x1
jax: 0.10.2.dev20260603
libtpu: 0.0.44.dev20260713+nightly
codegen_flags: <defaults>
</compile_context>

<pallas_src>
import functools

import jax
import jax.numpy as jnp
from jax import lax
from jax.experimental import pallas as pl
from jax.experimental.pallas import tpu as pltpu
from jax.experimental.pallas import tpu_sc as plsc

N_EXPERTS = 64
K = 8
BLK = 512
NC, NS, L = 2, 16, 16
NW = NC * NS


def _matmul_body(x_ref, w_ref, b_ref, s_ref):
    s_ref[...] = jax.lax.dot_general(
        x_ref[...], w_ref[...],
        dimension_numbers=(((1,), (1,)), ((), ())),
        preferred_element_type=jnp.float32,
        precision=jax.lax.Precision.DEFAULT,
    ) + b_ref[...]


def _tc_scores(x, weight, bias2d):
    grid = (x.shape[0] // BLK,)
    return pl.pallas_call(
        _matmul_body,
        grid=grid,
        in_specs=[
            pl.BlockSpec((BLK, x.shape[1]), lambda i: (i, 0)),
            pl.BlockSpec((N_EXPERTS, x.shape[1]), lambda i: (0, 0)),
            pl.BlockSpec((1, N_EXPERTS), lambda i: (0, 0)),
        ],
        out_specs=pl.BlockSpec((BLK, N_EXPERTS), lambda i: (i, 0)),
        out_shape=jax.ShapeDtypeStruct((x.shape[0], N_EXPERTS), jnp.float32),
    )(x, weight, bias2d)


def _merge_top8(ak, av, bk, bv):
    lane = lax.broadcasted_iota(jnp.int32, (L,), 0)
    sel = lane < 8
    ck = jnp.where(sel, ak, lax.rev(bk, (0,)))
    cv = jnp.where(sel, av, lax.rev(bv, (0,)))
    return plsc.sort_key_val(ck, cv, descending=True)


N_Q = 4


def _sc_gate_body(rpw, s_hbm, wout_hbm, iout_hbm, s_v, w_v, i_v,
                  sem_in, sem_out):
    wid = lax.axis_index("s") * NC + lax.axis_index("c")
    base = wid * rpw
    rq = rpw // N_Q

    in_copies = [
        pltpu.async_copy(s_hbm.at[pl.ds(base + q * rq, rq)],
                         s_v.at[pl.ds(q * rq, rq)], sem_in[q])
        for q in range(N_Q)
    ]

    lane = lax.broadcasted_iota(jnp.int32, (L,), 0)
    sel8 = lane < 8

    def _do_rows(lo, hi):
        @plsc.parallel_loop(lo, hi, step=1, unroll=2)
        def _row(r):
            sk, sv = [], []
            for c in range(N_EXPERTS // L):
                keys = s_v[r, pl.ds(c * L, L)]
                gids = lane + (c * L)
                k_s, v_s = plsc.sort_key_val(keys, gids, descending=True)
                sk.append(k_s)
                sv.append(v_s)
            mk0, mv0 = _merge_top8(sk[0], sv[0], sk[1], sv[1])
            mk1, mv1 = _merge_top8(sk[2], sv[2], sk[3], sv[3])
            fk, fv = _merge_top8(mk0, mv0, mk1, mv1)

            kmax = lax.reduce_max(fk, (0,))
            e = jnp.where(sel8, jnp.exp(fk - kmax), 0.0)
            w = e / lax.reduce_sum(e, (0,))

            rsplat = jnp.full((L,), r, jnp.int32)
            plsc.store_scatter(w_v, [rsplat, lane], w, mask=sel8)
            plsc.store_scatter(i_v, [rsplat, lane], fv, mask=sel8)

    out_copies = []
    for q in range(N_Q):
        in_copies[q].wait()
        _do_rows(q * rq, (q + 1) * rq)
        out_copies.append(pltpu.async_copy(
            w_v.at[pl.ds(q * rq, rq)],
            wout_hbm.at[pl.ds(base + q * rq, rq)], sem_out))
        out_copies.append(pltpu.async_copy(
            i_v.at[pl.ds(q * rq, rq)],
            iout_hbm.at[pl.ds(base + q * rq, rq)], sem_out))
    for h in out_copies:
        h.wait()


@functools.lru_cache(maxsize=None)
def _make_sc_gate(n_rows):
    rpw = n_rows // NW
    return pl.kernel(
        functools.partial(_sc_gate_body, rpw),
        out_type=[
            jax.ShapeDtypeStruct((n_rows, K), jnp.float32),
            jax.ShapeDtypeStruct((n_rows, K), jnp.int32),
        ],
        mesh=plsc.VectorSubcoreMesh(core_axis_name="c", subcore_axis_name="s"),
        compiler_params=pltpu.CompilerParams(needs_layout_passes=False),
        scratch_types=[
            pltpu.VMEM((rpw, N_EXPERTS), jnp.float32),
            pltpu.VMEM((rpw, K), jnp.float32),
            pltpu.VMEM((rpw, K), jnp.int32),
            [pltpu.SemaphoreType.DMA] * N_Q,
            pltpu.SemaphoreType.DMA,
        ],
    )


@jax.jit
def kernel(x, weight, bias):
    scores = _tc_scores(x, weight, bias.reshape(1, N_EXPERTS))
    return tuple(_make_sc_gate(x.shape[0])(scores))

# --- scband reference (transcript-rebuilt; emitter-appended) ---
"""Pipeline reference for scband-gpt-oss-moe-gate-17867063951970 (READ-ONLY COPY).

The authoritative reference and input builder live on the scoring server;
editing this copy changes nothing except your own understanding.
"""

import jax, jax.numpy as jnp
import numpy as np

TOPK = 8

def setup_inputs(seed: int = 0) -> dict:
    key = jax.random.key(seed)
    k1, k2, k3 = jax.random.split(key, 3)
    x = jax.random.normal(k1, (8192, 4096), dtype=jnp.float32)
    weight = jax.random.normal(k2, (64, 4096), dtype=jnp.float32) * 0.02
    bias = jax.random.normal(k3, (64,), dtype=jnp.float32) * 0.02
    return {"x": x, "weight": weight, "bias": bias}

def reference(x, weight, bias):
    # scores = linear(x, weight, bias)
    scores = x @ weight.T + bias
    # moe_gate: topk then softmax over the topk values
    topk_values, topk_ids = jax.lax.top_k(scores, TOPK)
    topk_weights = jax.nn.softmax(topk_values, axis=-1)
    return (topk_weights.astype(x.dtype), topk_ids.astype(jnp.int32))

if __name__ == "__main__":
    import jax
    _d = setup_inputs()
    print(jax.jit(kernel)(*tuple(_d.values())))

</pallas_src>

<mosaic_0001>
#map = affine_map<(d0, d1) -> (0, 0)>
module attributes {stable_mosaic.version = 14 : i64} {
  func.func @_sc_gate_body(%arg0: i32, %arg1: i32, %arg2: memref<8192x64xf32, #tpu.memory_space<hbm>>, %arg3: memref<8192x8xf32, #tpu.memory_space<hbm>>, %arg4: memref<8192x8xi32, #tpu.memory_space<hbm>>, %arg5: memref<256x64xf32, #tpu.memory_space<vmem>>, %arg6: memref<256x8xf32, #tpu.memory_space<vmem>>, %arg7: memref<256x8xi32, #tpu.memory_space<vmem>>, %arg8: memref<!tpu.dma_semaphore, #tpu.memory_space<semaphore_mem>>, %arg9: memref<!tpu.dma_semaphore, #tpu.memory_space<semaphore_mem>>, %arg10: memref<!tpu.dma_semaphore, #tpu.memory_space<semaphore_mem>>, %arg11: memref<!tpu.dma_semaphore, #tpu.memory_space<semaphore_mem>>, %arg12: memref<!tpu.dma_semaphore, #tpu.memory_space<semaphore_mem>>) attributes {dimension_semantics = [#tpu.dimension_semantics<core_parallel>, #tpu.dimension_semantics<subcore_parallel>], iteration_bounds = array<i64: 2, 16>, scalar_prefetch = 0 : i64, scratch_operands = 8 : i64, tpu.core_type = #tpu.core_type<sc_vector_subcore>, window_params = [{transform_indices = #map}, {transform_indices = #map}, {transform_indices = #map}]} {
    %mul3A = arith.constant 2 : i32
    %mul3A_0 = arith.muli %arg1, %mul3A : i32
    %add3A = arith.addi %mul3A_0, %arg0 : i32
    %mul3A_1 = arith.constant 256 : i32
    %mul3A_2 = arith.muli %add3A, %mul3A_1 : i32
    %add3A_3 = arith.constant 0 : i32
    %add3A_4 = arith.addi %mul3A_2, %add3A_3 : i32
    %dma_start3A = arith.constant 0 : i32
    %dma_start3A_5 = arith.constant 0 : i32
    %dma_start3A_6 = tpu.memref_slice %arg5[%dma_start3A, %dma_start3A_5] : memref<256x64xf32, #tpu.memory_space<vmem>> -> memref<64x64xf32, #tpu.memory_space<vmem>>
    %dma_start3A_7 = arith.constant 0 : i32
    %dma_start3A_8 = tpu.memref_slice %arg2[%add3A_4, %dma_start3A_7] : memref<8192x64xf32, #tpu.memory_space<hbm>> -> memref<64x64xf32, #tpu.memory_space<hbm>>
    %dma_start3A_9 = arith.constant 0 : i32
    %dma_start3A_10 = arith.constant 0 : i32
    %dma_start3A_11 = tpu.memref_slice %arg5[%dma_start3A_9, %dma_start3A_10] : memref<256x64xf32, #tpu.memory_space<vmem>> -> memref<64x64xf32, #tpu.memory_space<vmem>>
    %dma_start3A_12 = arith.constant 0 : i32
    %dma_start3A_13 = tpu.memref_slice %arg2[%add3A_4, %dma_start3A_12] : memref<8192x64xf32, #tpu.memory_space<hbm>> -> memref<64x64xf32, #tpu.memory_space<hbm>>
    tpu.enqueue_dma source(%dma_start3A_13 : memref<64x64xf32, #tpu.memory_space<hbm>>) target(%dma_start3A_11 : memref<64x64xf32, #tpu.memory_space<vmem>>) target_semaphore(%arg8 : memref<!tpu.dma_semaphore, #tpu.memory_space<semaphore_mem>>)
    %add3A_14 = arith.constant 64 : i32
    %add3A_15 = arith.addi %mul3A_2, %add3A_14 : i32
    %dma_start3A_16 = arith.constant 64 : i32
    %dma_start3A_17 = arith.constant 0 : i32
    %dma_start3A_18 = tpu.memref_slice %arg5[%dma_start3A_16, %dma_start3A_17] : memref<256x64xf32, #tpu.memory_space<vmem>> -> memref<64x64xf32, #tpu.memory_space<vmem>>
    %dma_start3A_19 = arith.constant 0 : i32
    %dma_start3A_20 = tpu.memref_slice %arg2[%add3A_15, %dma_start3A_19] : memref<8192x64xf32, #tpu.memory_space<hbm>> -> memref<64x64xf32, #tpu.memory_space<hbm>>
    %dma_start3A_21 = arith.constant 64 : i32
    %dma_start3A_22 = arith.constant 0 : i32
    %dma_start3A_23 = tpu.memref_slice %arg5[%dma_start3A_21, %dma_start3A_22] : memref<256x64xf32, #tpu.memory_space<vmem>> -> memref<64x64xf32, #tpu.memory_space<vmem>>
    %dma_start3A_24 = arith.constant 0 : i32
    %dma_start3A_25 = tpu.memref_slice %arg2[%add3A_15, %dma_start3A_24] : memref<8192x64xf32, #tpu.memory_space<hbm>> -> memref<64x64xf32, #tpu.memory_space<hbm>>
    tpu.enqueue_dma source(%dma_start3A_25 : memref<64x64xf32, #tpu.memory_space<hbm>>) target(%dma_start3A_23 : memref<64x64xf32, #tpu.memory_space<vmem>>) target_semaphore(%arg9 : memref<!tpu.dma_semaphore, #tpu.memory_space<semaphore_mem>>)
    %add3A_26 = arith.constant 128 : i32
    %add3A_27 = arith.addi %mul3A_2, %add3A_26 : i32
    %dma_start3A_28 = arith.constant 128 : i32
    %dma_start3A_29 = arith.constant 0 : i32
    %dma_start3A_30 = tpu.memref_slice %arg5[%dma_start3A_28, %dma_start3A_29] : memref<256x64xf32, #tpu.memory_space<vmem>> -> memref<64x64xf32, #tpu.memory_space<vmem>>
    %dma_start3A_31 = arith.constant 0 : i32
    %dma_start3A_32 = tpu.memref_slice %arg2[%add3A_27, %dma_start3A_31] : memref<8192x64xf32, #tpu.memory_space<hbm>> -> memref<64x64xf32, #tpu.memory_space<hbm>>
    %dma_start3A_33 = arith.constant 128 : i32
    %dma_start3A_34 = arith.constant 0 : i32
    %dma_start3A_35 = tpu.memref_slice %arg5[%dma_start3A_33, %dma_start3A_34] : memref<256x64xf32, #tpu.memory_space<vmem>> -> memref<64x64xf32, #tpu.memory_space<vmem>>
    %dma_start3A_36 = arith.constant 0 : i32
    %dma_start3A_37 = tpu.memref_slice %arg2[%add3A_27, %dma_start3A_36] : memref<8192x64xf32, #tpu.memory_space<hbm>> -> memref<64x64xf32, #tpu.memory_space<hbm>>
    tpu.enqueue_dma source(%dma_start3A_37 : memref<64x64xf32, #tpu.memory_space<hbm>>) target(%dma_start3A_35 : memref<64x64xf32, #tpu.memory_space<vmem>>) target_semaphore(%arg10 : memref<!tpu.dma_semaphore, #tpu.memory_space<semaphore_mem>>)
    %add3A_38 = arith.constant 192 : i32
    %add3A_39 = arith.addi %mul3A_2, %add3A_38 : i32
    %dma_start3A_40 = arith.constant 192 : i32
    %dma_start3A_41 = arith.constant 0 : i32
    %dma_start3A_42 = tpu.memref_slice %arg5[%dma_start3A_40, %dma_start3A_41] : memref<256x64xf32, #tpu.memory_space<vmem>> -> memref<64x64xf32, #tpu.memory_space<vmem>>
    %dma_start3A_43 = arith.constant 0 : i32
    %dma_start3A_44 = tpu.memref_slice %arg2[%add3A_39, %dma_start3A_43] : memref<8192x64xf32, #tpu.memory_space<hbm>> -> memref<64x64xf32, #tpu.memory_space<hbm>>
    %dma_start3A_45 = arith.constant 192 : i32
    %dma_start3A_46 = arith.constant 0 : i32
    %dma_start3A_47 = tpu.memref_slice %arg5[%dma_start3A_45, %dma_start3A_46] : memref<256x64xf32, #tpu.memory_space<vmem>> -> memref<64x64xf32, #tpu.memory_space<vmem>>
    %dma_start3A_48 = arith.constant 0 : i32
    %dma_start3A_49 = tpu.memref_slice %arg2[%add3A_39, %dma_start3A_48] : memref<8192x64xf32, #tpu.memory_space<hbm>> -> memref<64x64xf32, #tpu.memory_space<hbm>>
    tpu.enqueue_dma source(%dma_start3A_49 : memref<64x64xf32, #tpu.memory_space<hbm>>) target(%dma_start3A_47 : memref<64x64xf32, #tpu.memory_space<vmem>>) target_semaphore(%arg11 : memref<!tpu.dma_semaphore, #tpu.memory_space<semaphore_mem>>)
    %iota3A = tpu.iota {dimensions = array<i32: 0>} : vector<16xi32>
    %lt3A = arith.constant 8 : i32
    %lt3A_50 = vector.broadcast %lt3A : i32 to vector<16xi32>
    %lt3A_51 = arith.cmpi slt, %iota3A, %lt3A_50 : vector<16xi32>
    %dma_wait3A = arith.constant 0 : i32
    %dma_wait3A_52 = arith.constant 0 : i32
    %dma_wait3A_53 = tpu.memref_slice %arg5[%dma_wait3A, %dma_wait3A_52] : memref<256x64xf32, #tpu.memory_space<vmem>> -> memref<64x64xf32, #tpu.memory_space<vmem>>
    %dma_wait3A_54 = arith.constant 0 : i32
    %dma_wait3A_55 = tpu.memref_slice %arg2[%add3A_4, %dma_wait3A_54] : memref<8192x64xf32, #tpu.memory_space<hbm>> -> memref<64x64xf32, #tpu.memory_space<hbm>>
    %dma_wait3A_56 = arith.constant 0 : i32
    %dma_wait3A_57 = arith.constant 0 : i32
    %dma_wait3A_58 = tpu.memref_slice %arg5[%dma_wait3A_56, %dma_wait3A_57] : memref<256x64xf32, #tpu.memory_space<vmem>> -> memref<64x64xf32, #tpu.memory_space<vmem>>
    %dma_wait3A_59 = arith.constant 0 : i32
    %dma_wait3A_60 = tpu.memref_slice %arg2[%add3A_4, %dma_wait3A_59] : memref<8192x64xf32, #tpu.memory_space<hbm>> -> memref<64x64xf32, #tpu.memory_space<hbm>>
    tpu.wait_dma2 semaphore(%arg8 : memref<!tpu.dma_semaphore, #tpu.memory_space<semaphore_mem>>) src(%dma_wait3A_60 : memref<64x64xf32, #tpu.memory_space<hbm>>) dst(%dma_wait3A_58 : memref<64x64xf32, #tpu.memory_space<vmem>>)
    %parallel_loop3A = arith.constant 0 : i32
    %parallel_loop3A_61 = arith.constant 64 : i32
    %parallel_loop3A_62 = arith.constant 1 : i32
    scf.for %parallel_loop3A_278 = %parallel_loop3A to %parallel_loop3A_61 step %parallel_loop3A_62  : i32 {
      %parallel_loop3A_279 = arith.index_cast %parallel_loop3A_278 : i32 to index
      %parallel_loop3A_280 = arith.constant 0 : index
      %parallel_loop3A_281 = tpu.vector_load %arg5[%parallel_loop3A_279, %parallel_loop3A_280] {strides = array<i32>} : memref<256x64xf32, #tpu.memory_space<vmem>>, vector<16xf32>,
      %parallel_loop3A_282 = arith.constant 0 : i32
      %parallel_loop3A_283 = vector.broadcast %parallel_loop3A_282 : i32 to vector<16xi32>
      %parallel_loop3A_284 = arith.addi %iota3A, %parallel_loop3A_283 : vector<16xi32>
      %parallel_loop3A_285 = arith.constant dense<true> : vector<16xi1>
      %parallel_loop3A_286, %parallel_loop3A_287, %parallel_loop3A_288 = tpu.sort %parallel_loop3A_281, %parallel_loop3A_284 masked %parallel_loop3A_285 {descending = true} : (vector<16xf32>, vector<16xi32>, vector<16xi1>) -> (vector<16xi1>, vector<16xf32>, vector<16xi32>)
      %parallel_loop3A_289 = arith.index_cast %parallel_loop3A_278 : i32 to index
      %parallel_loop3A_290 = arith.constant 16 : index
      %parallel_loop3A_291 = tpu.vector_load %arg5[%parallel_loop3A_289, %parallel_loop3A_290] {strides = array<i32>} : memref<256x64xf32, #tpu.memory_space<vmem>>, vector<16xf32>,
      %parallel_loop3A_292 = arith.constant 16 : i32
      %parallel_loop3A_293 = vector.broadcast %parallel_loop3A_292 : i32 to vector<16xi32>
      %parallel_loop3A_294 = arith.addi %iota3A, %parallel_loop3A_293 : vector<16xi32>
      %parallel_loop3A_295 = arith.constant dense<true> : vector<16xi1>
      %parallel_loop3A_296, %parallel_loop3A_297, %parallel_loop3A_298 = tpu.sort %parallel_loop3A_291, %parallel_loop3A_294 masked %parallel_loop3A_295 {descending = true} : (vector<16xf32>, vector<16xi32>, vector<16xi1>) -> (vector<16xi1>, vector<16xf32>, vector<16xi32>)
      %parallel_loop3A_299 = arith.index_cast %parallel_loop3A_278 : i32 to index
      %parallel_loop3A_300 = arith.constant 32 : index
      %parallel_loop3A_301 = tpu.vector_load %arg5[%parallel_loop3A_299, %parallel_loop3A_300] {strides = array<i32>} : memref<256x64xf32, #tpu.memory_space<vmem>>, vector<16xf32>,
      %parallel_loop3A_302 = arith.constant 32 : i32
      %parallel_loop3A_303 = vector.broadcast %parallel_loop3A_302 : i32 to vector<16xi32>
      %parallel_loop3A_304 = arith.addi %iota3A, %parallel_loop3A_303 : vector<16xi32>
      %parallel_loop3A_305 = arith.constant dense<true> : vector<16xi1>
      %parallel_loop3A_306, %parallel_loop3A_307, %parallel_loop3A_308 = tpu.sort %parallel_loop3A_301, %parallel_loop3A_304 masked %parallel_loop3A_305 {descending = true} : (vector<16xf32>, vector<16xi32>, vector<16xi1>) -> (vector<16xi1>, vector<16xf32>, vector<16xi32>)
      %parallel_loop3A_309 = arith.index_cast %parallel_loop3A_278 : i32 to index
      %parallel_loop3A_310 = arith.constant 48 : index
      %parallel_loop3A_311 = tpu.vector_load %arg5[%parallel_loop3A_309, %parallel_loop3A_310] {strides = array<i32>} : memref<256x64xf32, #tpu.memory_space<vmem>>, vector<16xf32>,
      %parallel_loop3A_312 = arith.constant 48 : i32
      %parallel_loop3A_313 = vector.broadcast %parallel_loop3A_312 : i32 to vector<16xi32>
      %parallel_loop3A_314 = arith.addi %iota3A, %parallel_loop3A_313 : vector<16xi32>
      %parallel_loop3A_315 = arith.constant dense<true> : vector<16xi1>
      %parallel_loop3A_316, %parallel_loop3A_317, %parallel_loop3A_318 = tpu.sort %parallel_loop3A_311, %parallel_loop3A_314 masked %parallel_loop3A_315 {descending = true} : (vector<16xf32>, vector<16xi32>, vector<16xi1>) -> (vector<16xi1>, vector<16xf32>, vector<16xi32>)
      %parallel_loop3A_319 = tpu.iota {dimensions = array<i32: 0>} : vector<16xi32>
      %parallel_loop3A_320 = arith.constant 8 : i32
      %parallel_loop3A_321 = vector.broadcast %parallel_loop3A_320 : i32 to vector<16xi32>
      %parallel_loop3A_322 = arith.cmpi slt, %parallel_loop3A_319, %parallel_loop3A_321 : vector<16xi32>
      %parallel_loop3A_323 = arith.constant 15 : i32
      %parallel_loop3A_324 = vector.broadcast %parallel_loop3A_323 : i32 to vector<16xi32>
      %parallel_loop3A_325 = tpu.iota {dimensions = array<i32: 0>} : vector<16xi32>
      %parallel_loop3A_326 = arith.subi %parallel_loop3A_324, %parallel_loop3A_325 : vector<16xi32>
      %parallel_loop3A_327 = tpu.dynamic_gather %parallel_loop3A_297[%parallel_loop3A_326] in [0] : vector<16xf32>, vector<16xi32> -> vector<16xf32>
      %parallel_loop3A_328 = arith.select %parallel_loop3A_322, %parallel_loop3A_287, %parallel_loop3A_327 : vector<16xi1>, vector<16xf32>
      %parallel_loop3A_329 = arith.constant 15 : i32
      %parallel_loop3A_330 = vector.broadcast %parallel_loop3A_329 : i32 to vector<16xi32>
      %parallel_loop3A_331 = tpu.iota {dimensions = array<i32: 0>} : vector<16xi32>
      %parallel_loop3A_332 = arith.subi %parallel_loop3A_330, %parallel_loop3A_331 : vector<16xi32>
      %parallel_loop3A_333 = tpu.dynamic_gather %parallel_loop3A_298[%parallel_loop3A_332] in [0] : vector<16xi32>, vector<16xi32> -> vector<16xi32>
      %parallel_loop3A_334 = arith.select %parallel_loop3A_322, %parallel_loop3A_288, %parallel_loop3A_333 : vector<16xi1>, vector<16xi32>
      %parallel_loop3A_335 = arith.constant dense<true> : vector<16xi1>
      %parallel_loop3A_336, %parallel_loop3A_337, %parallel_loop3A_338 = tpu.sort %parallel_loop3A_328, %parallel_loop3A_334 masked %parallel_loop3A_335 {descending = true} : (vector<16xf32>, vector<16xi32>, vector<16xi1>) -> (vector<16xi1>, vector<16xf32>, vector<16xi32>)
      %parallel_loop3A_339 = tpu.iota {dimensions = array<i32: 0>} : vector<16xi32>
      %parallel_loop3A_340 = arith.constant 8 : i32
      %parallel_loop3A_341 = vector.broadcast %parallel_loop3A_340 : i32 to vector<16xi32>
      %parallel_loop3A_342 = arith.cmpi slt, %parallel_loop3A_339, %parallel_loop3A_341 : vector<16xi32>
      %parallel_loop3A_343 = arith.constant 15 : i32
      %parallel_loop3A_344 = vector.broadcast %parallel_loop3A_343 : i32 to vector<16xi32>
      %parallel_loop3A_345 = tpu.iota {dimensions = array<i32: 0>} : vector<16xi32>
      %parallel_loop3A_346 = arith.subi %parallel_loop3A_344, %parallel_loop3A_345 : vector<16xi32>
      %parallel_loop3A_347 = tpu.dynamic_gather %parallel_loop3A_317[%parallel_loop3A_346] in [0] : vector<16xf32>, vector<16xi32> -> vector<16xf32>
      %parallel_loop3A_348 = arith.select %parallel_loop3A_342, %parallel_loop3A_307, %parallel_loop3A_347 : vector<16xi1>, vector<16xf32>
      %parallel_loop3A_349 = arith.constant 15 : i32
      %parallel_loop3A_350 = vector.broadcast %parallel_loop3A_349 : i32 to vector<16xi32>
      %parallel_loop3A_351 = tpu.iota {dimensions = array<i32: 0>} : vector<16xi32>
      %parallel_loop3A_352 = arith.subi %parallel_loop3A_350, %parallel_loop3A_351 : vector<16xi32>
      %parallel_loop3A_353 = tpu.dynamic_gather %parallel_loop3A_318[%parallel_loop3A_352] in [0] : vector<16xi32>, vector<16xi32> -> vector<16xi32>
      %parallel_loop3A_354 = arith.select %parallel_loop3A_342, %parallel_loop3A_308, %parallel_loop3A_353 : vector<16xi1>, vector<16xi32>
      %parallel_loop3A_355 = arith.constant dense<true> : vector<16xi1>
      %parallel_loop3A_356, %parallel_loop3A_357, %parallel_loop3A_358 = tpu.sort %parallel_loop3A_348, %parallel_loop3A_354 masked %parallel_loop3A_355 {descending = true} : (vector<16xf32>, vector<16xi32>, vector<16xi1>) -> (vector<16xi1>, vector<16xf32>, vector<16xi32>)
      %parallel_loop3A_359 = tpu.iota {dimensions = array<i32: 0>} : vector<16xi32>
      %parallel_loop3A_360 = arith.constant 8 : i32
      %parallel_loop3A_361 = vector.broadcast %parallel_loop3A_360 : i32 to vector<16xi32>
      %parallel_loop3A_362 = arith.cmpi slt, %parallel_loop3A_359, %parallel_loop3A_361 : vector<16xi32>
      %parallel_loop3A_363 = arith.constant 15 : i32
      %parallel_loop3A_364 = vector.broadcast %parallel_loop3A_363 : i32 to vector<16xi32>
      %parallel_loop3A_365 = tpu.iota {dimensions = array<i32: 0>} : vector<16xi32>
      %parallel_loop3A_366 = arith.subi %parallel_loop3A_364, %parallel_loop3A_365 : vector<16xi32>
      %parallel_loop3A_367 = tpu.dynamic_gather %parallel_loop3A_357[%parallel_loop3A_366] in [0] : vector<16xf32>, vector<16xi32> -> vector<16xf32>
      %parallel_loop3A_368 = arith.select %parallel_loop3A_362, %parallel_loop3A_337, %parallel_loop3A_367 : vector<16xi1>, vector<16xf32>
      %parallel_loop3A_369 = arith.constant 15 : i32
      %parallel_loop3A_370 = vector.broadcast %parallel_loop3A_369 : i32 to vector<16xi32>
      %parallel_loop3A_371 = tpu.iota {dimensions = array<i32: 0>} : vector<16xi32>
      %parallel_loop3A_372 = arith.subi %parallel_loop3A_370, %parallel_loop3A_371 : vector<16xi32>
      %parallel_loop3A_373 = tpu.dynamic_gather %parallel_loop3A_358[%parallel_loop3A_372] in [0] : vector<16xi32>, vector<16xi32> -> vector<16xi32>
      %parallel_loop3A_374 = arith.select %parallel_loop3A_362, %parallel_loop3A_338, %parallel_loop3A_373 : vector<16xi1>, vector<16xi32>
      %parallel_loop3A_375 = arith.constant dense<true> : vector<16xi1>
      %parallel_loop3A_376, %parallel_loop3A_377, %parallel_loop3A_378 = tpu.sort %parallel_loop3A_368, %parallel_loop3A_374 masked %parallel_loop3A_375 {descending = true} : (vector<16xf32>, vector<16xi32>, vector<16xi1>) -> (vector<16xi1>, vector<16xf32>, vector<16xi32>)
      %parallel_loop3A_379 = arith.constant true
      %parallel_loop3A_380 = vector.broadcast %parallel_loop3A_379 : i1 to vector<16xi1>
      %parallel_loop3A_381 = tpu.scan <max>, %parallel_loop3A_377 masked %parallel_loop3A_380 : vector<16xf32>, vector<16xi1> -> vector<16xf32>
      %parallel_loop3A_382 = vector.extract %parallel_loop3A_381[15] : f32 from vector<16xf32>
      %parallel_loop3A_383 = vector.broadcast %parallel_loop3A_382 : f32 to vector<16xf32>
      %parallel_loop3A_384 = arith.subf %parallel_loop3A_377, %parallel_loop3A_383 : vector<16xf32>
      %parallel_loop3A_385 = math.exp %parallel_loop3A_384 : vector<16xf32>
      %parallel_loop3A_386 = arith.constant 0.000000e+00 : f32
      %parallel_loop3A_387 = vector.broadcast %parallel_loop3A_386 : f32 to vector<16xf32>
      %parallel_loop3A_388 = arith.select %lt3A_51, %parallel_loop3A_385, %parallel_loop3A_387 : vector<16xi1>, vector<16xf32>
      %parallel_loop3A_389 = arith.constant true
      %parallel_loop3A_390 = vector.broadcast %parallel_loop3A_389 : i1 to vector<16xi1>
      %parallel_loop3A_391 = tpu.scan <sum>, %parallel_loop3A_388 masked %parallel_loop3A_390 : vector<16xf32>, vector<16xi1> -> vector<16xf32>
      %parallel_loop3A_392 = vector.extract %parallel_loop3A_391[15] : f32 from vector<16xf32>
      %parallel_loop3A_393 = vector.broadcast %parallel_loop3A_392 : f32 to vector<16xf32>
      %parallel_loop3A_394 = arith.divf %parallel_loop3A_388, %parallel_loop3A_393 : vector<16xf32>
      %parallel_loop3A_395 = vector.broadcast %parallel_loop3A_278 : i32 to vector<16xi32>
      tpu.vector_store_idx %arg6[%parallel_loop3A_395, %iota3A], %parallel_loop3A_394 masked %lt3A_51 : memref<256x8xf32, #tpu.memory_space<vmem>>[vector<16xi32>, vector<16xi32>], vector<16xf32>, vector<16xi1>
      tpu.vector_store_idx %arg7[%parallel_loop3A_395, %iota3A], %parallel_loop3A_378 masked %lt3A_51 : memref<256x8xi32, #tpu.memory_space<vmem>>[vector<16xi32>, vector<16xi32>], vector<16xi32>, vector<16xi1>
    } {sc.loop_unroll_factor = 2 : i64, sc.parallel_access}
    %add3A_63 = arith.constant 0 : i32
    %add3A_64 = arith.addi %mul3A_2, %add3A_63 : i32
    %dma_start3A_65 = arith.constant 0 : i32
    %dma_start3A_66 = arith.constant 0 : i32
    %dma_start3A_67 = tpu.memref_slice %arg6[%dma_start3A_65, %dma_start3A_66] : memref<256x8xf32, #tpu.memory_space<vmem>> -> memref<64x8xf32, #tpu.memory_space<vmem>>
    %dma_start3A_68 = arith.constant 0 : i32
    %dma_start3A_69 = tpu.memref_slice %arg3[%add3A_64, %dma_start3A_68] : memref<8192x8xf32, #tpu.memory_space<hbm>> -> memref<64x8xf32, #tpu.memory_space<hbm>>
    %dma_start3A_70 = arith.constant 0 : i32
    %dma_start3A_71 = tpu.memref_slice %arg3[%add3A_64, %dma_start3A_70] : memref<8192x8xf32, #tpu.memory_space<hbm>> -> memref<64x8xf32, #tpu.memory_space<hbm>>
    %dma_start3A_72 = arith.constant 0 : i32
    %dma_start3A_73 = arith.constant 0 : i32
    %dma_start3A_74 = tpu.memref_slice %arg6[%dma_start3A_72, %dma_start3A_73] : memref<256x8xf32, #tpu.memory_space<vmem>> -> memref<64x8xf32, #tpu.memory_space<vmem>>
    tpu.enqueue_dma source(%dma_start3A_74 : memref<64x8xf32, #tpu.memory_space<vmem>>) target(%dma_start3A_71 : memref<64x8xf32, #tpu.memory_space<hbm>>) target_semaphore(%arg12 : memref<!tpu.dma_semaphore, #tpu.memory_space<semaphore_mem>>)
    %add3A_75 = arith.constant 0 : i32
    %add3A_76 = arith.addi %mul3A_2, %add3A_75 : i32
    %dma_start3A_77 = arith.constant 0 : i32
    %dma_start3A_78 = arith.constant 0 : i32
    %dma_start3A_79 = tpu.memref_slice %arg7[%dma_start3A_77, %dma_start3A_78] : memref<256x8xi32, #tpu.memory_space<vmem>> -> memref<64x8xi32, #tpu.memory_space<vmem>>
    %dma_start3A_80 = arith.constant 0 : i32
    %dma_start3A_81 = tpu.memref_slice %arg4[%add3A_76, %dma_start3A_80] : memref<8192x8xi32, #tpu.memory_space<hbm>> -> memref<64x8xi32, #tpu.memory_space<hbm>>
    %dma_start3A_82 = arith.constant 0 : i32
    %dma_start3A_83 = tpu.memref_slice %arg4[%add3A_76, %dma_start3A_82] : memref<8192x8xi32, #tpu.memory_space<hbm>> -> memref<64x8xi32, #tpu.memory_space<hbm>>
    %dma_start3A_84 = arith.constant 0 : i32
    %dma_start3A_85 = arith.constant 0 : i32
    %dma_start3A_86 = tpu.memref_slice %arg7[%dma_start3A_84, %dma_start3A_85] : memref<256x8xi32, #tpu.memory_space<vmem>> -> memref<64x8xi32, #tpu.memory_space<vmem>>
    tpu.enqueue_dma source(%dma_start3A_86 : memref<64x8xi32, #tpu.memory_space<vmem>>) target(%dma_start3A_83 : memref<64x8xi32, #tpu.memory_space<hbm>>) target_semaphore(%arg12 : memref<!tpu.dma_semaphore, #tpu.memory_space<semaphore_mem>>)
    %dma_wait3A_87 = arith.constant 64 : i32
    %dma_wait3A_88 = arith.constant 0 : i32
    %dma_wait3A_89 = tpu.memref_slice %arg5[%dma_wait3A_87, %dma_wait3A_88] : memref<256x64xf32, #tpu.memory_space<vmem>> -> memref<64x64xf32, #tpu.memory_space<vmem>>
    %dma_wait3A_90 = arith.constant 0 : i32
    %dma_wait3A_91 = tpu.memref_slice %arg2[%add3A_15, %dma_wait3A_90] : memref<8192x64xf32, #tpu.memory_space<hbm>> -> memref<64x64xf32, #tpu.memory_space<hbm>>
    %dma_wait3A_92 = arith.constant 64 : i32
    %dma_wait3A_93 = arith.constant 0 : i32
    %dma_wait3A_94 = tpu.memref_slice %arg5[%dma_wait3A_92, %dma_wait3A_93] : memref<256x64xf32, #tpu.memory_space<vmem>> -> memref<64x64xf32, #tpu.memory_space<vmem>>
    %dma_wait3A_95 = arith.constant 0 : i32
    %dma_wait3A_96 = tpu.memref_slice %arg2[%add3A_15, %dma_wait3A_95] : memref<8192x64xf32, #tpu.memory_space<hbm>> -> memref<64x64xf32, #tpu.memory_space<hbm>>
    tpu.wait_dma2 semaphore(%arg9 : memref<!tpu.dma_semaphore, #tpu.memory_space<semaphore_mem>>) src(%dma_wait3A_96 : memref<64x64xf32, #tpu.memory_space<hbm>>) dst(%dma_wait3A_94 : memref<64x64xf32, #tpu.memory_space<vmem>>)
    %parallel_loop3A_97 = arith.constant 64 : i32
    %parallel_loop3A_98 = arith.constant 128 : i32
    %parallel_loop3A_99 = arith.constant 1 : i32
    scf.for %parallel_loop3A_278 = %parallel_loop3A_97 to %parallel_loop3A_98 step %parallel_loop3A_99  : i32 {
      %parallel_loop3A_279 = arith.index_cast %parallel_loop3A_278 : i32 to index
      %parallel_loop3A_280 = arith.constant 0 : index
      %parallel_loop3A_281 = tpu.vector_load %arg5[%parallel_loop3A_279, %parallel_loop3A_280] {strides = array<i32>} : memref<256x64xf32, #tpu.memory_space<vmem>>, vector<16xf32>,
      %parallel_loop3A_282 = arith.constant 0 : i32
      %parallel_loop3A_283 = vector.broadcast %parallel_loop3A_282 : i32 to vector<16xi32>
      %parallel_loop3A_284 = arith.addi %iota3A, %parallel_loop3A_283 : vector<16xi32>
      %parallel_loop3A_285 = arith.constant dense<true> : vector<16xi1>
      %parallel_loop3A_286, %parallel_loop3A_287, %parallel_loop3A_288 = tpu.sort %parallel_loop3A_281, %parallel_loop3A_284 masked %parallel_loop3A_285 {descending = true} : (vector<16xf32>, vector<16xi32>, vector<16xi1>) -> (vector<16xi1>, vector<16xf32>, vector<16xi32>)
      %parallel_loop3A_289 = arith.index_cast %parallel_loop3A_278 : i32 to index
      %parallel_loop3A_290 = arith.constant 16 : index
      %parallel_loop3A_291 = tpu.vector_load %arg5[%parallel_loop3A_289, %parallel_loop3A_290] {strides = array<i32>} : memref<256x64xf32, #tpu.memory_space<vmem>>, vector<16xf32>,
      %parallel_loop3A_292 = arith.constant 16 : i32
      %parallel_loop3A_293 = vector.broadcast %parallel_loop3A_292 : i32 to vector<16xi32>
      %parallel_loop3A_294 = arith.addi %iota3A, %parallel_loop3A_293 : vector<16xi32>
      %parallel_loop3A_295 = arith.constant dense<true> : vector<16xi1>
      %parallel_loop3A_296, %parallel_loop3A_297, %parallel_loop3A_298 = tpu.sort %parallel_loop3A_291, %parallel_loop3A_294 masked %parallel_loop3A_295 {descending = true} : (vector<16xf32>, vector<16xi32>, vector<16xi1>) -> (vector<16xi1>, vector<16xf32>, vector<16xi32>)
      %parallel_loop3A_299 = arith.index_cast %parallel_loop3A_278 : i32 to index
      %parallel_loop3A_300 = arith.constant 32 : index
      %parallel_loop3A_301 = tpu.vector_load %arg5[%parallel_loop3A_299, %parallel_loop3A_300] {strides = array<i32>} : memref<256x64xf32, #tpu.memory_space<vmem>>, vector<16xf32>,
      %parallel_loop3A_302 = arith.constant 32 : i32
      %parallel_loop3A_303 = vector.broadcast %parallel_loop3A_302 : i32 to vector<16xi32>
      %parallel_loop3A_304 = arith.addi %iota3A, %parallel_loop3A_303 : vector<16xi32>
      %parallel_loop3A_305 = arith.constant dense<true> : vector<16xi1>
      %parallel_loop3A_306, %parallel_loop3A_307, %parallel_loop3A_308 = tpu.sort %parallel_loop3A_301, %parallel_loop3A_304 masked %parallel_loop3A_305 {descending = true} : (vector<16xf32>, vector<16xi32>, vector<16xi1>) -> (vector<16xi1>, vector<16xf32>, vector<16xi32>)
      %parallel_loop3A_309 = arith.index_cast %parallel_loop3A_278 : i32 to index
      %parallel_loop3A_310 = arith.constant 48 : index
      %parallel_loop3A_311 = tpu.vector_load %arg5[%parallel_loop3A_309, %parallel_loop3A_310] {strides = array<i32>} : memref<256x64xf32, #tpu.memory_space<vmem>>, vector<16xf32>,
      %parallel_loop3A_312 = arith.constant 48 : i32
      %parallel_loop3A_313 = vector.broadcast %parallel_loop3A_312 : i32 to vector<16xi32>
      %parallel_loop3A_314 = arith.addi %iota3A, %parallel_loop3A_313 : vector<16xi32>
      %parallel_loop3A_315 = arith.constant dense<true> : vector<16xi1>
      %parallel_loop3A_316, %parallel_loop3A_317, %parallel_loop3A_318 = tpu.sort %parallel_loop3A_311, %parallel_loop3A_314 masked %parallel_loop3A_315 {descending = true} : (vector<16xf32>, vector<16xi32>, vector<16xi1>) -> (vector<16xi1>, vector<16xf32>, vector<16xi32>)
      %parallel_loop3A_319 = tpu.iota {dimensions = array<i32: 0>} : vector<16xi32>
      %parallel_loop3A_320 = arith.constant 8 : i32
      %parallel_loop3A_321 = vector.broadcast %parallel_loop3A_320 : i32 to vector<16xi32>
      %parallel_loop3A_322 = arith.cmpi slt, %parallel_loop3A_319, %parallel_loop3A_321 : vector<16xi32>
      %parallel_loop3A_323 = arith.constant 15 : i32
      %parallel_loop3A_324 = vector.broadcast %parallel_loop3A_323 : i32 to vector<16xi32>
      %parallel_loop3A_325 = tpu.iota {dimensions = array<i32: 0>} : vector<16xi32>
      %parallel_loop3A_326 = arith.subi %parallel_loop3A_324, %parallel_loop3A_325 : vector<16xi32>
      %parallel_loop3A_327 = tpu.dynamic_gather %parallel_loop3A_297[%parallel_loop3A_326] in [0] : vector<16xf32>, vector<16xi32> -> vector<16xf32>
      %parallel_loop3A_328 = arith.select %parallel_loop3A_322, %parallel_loop3A_287, %parallel_loop3A_327 : vector<16xi1>, vector<16xf32>
      %parallel_loop3A_329 = arith.constant 15 : i32
      %parallel_loop3A_330 = vector.broadcast %parallel_loop3A_329 : i32 to vector<16xi32>
      %parallel_loop3A_331 = tpu.iota {dimensions = array<i32: 0>} : vector<16xi32>
      %parallel_loop3A_332 = arith.subi %parallel_loop3A_330, %parallel_loop3A_331 : vector<16xi32>
      %parallel_loop3A_333 = tpu.dynamic_gather %parallel_loop3A_298[%parallel_loop3A_332] in [0] : vector<16xi32>, vector<16xi32> -> vector<16xi32>
      %parallel_loop3A_334 = arith.select %parallel_loop3A_322, %parallel_loop3A_288, %parallel_loop3A_333 : vector<16xi1>, vector<16xi32>
      %parallel_loop3A_335 = arith.constant dense<true> : vector<16xi1>
      %parallel_loop3A_336, %parallel_loop3A_337, %parallel_loop3A_338 = tpu.sort %parallel_loop3A_328, %parallel_loop3A_334 masked %parallel_loop3A_335 {descending = true} : (vector<16xf32>, vector<16xi32>, vector<16xi1>) -> (vector<16xi1>, vector<16xf32>, vector<16xi32>)
      %parallel_loop3A_339 = tpu.iota {dimensions = array<i32: 0>} : vector<16xi32>
      %parallel_loop3A_340 = arith.constant 8 : i32
      %parallel_loop3A_341 = vector.broadcast %parallel_loop3A_340 : i32 to vector<16xi32>
      %parallel_loop3A_342 = arith.cmpi slt, %parallel_loop3A_339, %parallel_loop3A_341 : vector<16xi32>
      %parallel_loop3A_343 = arith.constant 15 : i32
      %parallel_loop3A_344 = vector.broadcast %parallel_loop3A_343 : i32 to vector<16xi32>
      %parallel_loop3A_345 = tpu.iota {dimensions = array<i32: 0>} : vector<16xi32>
      %parallel_loop3A_346 = arith.subi %parallel_loop3A_344, %parallel_loop3A_345 : vector<16xi32>
      %parallel_loop3A_347 = tpu.dynamic_gather %parallel_loop3A_317[%parallel_loop3A_346] in [0] : vector<16xf32>, vector<16xi32> -> vector<16xf32>
      %parallel_loop3A_348 = arith.select %parallel_loop3A_342, %parallel_loop3A_307, %parallel_loop3A_347 : vector<16xi1>, vector<16xf32>
      %parallel_loop3A_349 = arith.constant 15 : i32
      %parallel_loop3A_350 = vector.broadcast %parallel_loop3A_349 : i32 to vector<16xi32>
      %parallel_loop3A_351 = tpu.iota {dimensions = array<i32: 0>} : vector<16xi32>
      %parallel_loop3A_352 = arith.subi %parallel_loop3A_350, %parallel_loop3A_351 : vector<16xi32>
      %parallel_loop3A_353 = tpu.dynamic_gather %parallel_loop3A_318[%parallel_loop3A_352] in [0] : vector<16xi32>, vector<16xi32> -> vector<16xi32>
      %parallel_loop3A_354 = arith.select %parallel_loop3A_342, %parallel_loop3A_308, %parallel_loop3A_353 : vector<16xi1>, vector<16xi32>
      %parallel_loop3A_355 = arith.constant dense<true> : vector<16xi1>
      %parallel_loop3A_356, %parallel_loop3A_357, %parallel_loop3A_358 = tpu.sort %parallel_loop3A_348, %parallel_loop3A_354 masked %parallel_loop3A_355 {descending = true} : (vector<16xf32>, vector<16xi32>, vector<16xi1>) -> (vector<16xi1>, vector<16xf32>, vector<16xi32>)
      %parallel_loop3A_359 = tpu.iota {dimensions = array<i32: 0>} : vector<16xi32>
      %parallel_loop3A_360 = arith.constant 8 : i32
      %parallel_loop3A_361 = vector.broadcast %parallel_loop3A_360 : i32 to vector<16xi32>
      %parallel_loop3A_362 = arith.cmpi slt, %parallel_loop3A_359, %parallel_loop3A_361 : vector<16xi32>
      %parallel_loop3A_363 = arith.constant 15 : i32
      %parallel_loop3A_364 = vector.broadcast %parallel_loop3A_363 : i32 to vector<16xi32>
      %parallel_loop3A_365 = tpu.iota {dimensions = array<i32: 0>} : vector<16xi32>
      %parallel_loop3A_366 = arith.subi %parallel_loop3A_364, %parallel_loop3A_365 : vector<16xi32>
      %parallel_loop3A_367 = tpu.dynamic_gather %parallel_loop3A_357[%parallel_loop3A_366] in [0] : vector<16xf32>, vector<16xi32> -> vector<16xf32>
      %parallel_loop3A_368 = arith.select %parallel_loop3A_362, %parallel_loop3A_337, %parallel_loop3A_367 : vector<16xi1>, vector<16xf32>
      %parallel_loop3A_369 = arith.constant 15 : i32
      %parallel_loop3A_370 = vector.broadcast %parallel_loop3A_369 : i32 to vector<16xi32>
      %parallel_loop3A_371 = tpu.iota {dimensions = array<i32: 0>} : vector<16xi32>
      %parallel_loop3A_372 = arith.subi %parallel_loop3A_370, %parallel_loop3A_371 : vector<16xi32>
      %parallel_loop3A_373 = tpu.dynamic_gather %parallel_loop3A_358[%parallel_loop3A_372] in [0] : vector<16xi32>, vector<16xi32> -> vector<16xi32>
      %parallel_loop3A_374 = arith.select %parallel_loop3A_362, %parallel_loop3A_338, %parallel_loop3A_373 : vector<16xi1>, vector<16xi32>
      %parallel_loop3A_375 = arith.constant dense<true> : vector<16xi1>
      %parallel_loop3A_376, %parallel_loop3A_377, %parallel_loop3A_378 = tpu.sort %parallel_loop3A_368, %parallel_loop3A_374 masked %parallel_loop3A_375 {descending = true} : (vector<16xf32>, vector<16xi32>, vector<16xi1>) -> (vector<16xi1>, vector<16xf32>, vector<16xi32>)
      %parallel_loop3A_379 = arith.constant true
      %parallel_loop3A_380 = vector.broadcast %parallel_loop3A_379 : i1 to vector<16xi1>
      %parallel_loop3A_381 = tpu.scan <max>, %parallel_loop3A_377 masked %parallel_loop3A_380 : vector<16xf32>, vector<16xi1> -> vector<16xf32>
      %parallel_loop3A_382 = vector.extract %parallel_loop3A_381[15] : f32 from vector<16xf32>
      %parallel_loop3A_383 = vector.broadcast %parallel_loop3A_382 : f32 to vector<16xf32>
      %parallel_loop3A_384 = arith.subf %parallel_loop3A_377, %parallel_loop3A_383 : vector<16xf32>
      %parallel_loop3A_385 = math.exp %parallel_loop3A_384 : vector<16xf32>
      %parallel_loop3A_386 = arith.constant 0.000000e+00 : f32
      %parallel_loop3A_387 = vector.broadcast %parallel_loop3A_386 : f32 to vector<16xf32>
      %parallel_loop3A_388 = arith.select %lt3A_51, %parallel_loop3A_385, %parallel_loop3A_387 : vector<16xi1>, vector<16xf32>
      %parallel_loop3A_389 = arith.constant true
      %parallel_loop3A_390 = vector.broadcast %parallel_loop3A_389 : i1 to vector<16xi1>
      %parallel_loop3A_391 = tpu.scan <sum>, %parallel_loop3A_388 masked %parallel_loop3A_390 : vector<16xf32>, vector<16xi1> -> vector<16xf32>
      %parallel_loop3A_392 = vector.extract %parallel_loop3A_391[15] : f32 from vector<16xf32>
      %parallel_loop3A_393 = vector.broadcast %parallel_loop3A_392 : f32 to vector<16xf32>
      %parallel_loop3A_394 = arith.divf %parallel_loop3A_388, %parallel_loop3A_393 : vector<16xf32>
      %parallel_loop3A_395 = vector.broadcast %parallel_loop3A_278 : i32 to vector<16xi32>
      tpu.vector_store_idx %arg6[%parallel_loop3A_395, %iota3A], %parallel_loop3A_394 masked %lt3A_51 : memref<256x8xf32, #tpu.memory_space<vmem>>[vector<16xi32>, vector<16xi32>], vector<16xf32>, vector<16xi1>
      tpu.vector_store_idx %arg7[%parallel_loop3A_395, %iota3A], %parallel_loop3A_378 masked %lt3A_51 : memref<256x8xi32, #tpu.memory_space<vmem>>[vector<16xi32>, vector<16xi32>], vector<16xi32>, vector<16xi1>
    } {sc.loop_unroll_factor = 2 : i64, sc.parallel_access}
    %add3A_100 = arith.constant 64 : i32
    %add3A_101 = arith.addi %mul3A_2, %add3A_100 : i32
    %dma_start3A_102 = arith.constant 64 : i32
    %dma_start3A_103 = arith.constant 0 : i32
    %dma_start3A_104 = tpu.memref_slice %arg6[%dma_start3A_102, %dma_start3A_103] : memref<256x8xf32, #tpu.memory_space<vmem>> -> memref<64x8xf32, #tpu.memory_space<vmem>>
    %dma_start3A_105 = arith.constant 0 : i32
    %dma_start3A_106 = tpu.memref_slice %arg3[%add3A_101, %dma_start3A_105] : memref<8192x8xf32, #tpu.memory_space<hbm>> -> memref<64x8xf32, #tpu.memory_space<hbm>>
    %dma_start3A_107 = arith.constant 0 : i32
    %dma_start3A_108 = tpu.memref_slice %arg3[%add3A_101, %dma_start3A_107] : memref<8192x8xf32, #tpu.memory_space<hbm>> -> memref<64x8xf32, #tpu.memory_space<hbm>>
    %dma_start3A_109 = arith.constant 64 : i32
    %dma_start3A_110 = arith.constant 0 : i32
    %dma_start3A_111 = tpu.memref_slice %arg6[%dma_start3A_109, %dma_start3A_110] : memref<256x8xf32, #tpu.memory_space<vmem>> -> memref<64x8xf32, #tpu.memory_space<vmem>>
    tpu.enqueue_dma source(%dma_start3A_111 : memref<64x8xf32, #tpu.memory_space<vmem>>) target(%dma_start3A_108 : memref<64x8xf32, #tpu.memory_space<hbm>>) target_semaphore(%arg12 : memref<!tpu.dma_semaphore, #tpu.memory_space<semaphore_mem>>)
    %add3A_112 = arith.constant 64 : i32
    %add3A_113 = arith.addi %mul3A_2, %add3A_112 : i32
    %dma_start3A_114 = arith.constant 64 : i32
    %dma_start3A_115 = arith.constant 0 : i32
    %dma_start3A_116 = tpu.memref_slice %arg7[%dma_start3A_114, %dma_start3A_115] : memref<256x8xi32, #tpu.memory_space<vmem>> -> memref<64x8xi32, #tpu.memory_space<vmem>>
    %dma_start3A_117 = arith.constant 0 : i32
    %dma_start3A_118 = tpu.memref_slice %arg4[%add3A_113, %dma_start3A_117] : memref<8192x8xi32, #tpu.memory_space<hbm>> -> memref<64x8xi32, #tpu.memory_space<hbm>>
    %dma_start3A_119 = arith.constant 0 : i32
    %dma_start3A_120 = tpu.memref_slice %arg4[%add3A_113, %dma_start3A_119] : memref<8192x8xi32, #tpu.memory_space<hbm>> -> memref<64x8xi32, #tpu.memory_space<hbm>>
    %dma_start3A_121 = arith.constant 64 : i32
    %dma_start3A_122 = arith.constant 0 : i32
    %dma_start3A_123 = tpu.memref_slice %arg7[%dma_start3A_121, %dma_start3A_122] : memref<256x8xi32, #tpu.memory_space<vmem>> -> memref<64x8xi32, #tpu.memory_space<vmem>>
    tpu.enqueue_dma source(%dma_start3A_123 : memref<64x8xi32, #tpu.memory_space<vmem>>) target(%dma_start3A_120 : memref<64x8xi32, #tpu.memory_space<hbm>>) target_semaphore(%arg12 : memref<!tpu.dma_semaphore, #tpu.memory_space<semaphore_mem>>)
    %dma_wait3A_124 = arith.constant 128 : i32
    %dma_wait3A_125 = arith.constant 0 : i32
    %dma_wait3A_126 = tpu.memref_slice %arg5[%dma_wait3A_124, %dma_wait3A_125] : memref<256x64xf32, #tpu.memory_space<vmem>> -> memref<64x64xf32, #tpu.memory_space<vmem>>
    %dma_wait3A_127 = arith.constant 0 : i32
    %dma_wait3A_128 = tpu.memref_slice %arg2[%add3A_27, %dma_wait3A_127] : memref<8192x64xf32, #tpu.memory_space<hbm>> -> memref<64x64xf32, #tpu.memory_space<hbm>>
    %dma_wait3A_129 = arith.constant 128 : i32
    %dma_wait3A_130 = arith.constant 0 : i32
    %dma_wait3A_131 = tpu.memref_slice %arg5[%dma_wait3A_129, %dma_wait3A_130] : memref<256x64xf32, #tpu.memory_space<vmem>> -> memref<64x64xf32, #tpu.memory_space<vmem>>
    %dma_wait3A_132 = arith.constant 0 : i32
    %dma_wait3A_133 = tpu.memref_slice %arg2[%add3A_27, %dma_wait3A_132] : memref<8192x64xf32, #tpu.memory_space<hbm>> -> memref<64x64xf32, #tpu.memory_space<hbm>>
    tpu.wait_dma2 semaphore(%arg10 : memref<!tpu.dma_semaphore, #tpu.memory_space<semaphore_mem>>) src(%dma_wait3A_133 : memref<64x64xf32, #tpu.memory_space<hbm>>) dst(%dma_wait3A_131 : memref<64x64xf32, #tpu.memory_space<vmem>>)
    %parallel_loop3A_134 = arith.constant 128 : i32
    %parallel_loop3A_135 = arith.constant 192 : i32
    %parallel_loop3A_136 = arith.constant 1 : i32
    scf.for %parallel_loop3A_278 = %parallel_loop3A_134 to %parallel_loop3A_135 step %parallel_loop3A_136  : i32 {
      %parallel_loop3A_279 = arith.index_cast %parallel_loop3A_278 : i32 to index
      %parallel_loop3A_280 = arith.constant 0 : index
      %parallel_loop3A_281 = tpu.vector_load %arg5[%parallel_loop3A_279, %parallel_loop3A_280] {strides = array<i32>} : memref<256x64xf32, #tpu.memory_space<vmem>>, vector<16xf32>,
      %parallel_loop3A_282 = arith.constant 0 : i32
      %parallel_loop3A_283 = vector.broadcast %parallel_loop3A_282 : i32 to vector<16xi32>
      %parallel_loop3A_284 = arith.addi %iota3A, %parallel_loop3A_283 : vector<16xi32>
      %parallel_loop3A_285 = arith.constant dense<true> : vector<16xi1>
      %parallel_loop3A_286, %parallel_loop3A_287, %parallel_loop3A_288 = tpu.sort %parallel_loop3A_281, %parallel_loop3A_284 masked %parallel_loop3A_285 {descending = true} : (vector<16xf32>, vector<16xi32>, vector<16xi1>) -> (vector<16xi1>, vector<16xf32>, vector<16xi32>)
      %parallel_loop3A_289 = arith.index_cast %parallel_loop3A_278 : i32 to index
      %parallel_loop3A_290 = arith.constant 16 : index
      %parallel_loop3A_291 = tpu.vector_load %arg5[%parallel_loop3A_289, %parallel_loop3A_290] {strides = array<i32>} : memref<256x64xf32, #tpu.memory_space<vmem>>, vector<16xf32>,
      %parallel_loop3A_292 = arith.constant 16 : i32
      %parallel_loop3A_293 = vector.broadcast %parallel_loop3A_292 : i32 to vector<16xi32>
      %parallel_loop3A_294 = arith.addi %iota3A, %parallel_loop3A_293 : vector<16xi32>
      %parallel_loop3A_295 = arith.constant dense<true> : vector<16xi1>
      %parallel_loop3A_296, %parallel_loop3A_297, %parallel_loop3A_298 = tpu.sort %parallel_loop3A_291, %parallel_loop3A_294 masked %parallel_loop3A_295 {descending = true} : (vector<16xf32>, vector<16xi32>, vector<16xi1>) -> (vector<16xi1>, vector<16xf32>, vector<16xi32>)
      %parallel_loop3A_299 = arith.index_cast %parallel_loop3A_278 : i32 to index
      %parallel_loop3A_300 = arith.constant 32 : index
      %parallel_loop3A_301 = tpu.vector_load %arg5[%parallel_loop3A_299, %parallel_loop3A_300] {strides = array<i32>} : memref<256x64xf32, #tpu.memory_space<vmem>>, vector<16xf32>,
      %parallel_loop3A_302 = arith.constant 32 : i32
      %parallel_loop3A_303 = vector.broadcast %parallel_loop3A_302 : i32 to vector<16xi32>
      %parallel_loop3A_304 = arith.addi %iota3A, %parallel_loop3A_303 : vector<16xi32>
      %parallel_loop3A_305 = arith.constant dense<true> : vector<16xi1>
      %parallel_loop3A_306, %parallel_loop3A_307, %parallel_loop3A_308 = tpu.sort %parallel_loop3A_301, %parallel_loop3A_304 masked %parallel_loop3A_305 {descending = true} : (vector<16xf32>, vector<16xi32>, vector<16xi1>) -> (vector<16xi1>, vector<16xf32>, vector<16xi32>)
      %parallel_loop3A_309 = arith.index_cast %parallel_loop3A_278 : i32 to index
      %parallel_loop3A_310 = arith.constant 48 : index
      %parallel_loop3A_311 = tpu.vector_load %arg5[%parallel_loop3A_309, %parallel_loop3A_310] {strides = array<i32>} : memref<256x64xf32, #tpu.memory_space<vmem>>, vector<16xf32>,
      %parallel_loop3A_312 = arith.constant 48 : i32
      %parallel_loop3A_313 = vector.broadcast %parallel_loop3A_312 : i32 to vector<16xi32>
      %parallel_loop3A_314 = arith.addi %iota3A, %parallel_loop3A_313 : vector<16xi32>
      %parallel_loop3A_315 = arith.constant dense<true> : vector<16xi1>
      %parallel_loop3A_316, %parallel_loop3A_317, %parallel_loop3A_318 = tpu.sort %parallel_loop3A_311, %parallel_loop3A_314 masked %parallel_loop3A_315 {descending = true} : (vector<16xf32>, vector<16xi32>, vector<16xi1>) -> (vector<16xi1>, vector<16xf32>, vector<16xi32>)
      %parallel_loop3A_319 = tpu.iota {dimensions = array<i32: 0>} : vector<16xi32>
      %parallel_loop3A_320 = arith.constant 8 : i32
      %parallel_loop3A_321 = vector.broadcast %parallel_loop3A_320 : i32 to vector<16xi32>
      %parallel_loop3A_322 = arith.cmpi slt, %parallel_loop3A_319, %parallel_loop3A_321 : vector<16xi32>
      %parallel_loop3A_323 = arith.constant 15 : i32
      %parallel_loop3A_324 = vector.broadcast %parallel_loop3A_323 : i32 to vector<16xi32>
      %parallel_loop3A_325 = tpu.iota {dimensions = array<i32: 0>} : vector<16xi32>
      %parallel_loop3A_326 = arith.subi %parallel_loop3A_324, %parallel_loop3A_325 : vector<16xi32>
      %parallel_loop3A_327 = tpu.dynamic_gather %parallel_loop3A_297[%parallel_loop3A_326] in [0] : vector<16xf32>, vector<16xi32> -> vector<16xf32>
      %parallel_loop3A_328 = arith.select %parallel_loop3A_322, %parallel_loop3A_287, %parallel_loop3A_327 : vector<16xi1>, vector<16xf32>
      %parallel_loop3A_329 = arith.constant 15 : i32
      %parallel_loop3A_330 = vector.broadcast %parallel_loop3A_329 : i32 to vector<16xi32>
      %parallel_loop3A_331 = tpu.iota {dimensions = array<i32: 0>} : vector<16xi32>
      %parallel_loop3A_332 = arith.subi %parallel_loop3A_330, %parallel_loop3A_331 : vector<16xi32>
      %parallel_loop3A_333 = tpu.dynamic_gather %parallel_loop3A_298[%parallel_loop3A_332] in [0] : vector<16xi32>, vector<16xi32> -> vector<16xi32>
      %parallel_loop3A_334 = arith.select %parallel_loop3A_322, %parallel_loop3A_288, %parallel_loop3A_333 : vector<16xi1>, vector<16xi32>
      %parallel_loop3A_335 = arith.constant dense<true> : vector<16xi1>
      %parallel_loop3A_336, %parallel_loop3A_337, %parallel_loop3A_338 = tpu.sort %parallel_loop3A_328, %parallel_loop3A_334 masked %parallel_loop3A_335 {descending = true} : (vector<16xf32>, vector<16xi32>, vector<16xi1>) -> (vector<16xi1>, vector<16xf32>, vector<16xi32>)
      %parallel_loop3A_339 = tpu.iota {dimensions = array<i32: 0>} : vector<16xi32>
      %parallel_loop3A_340 = arith.constant 8 : i32
      %parallel_loop3A_341 = vector.broadcast %parallel_loop3A_340 : i32 to vector<16xi32>
      %parallel_loop3A_342 = arith.cmpi slt, %parallel_loop3A_339, %parallel_loop3A_341 : vector<16xi32>
      %parallel_loop3A_343 = arith.constant 15 : i32
      %parallel_loop3A_344 = vector.broadcast %parallel_loop3A_343 : i32 to vector<16xi32>
      %parallel_loop3A_345 = tpu.iota {dimensions = array<i32: 0>} : vector<16xi32>
      %parallel_loop3A_346 = arith.subi %parallel_loop3A_344, %parallel_loop3A_345 : vector<16xi32>
      %parallel_loop3A_347 = tpu.dynamic_gather %parallel_loop3A_317[%parallel_loop3A_346] in [0] : vector<16xf32>, vector<16xi32> -> vector<16xf32>
      %parallel_loop3A_348 = arith.select %parallel_loop3A_342, %parallel_loop3A_307, %parallel_loop3A_347 : vector<16xi1>, vector<16xf32>
      %parallel_loop3A_349 = arith.constant 15 : i32
      %parallel_loop3A_350 = vector.broadcast %parallel_loop3A_349 : i32 to vector<16xi32>
      %parallel_loop3A_351 = tpu.iota {dimensions = array<i32: 0>} : vector<16xi32>
      %parallel_loop3A_352 = arith.subi %parallel_loop3A_350, %parallel_loop3A_351 : vector<16xi32>
      %parallel_loop3A_353 = tpu.dynamic_gather %parallel_loop3A_318[%parallel_loop3A_352] in [0] : vector<16xi32>, vector<16xi32> -> vector<16xi32>
      %parallel_loop3A_354 = arith.select %parallel_loop3A_342, %parallel_loop3A_308, %parallel_loop3A_353 : vector<16xi1>, vector<16xi32>
      %parallel_loop3A_355 = arith.constant dense<true> : vector<16xi1>
      %parallel_loop3A_356, %parallel_loop3A_357, %parallel_loop3A_358 = tpu.sort %parallel_loop3A_348, %parallel_loop3A_354 masked %parallel_loop3A_355 {descending = true} : (vector<16xf32>, vector<16xi32>, vector<16xi1>) -> (vector<16xi1>, vector<16xf32>, vector<16xi32>)
      %parallel_loop3A_359 = tpu.iota {dimensions = array<i32: 0>} : vector<16xi32>
      %parallel_loop3A_360 = arith.constant 8 : i32
      %parallel_loop3A_361 = vector.broadcast %parallel_loop3A_360 : i32 to vector<16xi32>
      %parallel_loop3A_362 = arith.cmpi slt, %parallel_loop3A_359, %parallel_loop3A_361 : vector<16xi32>
      %parallel_loop3A_363 = arith.constant 15 : i32
      %parallel_loop3A_364 = vector.broadcast %parallel_loop3A_363 : i32 to vector<16xi32>
      %parallel_loop3A_365 = tpu.iota {dimensions = array<i32: 0>} : vector<16xi32>
      %parallel_loop3A_366 = arith.subi %parallel_loop3A_364, %parallel_loop3A_365 : vector<16xi32>
      %parallel_loop3A_367 = tpu.dynamic_gather %parallel_loop3A_357[%parallel_loop3A_366] in [0] : vector<16xf32>, vector<16xi32> -> vector<16xf32>
      %parallel_loop3A_368 = arith.select %parallel_loop3A_362, %parallel_loop3A_337, %parallel_loop3A_367 : vector<16xi1>, vector<16xf32>
      %parallel_loop3A_369 = arith.constant 15 : i32
      %parallel_loop3A_370 = vector.broadcast %parallel_loop3A_369 : i32 to vector<16xi32>
      %parallel_loop3A_371 = tpu.iota {dimensions = array<i32: 0>} : vector<16xi32>
      %parallel_loop3A_372 = arith.subi %parallel_loop3A_370, %parallel_loop3A_371 : vector<16xi32>
      %parallel_loop3A_373 = tpu.dynamic_gather %parallel_loop3A_358[%parallel_loop3A_372] in [0] : vector<16xi32>, vector<16xi32> -> vector<16xi32>
      %parallel_loop3A_374 = arith.select %parallel_loop3A_362, %parallel_loop3A_338, %parallel_loop3A_373 : vector<16xi1>, vector<16xi32>
      %parallel_loop3A_375 = arith.constant dense<true> : vector<16xi1>
      %parallel_loop3A_376, %parallel_loop3A_377, %parallel_loop3A_378 = tpu.sort %parallel_loop3A_368, %parallel_loop3A_374 masked %parallel_loop3A_375 {descending = true} : (vector<16xf32>, vector<16xi32>, vector<16xi1>) -> (vector<16xi1>, vector<16xf32>, vector<16xi32>)
      %parallel_loop3A_379 = arith.constant true
      %parallel_loop3A_380 = vector.broadcast %parallel_loop3A_379 : i1 to vector<16xi1>
      %parallel_loop3A_381 = tpu.scan <max>, %parallel_loop3A_377 masked %parallel_loop3A_380 : vector<16xf32>, vector<16xi1> -> vector<16xf32>
      %parallel_loop3A_382 = vector.extract %parallel_loop3A_381[15] : f32 from vector<16xf32>
      %parallel_loop3A_383 = vector.broadcast %parallel_loop3A_382 : f32 to vector<16xf32>
      %parallel_loop3A_384 = arith.subf %parallel_loop3A_377, %parallel_loop3A_383 : vector<16xf32>
      %parallel_loop3A_385 = math.exp %parallel_loop3A_384 : vector<16xf32>
      %parallel_loop3A_386 = arith.constant 0.000000e+00 : f32
      %parallel_loop3A_387 = vector.broadcast %parallel_loop3A_386 : f32 to vector<16xf32>
      %parallel_loop3A_388 = arith.select %lt3A_51, %parallel_loop3A_385, %parallel_loop3A_387 : vector<16xi1>, vector<16xf32>
      %parallel_loop3A_389 = arith.constant true
      %parallel_loop3A_390 = vector.broadcast %parallel_loop3A_389 : i1 to vector<16xi1>
      %parallel_loop3A_391 = tpu.scan <sum>, %parallel_loop3A_388 masked %parallel_loop3A_390 : vector<16xf32>, vector<16xi1> -> vector<16xf32>
      %parallel_loop3A_392 = vector.extract %parallel_loop3A_391[15] : f32 from vector<16xf32>
      %parallel_loop3A_393 = vector.broadcast %parallel_loop3A_392 : f32 to vector<16xf32>
      %parallel_loop3A_394 = arith.divf %parallel_loop3A_388, %parallel_loop3A_393 : vector<16xf32>
      %parallel_loop3A_395 = vector.broadcast %parallel_loop3A_278 : i32 to vector<16xi32>
      tpu.vector_store_idx %arg6[%parallel_loop3A_395, %iota3A], %parallel_loop3A_394 masked %lt3A_51 : memref<256x8xf32, #tpu.memory_space<vmem>>[vector<16xi32>, vector<16xi32>], vector<16xf32>, vector<16xi1>
      tpu.vector_store_idx %arg7[%parallel_loop3A_395, %iota3A], %parallel_loop3A_378 masked %lt3A_51 : memref<256x8xi32, #tpu.memory_space<vmem>>[vector<16xi32>, vector<16xi32>], vector<16xi32>, vector<16xi1>
    } {sc.loop_unroll_factor = 2 : i64, sc.parallel_access}
    %add3A_137 = arith.constant 128 : i32
    %add3A_138 = arith.addi %mul3A_2, %add3A_137 : i32
    %dma_start3A_139 = arith.constant 128 : i32
    %dma_start3A_140 = arith.constant 0 : i32
    %dma_start3A_141 = tpu.memref_slice %arg6[%dma_start3A_139, %dma_start3A_140] : memref<256x8xf32, #tpu.memory_space<vmem>> -> memref<64x8xf32, #tpu.memory_space<vmem>>
    %dma_start3A_142 = arith.constant 0 : i32
    %dma_start3A_143 = tpu.memref_slice %arg3[%add3A_138, %dma_start3A_142] : memref<8192x8xf32, #tpu.memory_space<hbm>> -> memref<64x8xf32, #tpu.memory_space<hbm>>
    %dma_start3A_144 = arith.constant 0 : i32
    %dma_start3A_145 = tpu.memref_slice %arg3[%add3A_138, %dma_start3A_144] : memref<8192x8xf32, #tpu.memory_space<hbm>> -> memref<64x8xf32, #tpu.memory_space<hbm>>
    %dma_start3A_146 = arith.constant 128 : i32
    %dma_start3A_147 = arith.constant 0 : i32
    %dma_start3A_148 = tpu.memref_slice %arg6[%dma_start3A_146, %dma_start3A_147] : memref<256x8xf32, #tpu.memory_space<vmem>> -> memref<64x8xf32, #tpu.memory_space<vmem>>
    tpu.enqueue_dma source(%dma_start3A_148 : memref<64x8xf32, #tpu.memory_space<vmem>>) target(%dma_start3A_145 : memref<64x8xf32, #tpu.memory_space<hbm>>) target_semaphore(%arg12 : memref<!tpu.dma_semaphore, #tpu.memory_space<semaphore_mem>>)
    %add3A_149 = arith.constant 128 : i32
    %add3A_150 = arith.addi %mul3A_2, %add3A_149 : i32
    %dma_start3A_151 = arith.constant 128 : i32
    %dma_start3A_152 = arith.constant 0 : i32
    %dma_start3A_153 = tpu.memref_slice %arg7[%dma_start3A_151, %dma_start3A_152] : memref<256x8xi32, #tpu.memory_space<vmem>> -> memref<64x8xi32, #tpu.memory_space<vmem>>
    %dma_start3A_154 = arith.constant 0 : i32
    %dma_start3A_155 = tpu.memref_slice %arg4[%add3A_150, %dma_start3A_154] : memref<8192x8xi32, #tpu.memory_space<hbm>> -> memref<64x8xi32, #tpu.memory_space<hbm>>
    %dma_start3A_156 = arith.constant 0 : i32
    %dma_start3A_157 = tpu.memref_slice %arg4[%add3A_150, %dma_start3A_156] : memref<8192x8xi32, #tpu.memory_space<hbm>> -> memref<64x8xi32, #tpu.memory_space<hbm>>
    %dma_start3A_158 = arith.constant 128 : i32
    %dma_start3A_159 = arith.constant 0 : i32
    %dma_start3A_160 = tpu.memref_slice %arg7[%dma_start3A_158, %dma_start3A_159] : memref<256x8xi32, #tpu.memory_space<vmem>> -> memref<64x8xi32, #tpu.memory_space<vmem>>
    tpu.enqueue_dma source(%dma_start3A_160 : memref<64x8xi32, #tpu.memory_space<vmem>>) target(%dma_start3A_157 : memref<64x8xi32, #tpu.memory_space<hbm>>) target_semaphore(%arg12 : memref<!tpu.dma_semaphore, #tpu.memory_space<semaphore_mem>>)
    %dma_wait3A_161 = arith.constant 192 : i32
    %dma_wait3A_162 = arith.constant 0 : i32
    %dma_wait3A_163 = tpu.memref_slice %arg5[%dma_wait3A_161, %dma_wait3A_162] : memref<256x64xf32, #tpu.memory_space<vmem>> -> memref<64x64xf32, #tpu.memory_space<vmem>>
    %dma_wait3A_164 = arith.constant 0 : i32
    %dma_wait3A_165 = tpu.memref_slice %arg2[%add3A_39, %dma_wait3A_164] : memref<8192x64xf32, #tpu.memory_space<hbm>> -> memref<64x64xf32, #tpu.memory_space<hbm>>
    %dma_wait3A_166 = arith.constant 192 : i32
    %dma_wait3A_167 = arith.constant 0 : i32
    %dma_wait3A_168 = tpu.memref_slice %arg5[%dma_wait3A_166, %dma_wait3A_167] : memref<256x64xf32, #tpu.memory_space<vmem>> -> memref<64x64xf32, #tpu.memory_space<vmem>>
    %dma_wait3A_169 = arith.constant 0 : i32
    %dma_wait3A_170 = tpu.memref_slice %arg2[%add3A_39, %dma_wait3A_169] : memref<8192x64xf32, #tpu.memory_space<hbm>> -> memref<64x64xf32, #tpu.memory_space<hbm>>
    tpu.wait_dma2 semaphore(%arg11 : memref<!tpu.dma_semaphore, #tpu.memory_space<semaphore_mem>>) src(%dma_wait3A_170 : memref<64x64xf32, #tpu.memory_space<hbm>>) dst(%dma_wait3A_168 : memref<64x64xf32, #tpu.memory_space<vmem>>)
    %parallel_loop3A_171 = arith.constant 192 : i32
    %parallel_loop3A_172 = arith.constant 256 : i32
    %parallel_loop3A_173 = arith.constant 1 : i32
    scf.for %parallel_loop3A_278 = %parallel_loop3A_171 to %parallel_loop3A_172 step %parallel_loop3A_173  : i32 {
      %parallel_loop3A_279 = arith.index_cast %parallel_loop3A_278 : i32 to index
      %parallel_loop3A_280 = arith.constant 0 : index
      %parallel_loop3A_281 = tpu.vector_load %arg5[%parallel_loop3A_279, %parallel_loop3A_280] {strides = array<i32>} : memref<256x64xf32, #tpu.memory_space<vmem>>, vector<16xf32>,
      %parallel_loop3A_282 = arith.constant 0 : i32
      %parallel_loop3A_283 = vector.broadcast %parallel_loop3A_282 : i32 to vector<16xi32>
      %parallel_loop3A_284 = arith.addi %iota3A, %parallel_loop3A_283 : vector<16xi32>
      %parallel_loop3A_285 = arith.constant dense<true> : vector<16xi1>
      %parallel_loop3A_286, %parallel_loop3A_287, %parallel_loop3A_288 = tpu.sort %parallel_loop3A_281, %parallel_loop3A_284 masked %parallel_loop3A_285 {descending = true} : (vector<16xf32>, vector<16xi32>, vector<16xi1>) -> (vector<16xi1>, vector<16xf32>, vector<16xi32>)
      %parallel_loop3A_289 = arith.index_cast %parallel_loop3A_278 : i32 to index
      %parallel_loop3A_290 = arith.constant 16 : index
      %parallel_loop3A_291 = tpu.vector_load %arg5[%parallel_loop3A_289, %parallel_loop3A_290] {strides = array<i32>} : memref<256x64xf32, #tpu.memory_space<vmem>>, vector<16xf32>,
      %parallel_loop3A_292 = arith.constant 16 : i32
      %parallel_loop3A_293 = vector.broadcast %parallel_loop3A_292 : i32 to vector<16xi32>
      %parallel_loop3A_294 = arith.addi %iota3A, %parallel_loop3A_293 : vector<16xi32>
      %parallel_loop3A_295 = arith.constant dense<true> : vector<16xi1>
      %parallel_loop3A_296, %parallel_loop3A_297, %parallel_loop3A_298 = tpu.sort %parallel_loop3A_291, %parallel_loop3A_294 masked %parallel_loop3A_295 {descending = true} : (vector<16xf32>, vector<16xi32>, vector<16xi1>) -> (vector<16xi1>, vector<16xf32>, vector<16xi32>)
      %parallel_loop3A_299 = arith.index_cast %parallel_loop3A_278 : i32 to index
      %parallel_loop3A_300 = arith.constant 32 : index
      %parallel_loop3A_301 = tpu.vector_load %arg5[%parallel_loop3A_299, %parallel_loop3A_300] {strides = array<i32>} : memref<256x64xf32, #tpu.memory_space<vmem>>, vector<16xf32>,
      %parallel_loop3A_302 = arith.constant 32 : i32
      %parallel_loop3A_303 = vector.broadcast %parallel_loop3A_302 : i32 to vector<16xi32>
      %parallel_loop3A_304 = arith.addi %iota3A, %parallel_loop3A_303 : vector<16xi32>
      %parallel_loop3A_305 = arith.constant dense<true> : vector<16xi1>
      %parallel_loop3A_306, %parallel_loop3A_307, %parallel_loop3A_308 = tpu.sort %parallel_loop3A_301, %parallel_loop3A_304 masked %parallel_loop3A_305 {descending = true} : (vector<16xf32>, vector<16xi32>, vector<16xi1>) -> (vector<16xi1>, vector<16xf32>, vector<16xi32>)
      %parallel_loop3A_309 = arith.index_cast %parallel_loop3A_278 : i32 to index
      %parallel_loop3A_310 = arith.constant 48 : index
      %parallel_loop3A_311 = tpu.vector_load %arg5[%parallel_loop3A_309, %parallel_loop3A_310] {strides = array<i32>} : memref<256x64xf32, #tpu.memory_space<vmem>>, vector<16xf32>,
      %parallel_loop3A_312 = arith.constant 48 : i32
      %parallel_loop3A_313 = vector.broadcast %parallel_loop3A_312 : i32 to vector<16xi32>
      %parallel_loop3A_314 = arith.addi %iota3A, %parallel_loop3A_313 : vector<16xi32>
      %parallel_loop3A_315 = arith.constant dense<true> : vector<16xi1>
      %parallel_loop3A_316, %parallel_loop3A_317, %parallel_loop3A_318 = tpu.sort %parallel_loop3A_311, %parallel_loop3A_314 masked %parallel_loop3A_315 {descending = true} : (vector<16xf32>, vector<16xi32>, vector<16xi1>) -> (vector<16xi1>, vector<16xf32>, vector<16xi32>)
      %parallel_loop3A_319 = tpu.iota {dimensions = array<i32: 0>} : vector<16xi32>
      %parallel_loop3A_320 = arith.constant 8 : i32
      %parallel_loop3A_321 = vector.broadcast %parallel_loop3A_320 : i32 to vector<16xi32>
      %parallel_loop3A_322 = arith.cmpi slt, %parallel_loop3A_319, %parallel_loop3A_321 : vector<16xi32>
      %parallel_loop3A_323 = arith.constant 15 : i32
      %parallel_loop3A_324 = vector.broadcast %parallel_loop3A_323 : i32 to vector<16xi32>
      %parallel_loop3A_325 = tpu.iota {dimensions = array<i32: 0>} : vector<16xi32>
      %parallel_loop3A_326 = arith.subi %parallel_loop3A_324, %parallel_loop3A_325 : vector<16xi32>
      %parallel_loop3A_327 = tpu.dynamic_gather %parallel_loop3A_297[%parallel_loop3A_326] in [0] : vector<16xf32>, vector<16xi32> -> vector<16xf32>
      %parallel_loop3A_328 = arith.select %parallel_loop3A_322, %parallel_loop3A_287, %parallel_loop3A_327 : vector<16xi1>, vector<16xf32>
      %parallel_loop3A_329 = arith.constant 15 : i32
      %parallel_loop3A_330 = vector.broadcast %parallel_loop3A_329 : i32 to vector<16xi32>
      %parallel_loop3A_331 = tpu.iota {dimensions = array<i32: 0>} : vector<16xi32>
      %parallel_loop3A_332 = arith.subi %parallel_loop3A_330, %parallel_loop3A_331 : vector<16xi32>
      %parallel_loop3A_333 = tpu.dynamic_gather %parallel_loop3A_298[%parallel_loop3A_332] in [0] : vector<16xi32>, vector<16xi32> -> vector<16xi32>
      %parallel_loop3A_334 = arith.select %parallel_loop3A_322, %parallel_loop3A_288, %parallel_loop3A_333 : vector<16xi1>, vector<16xi32>
      %parallel_loop3A_335 = arith.constant dense<true> : vector<16xi1>
      %parallel_loop3A_336, %parallel_loop3A_337, %parallel_loop3A_338 = tpu.sort %parallel_loop3A_328, %parallel_loop3A_334 masked %parallel_loop3A_335 {descending = true} : (vector<16xf32>, vector<16xi32>, vector<16xi1>) -> (vector<16xi1>, vector<16xf32>, vector<16xi32>)
      %parallel_loop3A_339 = tpu.iota {dimensions = array<i32: 0>} : vector<16xi32>
      %parallel_loop3A_340 = arith.constant 8 : i32
      %parallel_loop3A_341 = vector.broadcast %parallel_loop3A_340 : i32 to vector<16xi32>
      %parallel_loop3A_342 = arith.cmpi slt, %parallel_loop3A_339, %parallel_loop3A_341 : vector<16xi32>
      %parallel_loop3A_343 = arith.constant 15 : i32
      %parallel_loop3A_344 = vector.broadcast %parallel_loop3A_343 : i32 to vector<16xi32>
      %parallel_loop3A_345 = tpu.iota {dimensions = array<i32: 0>} : vector<16xi32>
      %parallel_loop3A_346 = arith.subi %parallel_loop3A_344, %parallel_loop3A_345 : vector<16xi32>
      %parallel_loop3A_347 = tpu.dynamic_gather %parallel_loop3A_317[%parallel_loop3A_346] in [0] : vector<16xf32>, vector<16xi32> -> vector<16xf32>
      %parallel_loop3A_348 = arith.select %parallel_loop3A_342, %parallel_loop3A_307, %parallel_loop3A_347 : vector<16xi1>, vector<16xf32>
      %parallel_loop3A_349 = arith.constant 15 : i32
      %parallel_loop3A_350 = vector.broadcast %parallel_loop3A_349 : i32 to vector<16xi32>
      %parallel_loop3A_351 = tpu.iota {dimensions = array<i32: 0>} : vector<16xi32>
      %parallel_loop3A_352 = arith.subi %parallel_loop3A_350, %parallel_loop3A_351 : vector<16xi32>
      %parallel_loop3A_353 = tpu.dynamic_gather %parallel_loop3A_318[%parallel_loop3A_352] in [0] : vector<16xi32>, vector<16xi32> -> vector<16xi32>
      %parallel_loop3A_354 = arith.select %parallel_loop3A_342, %parallel_loop3A_308, %parallel_loop3A_353 : vector<16xi1>, vector<16xi32>
      %parallel_loop3A_355 = arith.constant dense<true> : vector<16xi1>
      %parallel_loop3A_356, %parallel_loop3A_357, %parallel_loop3A_358 = tpu.sort %parallel_loop3A_348, %parallel_loop3A_354 masked %parallel_loop3A_355 {descending = true} : (vector<16xf32>, vector<16xi32>, vector<16xi1>) -> (vector<16xi1>, vector<16xf32>, vector<16xi32>)
      %parallel_loop3A_359 = tpu.iota {dimensions = array<i32: 0>} : vector<16xi32>
      %parallel_loop3A_360 = arith.constant 8 : i32
      %parallel_loop3A_361 = vector.broadcast %parallel_loop3A_360 : i32 to vector<16xi32>
      %parallel_loop3A_362 = arith.cmpi slt, %parallel_loop3A_359, %parallel_loop3A_361 : vector<16xi32>
      %parallel_loop3A_363 = arith.constant 15 : i32
      %parallel_loop3A_364 = vector.broadcast %parallel_loop3A_363 : i32 to vector<16xi32>
      %parallel_loop3A_365 = tpu.iota {dimensions = array<i32: 0>} : vector<16xi32>
      %parallel_loop3A_366 = arith.subi %parallel_loop3A_364, %parallel_loop3A_365 : vector<16xi32>
      %parallel_loop3A_367 = tpu.dynamic_gather %parallel_loop3A_357[%parallel_loop3A_366] in [0] : vector<16xf32>, vector<16xi32> -> vector<16xf32>
      %parallel_loop3A_368 = arith.select %parallel_loop3A_362, %parallel_loop3A_337, %parallel_loop3A_367 : vector<16xi1>, vector<16xf32>
      %parallel_loop3A_369 = arith.constant 15 : i32
      %parallel_loop3A_370 = vector.broadcast %parallel_loop3A_369 : i32 to vector<16xi32>
      %parallel_loop3A_371 = tpu.iota {dimensions = array<i32: 0>} : vector<16xi32>
      %parallel_loop3A_372 = arith.subi %parallel_loop3A_370, %parallel_loop3A_371 : vector<16xi32>
      %parallel_loop3A_373 = tpu.dynamic_gather %parallel_loop3A_358[%parallel_loop3A_372] in [0] : vector<16xi32>, vector<16xi32> -> vector<16xi32>
      %parallel_loop3A_374 = arith.select %parallel_loop3A_362, %parallel_loop3A_338, %parallel_loop3A_373 : vector<16xi1>, vector<16xi32>
      %parallel_loop3A_375 = arith.constant dense<true> : vector<16xi1>
      %parallel_loop3A_376, %parallel_loop3A_377, %parallel_loop3A_378 = tpu.sort %parallel_loop3A_368, %parallel_loop3A_374 masked %parallel_loop3A_375 {descending = true} : (vector<16xf32>, vector<16xi32>, vector<16xi1>) -> (vector<16xi1>, vector<16xf32>, vector<16xi32>)
      %parallel_loop3A_379 = arith.constant true
      %parallel_loop3A_380 = vector.broadcast %parallel_loop3A_379 : i1 to vector<16xi1>
      %parallel_loop3A_381 = tpu.scan <max>, %parallel_loop3A_377 masked %parallel_loop3A_380 : vector<16xf32>, vector<16xi1> -> vector<16xf32>
      %parallel_loop3A_382 = vector.extract %parallel_loop3A_381[15] : f32 from vector<16xf32>
      %parallel_loop3A_383 = vector.broadcast %parallel_loop3A_382 : f32 to vector<16xf32>
      %parallel_loop3A_384 = arith.subf %parallel_loop3A_377, %parallel_loop3A_383 : vector<16xf32>
      %parallel_loop3A_385 = math.exp %parallel_loop3A_384 : vector<16xf32>
      %parallel_loop3A_386 = arith.constant 0.000000e+00 : f32
      %parallel_loop3A_387 = vector.broadcast %parallel_loop3A_386 : f32 to vector<16xf32>
      %parallel_loop3A_388 = arith.select %lt3A_51, %parallel_loop3A_385, %parallel_loop3A_387 : vector<16xi1>, vector<16xf32>
      %parallel_loop3A_389 = arith.constant true
      %parallel_loop3A_390 = vector.broadcast %parallel_loop3A_389 : i1 to vector<16xi1>
      %parallel_loop3A_391 = tpu.scan <sum>, %parallel_loop3A_388 masked %parallel_loop3A_390 : vector<16xf32>, vector<16xi1> -> vector<16xf32>
      %parallel_loop3A_392 = vector.extract %parallel_loop3A_391[15] : f32 from vector<16xf32>
      %parallel_loop3A_393 = vector.broadcast %parallel_loop3A_392 : f32 to vector<16xf32>
      %parallel_loop3A_394 = arith.divf %parallel_loop3A_388, %parallel_loop3A_393 : vector<16xf32>
      %parallel_loop3A_395 = vector.broadcast %parallel_loop3A_278 : i32 to vector<16xi32>
      tpu.vector_store_idx %arg6[%parallel_loop3A_395, %iota3A], %parallel_loop3A_394 masked %lt3A_51 : memref<256x8xf32, #tpu.memory_space<vmem>>[vector<16xi32>, vector<16xi32>], vector<16xf32>, vector<16xi1>
      tpu.vector_store_idx %arg7[%parallel_loop3A_395, %iota3A], %parallel_loop3A_378 masked %lt3A_51 : memref<256x8xi32, #tpu.memory_space<vmem>>[vector<16xi32>, vector<16xi32>], vector<16xi32>, vector<16xi1>
    } {sc.loop_unroll_factor = 2 : i64, sc.parallel_access}
    %add3A_174 = arith.constant 192 : i32
    %add3A_175 = arith.addi %mul3A_2, %add3A_174 : i32
    %dma_start3A_176 = arith.constant 192 : i32
    %dma_start3A_177 = arith.constant 0 : i32
    %dma_start3A_178 = tpu.memref_slice %arg6[%dma_start3A_176, %dma_start3A_177] : memref<256x8xf32, #tpu.memory_space<vmem>> -> memref<64x8xf32, #tpu.memory_space<vmem>>
    %dma_start3A_179 = arith.constant 0 : i32
    %dma_start3A_180 = tpu.memref_slice %arg3[%add3A_175, %dma_start3A_179] : memref<8192x8xf32, #tpu.memory_space<hbm>> -> memref<64x8xf32, #tpu.memory_space<hbm>>
    %dma_start3A_181 = arith.constant 0 : i32
    %dma_start3A_182 = tpu.memref_slice %arg3[%add3A_175, %dma_start3A_181] : memref<8192x8xf32, #tpu.memory_space<hbm>> -> memref<64x8xf32, #tpu.memory_space<hbm>>
    %dma_start3A_183 = arith.constant 192 : i32
    %dma_start3A_184 = arith.constant 0 : i32
    %dma_start3A_185 = tpu.memref_slice %arg6[%dma_start3A_183, %dma_start3A_184] : memref<256x8xf32, #tpu.memory_space<vmem>> -> memref<64x8xf32, #tpu.memory_space<vmem>>
    tpu.enqueue_dma source(%dma_start3A_185 : memref<64x8xf32, #tpu.memory_space<vmem>>) target(%dma_start3A_182 : memref<64x8xf32, #tpu.memory_space<hbm>>) target_semaphore(%arg12 : memref<!tpu.dma_semaphore, #tpu.memory_space<semaphore_mem>>)
    %add3A_186 = arith.constant 192 : i32
    %add3A_187 = arith.addi %mul3A_2, %add3A_186 : i32
    %dma_start3A_188 = arith.constant 192 : i32
    %dma_start3A_189 = arith.constant 0 : i32
    %dma_start3A_190 = tpu.memref_slice %arg7[%dma_start3A_188, %dma_start3A_189] : memref<256x8xi32, #tpu.memory_space<vmem>> -> memref<64x8xi32, #tpu.memory_space<vmem>>
    %dma_start3A_191 = arith.constant 0 : i32
    %dma_start3A_192 = tpu.memref_slice %arg4[%add3A_187, %dma_start3A_191] : memref<8192x8xi32, #tpu.memory_space<hbm>> -> memref<64x8xi32, #tpu.memory_space<hbm>>
    %dma_start3A_193 = arith.constant 0 : i32
    %dma_start3A_194 = tpu.memref_slice %arg4[%add3A_187, %dma_start3A_193] : memref<8192x8xi32, #tpu.memory_space<hbm>> -> memref<64x8xi32, #tpu.memory_space<hbm>>
    %dma_start3A_195 = arith.constant 192 : i32
    %dma_start3A_196 = arith.constant 0 : i32
    %dma_start3A_197 = tpu.memref_slice %arg7[%dma_start3A_195, %dma_start3A_196] : memref<256x8xi32, #tpu.memory_space<vmem>> -> memref<64x8xi32, #tpu.memory_space<vmem>>
    tpu.enqueue_dma source(%dma_start3A_197 : memref<64x8xi32, #tpu.memory_space<vmem>>) target(%dma_start3A_194 : memref<64x8xi32, #tpu.memory_space<hbm>>) target_semaphore(%arg12 : memref<!tpu.dma_semaphore, #tpu.memory_space<semaphore_mem>>)
    %dma_wait3A_198 = arith.constant 0 : i32
    %dma_wait3A_199 = arith.constant 0 : i32
    %dma_wait3A_200 = tpu.memref_slice %arg6[%dma_wait3A_198, %dma_wait3A_199] : memref<256x8xf32, #tpu.memory_space<vmem>> -> memref<64x8xf32, #tpu.memory_space<vmem>>
    %dma_wait3A_201 = arith.constant 0 : i32
    %dma_wait3A_202 = tpu.memref_slice %arg3[%add3A_64, %dma_wait3A_201] : memref<8192x8xf32, #tpu.memory_space<hbm>> -> memref<64x8xf32, #tpu.memory_space<hbm>>
    %dma_wait3A_203 = arith.constant 0 : i32
    %dma_wait3A_204 = tpu.memref_slice %arg3[%add3A_64, %dma_wait3A_203] : memref<8192x8xf32, #tpu.memory_space<hbm>> -> memref<64x8xf32, #tpu.memory_space<hbm>>
    %dma_wait3A_205 = arith.constant 0 : i32
    %dma_wait3A_206 = arith.constant 0 : i32
    %dma_wait3A_207 = tpu.memref_slice %arg6[%dma_wait3A_205, %dma_wait3A_206] : memref<256x8xf32, #tpu.memory_space<vmem>> -> memref<64x8xf32, #tpu.memory_space<vmem>>
    tpu.wait_dma2 semaphore(%arg12 : memref<!tpu.dma_semaphore, #tpu.memory_space<semaphore_mem>>) src(%dma_wait3A_207 : memref<64x8xf32, #tpu.memory_space<vmem>>) dst(%dma_wait3A_204 : memref<64x8xf32, #tpu.memory_space<hbm>>)
    %dma_wait3A_208 = arith.constant 0 : i32
    %dma_wait3A_209 = arith.constant 0 : i32
    %dma_wait3A_210 = tpu.memref_slice %arg7[%dma_wait3A_208, %dma_wait3A_209] : memref<256x8xi32, #tpu.memory_space<vmem>> -> memref<64x8xi32, #tpu.memory_space<vmem>>
    %dma_wait3A_211 = arith.constant 0 : i32
    %dma_wait3A_212 = tpu.memref_slice %arg4[%add3A_76, %dma_wait3A_211] : memref<8192x8xi32, #tpu.memory_space<hbm>> -> memref<64x8xi32, #tpu.memory_space<hbm>>
    %dma_wait3A_213 = arith.constant 0 : i32
    %dma_wait3A_214 = tpu.memref_slice %arg4[%add3A_76, %dma_wait3A_213] : memref<8192x8xi32, #tpu.memory_space<hbm>> -> memref<64x8xi32, #tpu.memory_space<hbm>>
    %dma_wait3A_215 = arith.constant 0 : i32
    %dma_wait3A_216 = arith.constant 0 : i32
    %dma_wait3A_217 = tpu.memref_slice %arg7[%dma_wait3A_215, %dma_wait3A_216] : memref<256x8xi32, #tpu.memory_space<vmem>> -> memref<64x8xi32, #tpu.memory_space<vmem>>
    tpu.wait_dma2 semaphore(%arg12 : memref<!tpu.dma_semaphore, #tpu.memory_space<semaphore_mem>>) src(%dma_wait3A_217 : memref<64x8xi32, #tpu.memory_space<vmem>>) dst(%dma_wait3A_214 : memref<64x8xi32, #tpu.memory_space<hbm>>)
    %dma_wait3A_218 = arith.constant 64 : i32
    %dma_wait3A_219 = arith.constant 0 : i32
    %dma_wait3A_220 = tpu.memref_slice %arg6[%dma_wait3A_218, %dma_wait3A_219] : memref<256x8xf32, #tpu.memory_space<vmem>> -> memref<64x8xf32, #tpu.memory_space<vmem>>
    %dma_wait3A_221 = arith.constant 0 : i32
    %dma_wait3A_222 = tpu.memref_slice %arg3[%add3A_101, %dma_wait3A_221] : memref<8192x8xf32, #tpu.memory_space<hbm>> -> memref<64x8xf32, #tpu.memory_space<hbm>>
    %dma_wait3A_223 = arith.constant 0 : i32
    %dma_wait3A_224 = tpu.memref_slice %arg3[%add3A_101, %dma_wait3A_223] : memref<8192x8xf32, #tpu.memory_space<hbm>> -> memref<64x8xf32, #tpu.memory_space<hbm>>
    %dma_wait3A_225 = arith.constant 64 : i32
    %dma_wait3A_226 = arith.constant 0 : i32
    %dma_wait3A_227 = tpu.memref_slice %arg6[%dma_wait3A_225, %dma_wait3A_226] : memref<256x8xf32, #tpu.memory_space<vmem>> -> memref<64x8xf32, #tpu.memory_space<vmem>>
    tpu.wait_dma2 semaphore(%arg12 : memref<!tpu.dma_semaphore, #tpu.memory_space<semaphore_mem>>) src(%dma_wait3A_227 : memref<64x8xf32, #tpu.memory_space<vmem>>) dst(%dma_wait3A_224 : memref<64x8xf32, #tpu.memory_space<hbm>>)
    %dma_wait3A_228 = arith.constant 64 : i32
    %dma_wait3A_229 = arith.constant 0 : i32
    %dma_wait3A_230 = tpu.memref_slice %arg7[%dma_wait3A_228, %dma_wait3A_229] : memref<256x8xi32, #tpu.memory_space<vmem>> -> memref<64x8xi32, #tpu.memory_space<vmem>>
    %dma_wait3A_231 = arith.constant 0 : i32
    %dma_wait3A_232 = tpu.memref_slice %arg4[%add3A_113, %dma_wait3A_231] : memref<8192x8xi32, #tpu.memory_space<hbm>> -> memref<64x8xi32, #tpu.memory_space<hbm>>
    %dma_wait3A_233 = arith.constant 0 : i32
    %dma_wait3A_234 = tpu.memref_slice %arg4[%add3A_113, %dma_wait3A_233] : memref<8192x8xi32, #tpu.memory_space<hbm>> -> memref<64x8xi32, #tpu.memory_space<hbm>>
    %dma_wait3A_235 = arith.constant 64 : i32
    %dma_wait3A_236 = arith.constant 0 : i32
    %dma_wait3A_237 = tpu.memref_slice %arg7[%dma_wait3A_235, %dma_wait3A_236] : memref<256x8xi32, #tpu.memory_space<vmem>> -> memref<64x8xi32, #tpu.memory_space<vmem>>
    tpu.wait_dma2 semaphore(%arg12 : memref<!tpu.dma_semaphore, #tpu.memory_space<semaphore_mem>>) src(%dma_wait3A_237 : memref<64x8xi32, #tpu.memory_space<vmem>>) dst(%dma_wait3A_234 : memref<64x8xi32, #tpu.memory_space<hbm>>)
    %dma_wait3A_238 = arith.constant 128 : i32
    %dma_wait3A_239 = arith.constant 0 : i32
    %dma_wait3A_240 = tpu.memref_slice %arg6[%dma_wait3A_238, %dma_wait3A_239] : memref<256x8xf32, #tpu.memory_space<vmem>> -> memref<64x8xf32, #tpu.memory_space<vmem>>
    %dma_wait3A_241 = arith.constant 0 : i32
    %dma_wait3A_242 = tpu.memref_slice %arg3[%add3A_138, %dma_wait3A_241] : memref<8192x8xf32, #tpu.memory_space<hbm>> -> memref<64x8xf32, #tpu.memory_space<hbm>>
    %dma_wait3A_243 = arith.constant 0 : i32
    %dma_wait3A_244 = tpu.memref_slice %arg3[%add3A_138, %dma_wait3A_243] : memref<8192x8xf32, #tpu.memory_space<hbm>> -> memref<64x8xf32, #tpu.memory_space<hbm>>
    %dma_wait3A_245 = arith.constant 128 : i32
    %dma_wait3A_246 = arith.constant 0 : i32
    %dma_wait3A_247 = tpu.memref_slice %arg6[%dma_wait3A_245, %dma_wait3A_246] : memref<256x8xf32, #tpu.memory_space<vmem>> -> memref<64x8xf32, #tpu.memory_space<vmem>>
    tpu.wait_dma2 semaphore(%arg12 : memref<!tpu.dma_semaphore, #tpu.memory_space<semaphore_mem>>) src(%dma_wait3A_247 : memref<64x8xf32, #tpu.memory_space<vmem>>) dst(%dma_wait3A_244 : memref<64x8xf32, #tpu.memory_space<hbm>>)
    %dma_wait3A_248 = arith.constant 128 : i32
    %dma_wait3A_249 = arith.constant 0 : i32
    %dma_wait3A_250 = tpu.memref_slice %arg7[%dma_wait3A_248, %dma_wait3A_249] : memref<256x8xi32, #tpu.memory_space<vmem>> -> memref<64x8xi32, #tpu.memory_space<vmem>>
    %dma_wait3A_251 = arith.constant 0 : i32
    %dma_wait3A_252 = tpu.memref_slice %arg4[%add3A_150, %dma_wait3A_251] : memref<8192x8xi32, #tpu.memory_space<hbm>> -> memref<64x8xi32, #tpu.memory_space<hbm>>
    %dma_wait3A_253 = arith.constant 0 : i32
    %dma_wait3A_254 = tpu.memref_slice %arg4[%add3A_150, %dma_wait3A_253] : memref<8192x8xi32, #tpu.memory_space<hbm>> -> memref<64x8xi32, #tpu.memory_space<hbm>>
    %dma_wait3A_255 = arith.constant 128 : i32
    %dma_wait3A_256 = arith.constant 0 : i32
    %dma_wait3A_257 = tpu.memref_slice %arg7[%dma_wait3A_255, %dma_wait3A_256] : memref<256x8xi32, #tpu.memory_space<vmem>> -> memref<64x8xi32, #tpu.memory_space<vmem>>
    tpu.wait_dma2 semaphore(%arg12 : memref<!tpu.dma_semaphore, #tpu.memory_space<semaphore_mem>>) src(%dma_wait3A_257 : memref<64x8xi32, #tpu.memory_space<vmem>>) dst(%dma_wait3A_254 : memref<64x8xi32, #tpu.memory_space<hbm>>)
    %dma_wait3A_258 = arith.constant 192 : i32
    %dma_wait3A_259 = arith.constant 0 : i32
    %dma_wait3A_260 = tpu.memref_slice %arg6[%dma_wait3A_258, %dma_wait3A_259] : memref<256x8xf32, #tpu.memory_space<vmem>> -> memref<64x8xf32, #tpu.memory_space<vmem>>
    %dma_wait3A_261 = arith.constant 0 : i32
    %dma_wait3A_262 = tpu.memref_slice %arg3[%add3A_175, %dma_wait3A_261] : memref<8192x8xf32, #tpu.memory_space<hbm>> -> memref<64x8xf32, #tpu.memory_space<hbm>>
    %dma_wait3A_263 = arith.constant 0 : i32
    %dma_wait3A_264 = tpu.memref_slice %arg3[%add3A_175, %dma_wait3A_263] : memref<8192x8xf32, #tpu.memory_space<hbm>> -> memref<64x8xf32, #tpu.memory_space<hbm>>
    %dma_wait3A_265 = arith.constant 192 : i32
    %dma_wait3A_266 = arith.constant 0 : i32
    %dma_wait3A_267 = tpu.memref_slice %arg6[%dma_wait3A_265, %dma_wait3A_266] : memref<256x8xf32, #tpu.memory_space<vmem>> -> memref<64x8xf32, #tpu.memory_space<vmem>>
    tpu.wait_dma2 semaphore(%arg12 : memref<!tpu.dma_semaphore, #tpu.memory_space<semaphore_mem>>) src(%dma_wait3A_267 : memref<64x8xf32, #tpu.memory_space<vmem>>) dst(%dma_wait3A_264 : memref<64x8xf32, #tpu.memory_space<hbm>>)
    %dma_wait3A_268 = arith.constant 192 : i32
    %dma_wait3A_269 = arith.constant 0 : i32
    %dma_wait3A_270 = tpu.memref_slice %arg7[%dma_wait3A_268, %dma_wait3A_269] : memref<256x8xi32, #tpu.memory_space<vmem>> -> memref<64x8xi32, #tpu.memory_space<vmem>>
    %dma_wait3A_271 = arith.constant 0 : i32
    %dma_wait3A_272 = tpu.memref_slice %arg4[%add3A_187, %dma_wait3A_271] : memref<8192x8xi32, #tpu.memory_space<hbm>> -> memref<64x8xi32, #tpu.memory_space<hbm>>
    %dma_wait3A_273 = arith.constant 0 : i32
    %dma_wait3A_274 = tpu.memref_slice %arg4[%add3A_187, %dma_wait3A_273] : memref<8192x8xi32, #tpu.memory_space<hbm>> -> memref<64x8xi32, #tpu.memory_space<hbm>>
    %dma_wait3A_275 = arith.constant 192 : i32
    %dma_wait3A_276 = arith.constant 0 : i32
    %dma_wait3A_277 = tpu.memref_slice %arg7[%dma_wait3A_275, %dma_wait3A_276] : memref<256x8xi32, #tpu.memory_space<vmem>> -> memref<64x8xi32, #tpu.memory_space<vmem>>
    tpu.wait_dma2 semaphore(%arg12 : memref<!tpu.dma_semaphore, #tpu.memory_space<semaphore_mem>>) src(%dma_wait3A_277 : memref<64x8xi32, #tpu.memory_space<vmem>>) dst(%dma_wait3A_274 : memref<64x8xi32, #tpu.memory_space<hbm>>)
    return
  }
}

module attributes {stable_mosaic.version = 14 : i64} {
  func.func @_matmul_body(%arg0: i32, %arg1: memref<512x4096xf32, #tpu.memory_space<vmem>>, %arg2: memref<64x4096xf32, #tpu.memory_space<vmem>>, %arg3: memref<1x64xf32, #tpu.memory_space<vmem>>, %arg4: memref<512x64xf32, #tpu.memory_space<vmem>>) attributes {dimension_semantics = [#tpu.dimension_semantics<arbitrary>], iteration_bounds = array<i64: 16>, scalar_prefetch = 0 : i64, scratch_operands = 0 : i64, tpu.core_type = #tpu.core_type<tc>, window_params = [{transform_indices = @transform_0, window_bounds = array<i64: 512, 4096>}, {pipeline_mode = #tpu.pipeline_mode<synchronous>, transform_indices = @transform_1, window_bounds = array<i64: 64, 4096>}, {pipeline_mode = #tpu.pipeline_mode<synchronous>, transform_indices = @transform_2, window_bounds = array<i64: 1, 64>}, {transform_indices = @transform_3, window_bounds = array<i64: 512, 64>}]} {
    %get3A = arith.constant 0 : index
    %get3A_0 = arith.constant 0 : index
    %get3A_1 = vector.load %arg1[%get3A, %get3A_0] : memref<512x4096xf32, #tpu.memory_space<vmem>>, vector<512x4096xf32>
    %get3A_2 = arith.constant 0 : index
    %get3A_3 = arith.constant 0 : index
    %get3A_4 = vector.load %arg2[%get3A_2, %get3A_3] : memref<64x4096xf32, #tpu.memory_space<vmem>>, vector<64x4096xf32>
    %dot_general3A = arith.constant dense<0.000000e+00> : vector<512x64xf32>
    %dot_general3A_5 = tpu.matmul %get3A_1, %get3A_4, %dot_general3A {dimension_numbers = #tpu.dot_dimension_numbers<[1], [1], [0], [0], [0, 0, 1, 0], [], []>, transpose_lhs_hint = false} : vector<512x4096xf32>, vector<64x4096xf32>, vector<512x64xf32> -> vector<512x64xf32>
    %get3A_6 = arith.constant 0 : index
    %get3A_7 = arith.constant 0 : index
    %get3A_8 = vector.load %arg3[%get3A_6, %get3A_7] : memref<1x64xf32, #tpu.memory_space<vmem>>, vector<1x64xf32>
    %add3A = vector.broadcast %get3A_8 : vector<1x64xf32> to vector<512x64xf32>
    %add3A_9 = arith.addf %dot_general3A_5, %add3A : vector<512x64xf32>
    %swap3A = arith.constant 0 : index
    %swap3A_10 = arith.constant 0 : index
    %swap3A_11 = vector.load %arg4[%swap3A, %swap3A_10] : memref<512x64xf32, #tpu.memory_space<vmem>>, vector<512x64xf32>
    tpu.vector_store %arg4[%swap3A, %swap3A_10], %add3A_9 {strides = array<i32>} : memref<512x64xf32, #tpu.memory_space<vmem>>, vector<512x64xf32>,
    return
  }
  func.func @transform_0(%arg0: i32) -> (i32, i32) {
    %c0_i32 = arith.constant 0 : i32
    %c0_i32_0 = arith.constant 0 : i32
    return %arg0, %c0_i32 : i32, i32
  }
  func.func @transform_1(%arg0: i32) -> (i32, i32) {
    %c0_i32 = arith.constant 0 : i32
    %c0_i32_0 = arith.constant 0 : i32
    %c0_i32_1 = arith.constant 0 : i32
    return %c0_i32, %c0_i32_0 : i32, i32
  }
  func.func @transform_2(%arg0: i32) -> (i32, i32) {
    %c0_i32 = arith.constant 0 : i32
    %c0_i32_0 = arith.constant 0 : i32
    %c0_i32_1 = arith.constant 0 : i32
    return %c0_i32, %c0_i32_0 : i32, i32
  }
  func.func @transform_3(%arg0: i32) -> (i32, i32) {
    %c0_i32 = arith.constant 0 : i32
    %c0_i32_0 = arith.constant 0 : i32
    return %arg0, %c0_i32 : i32, i32
  }
}

</mosaic_0001>

<sc_bundles>
// kernel: kernel.4.cloned.1.call-start
scs
__scs_entry_jumppad:
0x0: {  	(pc) =	sbr.rel $0x88, $3  }
0x1: {  	(tag) =	ssettag $0x0;
	lr =	simm.s32 $0x1  }
0x2: {  	[smem:$0x3F9E] =	sst lr;
	_ =	strace $0xD0000000  }
0x3: {  	_ = 	snop  }
0x4: {  	_ = 	snop  }
0x5: {  	_ = 	snop  }
0x6: {  	_ = 	snop  }
0x7: {  	_ = 	snop  }
__scs_overlays_trampoline_lowered:
0x8: {  	[smem:$0x3FAD] =	sst s0  }
0x9: {  	[smem:$0x3FAE] =	sst s1  }
0xa: {  	[smem:$0x3FAF] =	sst s2  }
0xb: {  	[smem:$0x3FB0] =	sst s3  }
0xc: {  	[smem:$0x3FB1] =	sst s4  }
0xd: {  	[smem:$0x3FB2] =	sst s5  }
0xe: {  	[smem:$0x3FB3] =	sst s6  }
0xf: {  	[smem:$0x3FB4] =	sst s7  }
0x10: {  	[smem:$0x3FB5] =	sst s8  }
0x11: {  	[smem:$0x3FB6] =	sst s9;
	s0 =	simm.s32 @!p0 $0x0  }
0x12: {  	s1 =	sld [smem:$0x3F9C];
	s0 =	simm.s32 @p0 $0x1  }
0x13: {  	[smem:$0x3FB7] =	sst s0;
	s0 =	simm.s32 @!p1 $0x0  }
0x14: {  	s2 =	sld [smem:$0x3F9B];
	s0 =	simm.s32 @p1 $0x1  }
0x15: {  	[smem:$0x3FB8] =	sst s0;
	s0 =	simm.s32 @!p2 $0x0  }
0x16: {  	s3 =	sld [smem:$0x3FDB];
	s0 =	simm.s32 @p2 $0x1  }
0x17: {  	s4 =	simm.s32 $0x1BF5;
	[smem:$0x3FBA] =	sst s0  }
0x18: {  	s0 =	sld [smem:$0x3F9D];
	_ =	swait.ge [sflag:s4], $0x0  }
0x19: {  	s7 =	sld [smem:$0x3F9E]  }
0x1a: {  	s8 =	sadd.s32 $0xFFFFE003, lr  }
0x1b: {  	s9 =	sadd.s32 $0xFFFFFEF7, lr;
	s5 =	simm.s32 $0xFFFFFFFF;
	p2 =	slt.u32 s8, $0xFFFFF086  }
0x1c: {  	p1 =	slt.u32 s9, $0xF7A;
	s5 =	simm.s32 @!p2 $0x0  }
0x1d: {  	s5 =	simm.s32 @p1 $0x1;
	p0 =	seq.s32 s7, s2  }
0x1e: {  	s7 =	smul.u32 @!p0 $0xF7A, s2;
	p2 =	seq.s32 @!p0 s5, $0x0  }
0x1f: {  	s9 =	smul.u32 $0xF7A, s1;
	s8 =	simm.s32 @!p0 $0x1BF5;
	p2 =	por !p2, p0  }
0x20: {  	[sflag:s8] =	ssyncset.s32 @!p0 $0xFFFFF086;
	s6 =	sadd.s32 @!p0 s3, s7;
	s7 =	simm.s32 @!p0 $0x108  }
0x21: {  	s3 =	sadd.s32 s3, s9;
	s6 =	sadd.s32 @!p0 $0x88, s6;
	s7 =	simm.s32 @p2 $0x1082  }
0x22: {  	[simem:s7], [sflag:s8] =	dma.local @!p0 [hbm:s6], $0xF7A  }
0x23: {  	s9 =	sor.u32 $0xD0000000, s2;
	s6 =	simm.s32 $0x108;
	_ =	swait.ge @!p0 [sflag:s8], $0x0  }
0x24: {  	s3 =	sadd.s32 $0x88, s3;
	s6 =	simm.s32 @!p1 $0x1082;
	[sflag:s4] =	ssyncset.s32 $0xFFFFF086  }
0x25: {  	[simem:s6], [sflag:s4] =	dma.local [hbm:s3], $0xF7A  }
0x26: {  	[smem:$0x3F9E] =	sst s1;
	(tag) =	ssettag s2;
	_ =	strace s9  }
0x27: {  	s1 =	sld [smem:$0x3FAE]  }
0x28: {  	s2 =	sld [smem:$0x3FAF]  }
0x29: {  	s4 =	sld [smem:$0x3FB1]  }
0x2a: {  	p0 =	seq.s32 s5, $0x0;
	s5 =	sld [smem:$0x3FB2]  }
0x2b: {  	s6 =	sld [smem:$0x3FB3]  }
0x2c: {  	s7 =	sld [smem:$0x3FB4]  }
0x2d: {  	s3 =	simm.s32 $0x108;
	s8 =	sld [smem:$0x3FB5]  }
0x2e: {  	s3 =	simm.s32 @!p0 $0x1082;
	s9 =	sld [smem:$0x3FB6]  }
0x2f: {  	lr =	sadd.s32 s0, s3;
	s0 =	sld [smem:$0x3FAD]  }
0x30: {  	s3 =	sld [smem:$0x3FB0]  }
0x31: {  	[smem:$0x3FB9] =	sst s10  }
0x32: {  	s10 =	sld [smem:$0x3FB7];
	_ =	sdelay $0x3  }
0x33: {  	p0 =	seq.s32 s10, $0x1;
	s10 =	sld [smem:$0x3FB9];
	_ =	sdelay $0x3  }
0x34: {  	[smem:$0x3FB9] =	sst s10  }
0x35: {  	s10 =	sld [smem:$0x3FB8];
	_ =	sdelay $0x3  }
0x36: {  	p1 =	seq.s32 s10, $0x1;
	s10 =	sld [smem:$0x3FB9];
	_ =	sdelay $0x3  }
0x37: {  	[smem:$0x3FB9] =	sst s10  }
0x38: {  	s10 =	sld [smem:$0x3FBA]  }
0x39: {  	_ = 	snop;
	(pc) =	sbr.ind lr, $3  }
0x3a: {  	_ = 	snop  }
0x3b: {  	_ = 	snop  }
0x3c: {  	p2 =	seq.s32 s10, $0x1;
	s10 =	sld [smem:$0x3FB9]  }
0x3d: {  	_ =	shalt  }
0x3e: {  	_ =	shalt  }
0x3f: {  	_ =	shalt  }
0x40: {  	_ =	shalt  }
0x41: {  	_ =	shalt  }
0x42: {  	_ =	shalt  }
0x43: {  	_ =	shalt  }
0x44: {  	_ =	shalt  }
0x45: {  	_ =	shalt  }
0x46: {  	_ =	shalt  }
0x47: {  	_ =	shalt  }
0x48: {  	_ =	shalt  }
0x49: {  	_ =	shalt  }
0x4a: {  	_ =	shalt  }
0x4b: {  	_ =	shalt  }
0x4c: {  	_ =	shalt  }
0x4d: {  	_ =	shalt  }
0x4e: {  	_ =	shalt  }
0x4f: {  	_ =	shalt  }
0x50: {  	_ =	shalt  }
0x51: {  	_ =	shalt  }
0x52: {  	_ =	shalt  }
0x53: {  	_ =	shalt  }
0x54: {  	_ =	shalt  }
0x55: {  	_ =	shalt  }
0x56: {  	_ =	shalt  }
0x57: {  	_ =	shalt  }
0x58: {  	_ =	shalt  }
0x59: {  	_ =	shalt  }
0x5a: {  	_ =	shalt  }
0x5b: {  	_ =	shalt  }
0x5c: {  	_ =	shalt  }
0x5d: {  	_ =	shalt  }
0x5e: {  	_ =	shalt  }
0x5f: {  	_ =	shalt  }
0x60: {  	_ =	shalt  }
0x61: {  	_ =	shalt  }
0x62: {  	_ =	shalt  }
0x63: {  	_ =	shalt  }
0x64: {  	_ =	shalt  }
0x65: {  	_ =	shalt  }
0x66: {  	_ =	shalt  }
0x67: {  	_ =	shalt  }
0x68: {  	_ =	shalt  }
0x69: {  	_ =	shalt  }
0x6a: {  	_ =	shalt  }
0x6b: {  	_ =	shalt  }
0x6c: {  	_ =	shalt  }
0x6d: {  	_ =	shalt  }
0x6e: {  	_ =	shalt  }
0x6f: {  	_ =	shalt  }
0x70: {  	_ =	shalt  }
0x71: {  	_ =	shalt  }
0x72: {  	_ =	shalt  }
0x73: {  	_ =	shalt  }
0x74: {  	_ =	shalt  }
0x75: {  	_ =	shalt  }
0x76: {  	_ =	shalt  }
0x77: {  	_ =	shalt  }
0x78: {  	_ =	shalt  }
0x79: {  	_ =	shalt  }
0x7a: {  	_ =	shalt  }
0x7b: {  	_ =	shalt  }
0x7c: {  	_ =	shalt  }
0x7d: {  	_ =	shalt  }
0x7e: {  	_ =	shalt  }
0x7f: {  	_ =	shalt  }
0x80: {  	_ =	shalt  }
0x81: {  	_ =	shalt  }
0x82: {  	_ =	shalt  }
0x83: {  	_ =	shalt  }
0x84: {  	_ =	shalt  }
0x85: {  	_ =	shalt  }
0x86: {  	_ =	shalt  }
0x87: {  	_ =	shalt  }
.Lfunc_end0:
.L_simem_size_0:
called_computation_lowered:
.L_overlay_start_0:
0x88: {  	s2 =	sld [smem:$0x3FD9]  }
0x89: {  	s3 =	sld [smem:$0x3FFE];
	_ =	sdelay $0x1  }
0x8a: {  	s1 =	srdreg.scid  }
0x8b: {  	s0 =	sand.u32 $0x1, s1  }
0x8c: {  	s16 =	sshll.u32 s0, $0xA;
	s2 =	sadd.s32 s3, s2  }
0x8d: {  	s2 =	sadd.s32 s2, s16  }
0x8e: {  	[smem:$0x3FC5] =	sst s2  }
0x8f: {  	_ = 	snop  }
0x90: {  	(tm) =	ssettm $0x1  }
0x91: {  	s17 =	sld [smem:$0x3FFB];
	_ =	sdelay $0x3  }
0x92: {  	_ =	strace s17  }
0x93: {  	s2 =	sld [smem:$0x3FFC];
	_ =	sdelay $0x3  }
0x94: {  	_ =	strace s2  }
0x95: {  	s2 =	sld [smem:$0x3FFD];
	_ =	sdelay $0x3  }
0x96: {  	_ =	strace s2  }
0x97: {  	_ =	strace $0x8FFFFFFF  }
0x98: {  	s18 =	sld [smem:$0x3FDB];
	_ =	sdelay $0x1  }
0x99: {  	s19 =	simm.s32 $_scs_section_size  }
0x9a: {  	s4 =	simm.s32 $_size__tile_overlayer_lowered;
	s5 =	simm.s32 $_tile_overlayer_lowered  }
0x9b: {  	s22 =	simm.s32 $0x1BFF;
	s21 =	sshll.u32 s5, $0x1;
	s2 =	sadd.s32 s19, s18  }
0x9c: {  	s6 =	simm.s32 $0x0;
	s20 =	sshll.u32 s4, $0x1;
	s4 =	sadd.s32 s21, s2  }
0x9d: {  	[timem:s6], [sflag:s22] =	dma.local [hbm:s4], s20  }
0x9e: {  	_ =	swait.ge [sflag:s22], s20  }
0x9f: {  	s3 =	ssub.s32 $0x0, s20;
	[sflag:s22] =	ssyncset.done $0x0  }
0xa0: {  	[sflag:s22] =	ssyncadd.s32 s3;
	_ =	sdelay $0x1  }
0xa1: {  	s23 =	simm.s32 $0x1B8B  }
0xa2: {  	_ =	swait.ge [sflag:s23], $0x1  }
0xa3: {  	[sflag:s23] =	ssyncset.done $0x0  }
0xa4: {  	s25 =	simm.s32 $0x1B8E;
	s24 =	sld [smem:$0x3FFE];
	[sflag:s23] =	ssyncadd.s32 $0xFFFFFFFF  }
0xa5: {  	s26 =	simm.s32 $execute0_lowered;
	[smem:$0x3FD2] =	sst s25  }
0xa6: {  	s4 =	sshll.u32 s26, $0x1;
	_ =	strace $0x80000046;
	[dreg:$0x1] =	wrdreg $0xFFFFFFFF  }
0xa7: {  	s28 =	simm.s32 $_size_execute0_lowered;
	s2 =	sadd.s32 s2, s4;
	[dreg:$0x0] =	wrdreg $0x0  }
0xa8: {  	s4 =	sshll.u32 s28, $0x1;
	[dreg:$0x2] =	wrdreg s2  }
0xa9: {  	[dreg:$0x3] =	wrdreg s4  }
0xaa: {  	[dreg:$0x4] =	wrdreg $0xC0  }
0xab: {  	_ =	task [dreg:s6], $0x5FFFF  }
0xac: {  	[dreg:$0x1] =	wrdreg $0xFFFFFFFF  }
0xad: {  	[dreg:$0x0] =	wrdreg $0x60  }
0xae: {  	[dreg:$0x2] =	wrdreg s24  }
0xaf: {  	[dreg:$0x3] =	wrdreg $0x9  }
0xb0: {  	_ =	task.clear_ibuf [dreg:s6], $0x4FFFF;
	_ =	strace $0x90000046  }
0xb1: {  	s29 =	simm.s32 $0x9;
	_ =	strace $0x80000048  }
0xb2: {  	_ =	swait.ge [sflag:s29], $0x1  }
0xb3: {  	[sflag:s29] =	ssyncadd.s32 $0xFFFFFFFF  }
0xb4: {  	_ =	strace $0x90000048  }
0xb5: {  	_ =	sfence  }
0xb6: {  	s30 =	sld [smem:$0x0];
	_ =	sdelay $0x2  }
0xb7: {  	s31 =	sshll.u32 s1, $0xD;
	s1 =	sshrl.u32 s1, $0x2  }
0xb8: {  	s3 =	sand.u32 $0x4000, s31;
	s1 =	sadd.s32 s1, s30  }
0xb9: {  	s0 =	sor.u32 s3, s0;
	s1 =	sshll.u32 s1, $0x11  }
0xba: {  	s0 =	sor.u32 s1, s0  }
0xbb: {  	s0 =	sadd.s32 $0x8F2B, s0  }
0xbc: {  	[sflag:s0] =	ssyncadd.remote.s32 $0x1  }
0xbd: {  	_ =	sfence.sel $0xFFFF  }
0xbe: {  	[dreg:$0x0] =	wrdreg $0xFFFFFFFF;
	(pc) =	sbr.abs _section_cstart, $3  }
0xbf: {  	[dreg:$0x1] =	wrdreg $0xFFFFFFFF  }
0xc0: {  	_ =	task.clear_ibuf [dreg:s6], $0x2FFFF;
	_ =	strace $0x9FFFFFFF  }
0xc1: {  	(tm) =	ssettm $0x7FFFFFFF  }
tec
execute0_lowered:
.L_overlay_start_1:
0x0: {  	(tag) =	ssettag $0x1  }
0x1: {  	s0 =	rddreg [dreg:$0x0]  }
0x2: {  	s1 =	simm.s32 $0x0;
	s2 =	srdreg.scid;
	s5 =	stileid.u32  }
0x3: {  	s19 =	simm.s32 $0x1;
	s20 =	simm.s32 $0x8000;
	s21 =	simm.s32 $0x10000  }
0x4: {  	s22 =	simm.s32 $0x2;
	s25 =	simm.s32 $0x3;
	s29 =	simm.s32 $0x4  }
0x5: {  	[smem:$0x7FF] =	sst s1;
	s6 =	sadd.s32 $0x1000, s0;
	s2 =	sand.u32 $0x1, s2  }
0x6: {  	s13 =	sadd.s32 $0x21000, s0;
	s5 =	sshll.u32 s5, $0xD;
	s3 =	ssub.s32 $0x2, s2  }
0x7: {  	s0 =	sadd.s32 $0x41000, s0;
	s2 =	sshll.u32 s2, $0xC;
	s4 =	sshrl.u32 s3, $0x1  }
0x8: {  	_ =	strace $0x80000047;
	s2 =	sor.u32 s2, s5;
	s15 =	ssub.s32 s3, s4  }
0x9: {  	s3 =	sadd.s32 s6, s2;
	s10 =	sor.u32 $0x400, s2;
	s12 =	sor.u32 $0x800, s2  }
0xa: {  	s14 =	sor.u32 $0xC00, s2;
	s7 =	sadd.s32 s13, s2;
	s8 =	sadd.s32 s0, s2  }
0xb: {  	v0 =	vlaneseq.u32;
	s2 =	simm.s32 $0x0;
	s4 =	sadd.s32 s6, s10;
	s5 =	sadd.s32 s6, s12  }
0xc: {  	v4 =	vmul.u32 $0xFFFFFFFF, v0;
	s6 =	sadd.s32 s6, s14;
	s9 =	sadd.s32 s13, s10;
	s10 =	sadd.s32 s0, s10  }
0xd: {  	vm0 =	vmmov $0xff;
	v1 =	vor.u32 $0x10, v0;
	s11 =	sadd.s32 s13, s12;
	s12 =	sadd.s32 s0, s12;
	s13 =	sadd.s32 s13, s14  }
0xe: {  	v2 =	vor.u32 $0x20, v0;
	v3 =	vor.u32 $0x30, v0;
	v4 =	vadd.s32 $0xF, v4;
	s14 =	sadd.s32 s0, s14;
	s15 =	smax.u32 s15, $0x1;
	s0 =	simm.s32 $0x5  }
.LBB2_1:
0xf: {  	[tilespmem:s1], [sflag:$0x1] =	stream.linear.gather [hbm4b:s3+s1], $0x2000, $0x38;
	[tilespmem:$0x18000] =	vst v63  }
0x10: {  	s16 =	simm.s32 $0x2000  }
0x11: {  	[tilespmem:s16], [sflag:$0x2] =	stream.linear.gather [hbm4b:s4+s1], $0x2000, $0x38;
	[tilespmem:$0x18000] =	vst v63  }
0x12: {  	s17 =	simm.s32 $0x4000  }
0x13: {  	[tilespmem:s17], [sflag:$0x3] =	stream.linear.gather [hbm4b:s5+s1], $0x2000, $0x38;
	[tilespmem:$0x18000] =	vst v63  }
0x14: {  	s18 =	simm.s32 $0x6000  }
0x15: {  	[tilespmem:s18], [sflag:$0x4] =	stream.linear.gather [hbm4b:s6+s1], $0x2000, $0x38;
	[tilespmem:$0x18000] =	vst v63  }
0x16: {  	_ =	swait.ge [sflag:s19], $0x2000  }
0x17: {  	[sflag:s19] =	ssyncset.done $0x0  }
0x18: {  	s23 =	simm.s32 $0x80;
	[sflag:s19] =	ssyncadd.s32 $0xFFFFE000  }
0x19: {  	v5 =	vld [tilespmem:s23+$0x30]  }
0x1a: {  	v6 =	vld [tilespmem:s23+$0x10]  }
0x1b: {  	v7 =	vld [tilespmem:s23+$0x20]  }
0x1c: {  	v8 =	vld [tilespmem:s23+$0xFFFFFFB0]  }
0x1d: {  	v9 =	vld [tilespmem:s23+$0x0]  }
0x1e: {  	(xrf1) =	vsort.dscd.msk.f32 $0xffff, v5, v3  }
0x1f: {  	(xrf1) =	vsort.dscd.msk.f32 $0xffff, v6, v1  }
0x20: {  	(xrf1) =	vsort.dscd.msk.f32 $0xffff, v7, v2  }
0x21: {  	(xrf1) =	vsort.dscd.msk.f32 $0xffff, v8, v3  }
0x22: {  	(xrf1) =	vsort.dscd.msk.f32 $0xffff, v9, v0;
	_ =	sdelay $0x4  }
0x23: {  	v5 =	vld [tilespmem:s23+$0xFFFFFF90]  }
0x24: {  	v6 =	vld [tilespmem:s23+$0xFFFFFFA0]  }
0x25: {  	v7 =	vld [tilespmem:s23+$0xFFFFFF80];
	_ =	sdelay $0x2  }
0x26: {  	(xrf1) =	vsort.dscd.msk.f32 $0xffff, v5, v1;
	v5, v8, _ =	vpop (xrf1)  }
0x27: {  	(xrf1) =	vsort.dscd.msk.f32 $0xffff, v6, v2;
	v5 =	vperm.xlane v5, v4;
	v6 =	vperm.xlane v8, v4;
	v8, v9, _ =	vpop (xrf1)  }
0x28: {  	(xrf1) =	vsort.dscd.msk.f32 $0xffff, v7, v0;
	v7 =	vperm.xlane v8, v4;
	v8, v10, _ =	vpop (xrf1)  }
0x29: {  	s24 =	simm.s32 $0x180;
	v5 =	vsel vm0, v8, v5;
	v6 =	vsel vm0, v10, v6;
	v8, v10, _ =	vpop (xrf1)  }
0x2a: {  	v11 =	vld [tilespmem:s24+$0x30];
	v9 =	vperm.xlane v9, v4;
	v13, v14, _ =	vpop (xrf1);
	(xrf1) =	vsort.dscd.msk.f32 $0xffff, v5, v6  }
0x2b: {  	v12 =	vld [tilespmem:s24+$0x10]  }
0x2c: {  	v5 =	vld [tilespmem:s24+$0x20];
	v6 =	vsel vm0, v13, v7;
	v7 =	vsel vm0, v14, v9  }
0x2d: {  	v9 =	vld [tilespmem:s24+$0xFFFFFFB0];
	(xrf1) =	vsort.dscd.msk.f32 $0xffff, v6, v7  }
0x2e: {  	v6 =	vld [tilespmem:s24+$0x0]  }
0x2f: {  	(xrf1) =	vsort.dscd.msk.f32 $0xffff, v11, v3  }
0x30: {  	(xrf1) =	vsort.dscd.msk.f32 $0xffff, v12, v1  }
0x31: {  	(xrf1) =	vsort.dscd.msk.f32 $0xffff, v5, v2  }
0x32: {  	v5 =	vld [tilespmem:s24+$0xFFFFFF90];
	(xrf1) =	vsort.dscd.msk.f32 $0xffff, v9, v3  }
0x33: {  	v10 =	vperm.xlane v10, v4;
	(xrf1) =	vsort.dscd.msk.f32 $0xffff, v6, v0;
	v6 =	vld [tilespmem:s24+$0xFFFFFFA0]  }
0x34: {  	v7 =	vld [tilespmem:s24+$0xFFFFFF80]  }
0x35: {  	v8 =	vperm.xlane v8, v4;
	v9, v11, _ =	vpop (xrf1)  }
0x36: {  	v12, v13, _ =	vpop (xrf1)  }
0x37: {  	(xrf1) =	vsort.dscd.msk.f32 $0xffff, v5, v1;
	v14, v15, _ =	vpop (xrf1);
	v5 =	vsel vm0, v12, v8;
	v8 =	vsel vm0, v13, v10  }
0x38: {  	v9 =	vperm.xlane v9, v4;
	(xrf1) =	vsort.dscd.msk.f32 $0xffff, v6, v2;
	v6, v10, _ =	vpop (xrf1)  }
0x39: {  	v11 =	vperm.xlane v11, v4;
	(xrf1) =	vsort.dscd.msk.f32 $0xffff, v7, v0;
	v7 =	vperm.xlane v10, v4  }
0x3a: {  	v6 =	vperm.xlane v6, v4  }
0x3b: {  	v9 =	vsel vm0, v14, v9;
	(xrf1) =	vsort.dscd.msk.f32 $0xffff, v5, v8;
	v10 =	vsel vm0, v15, v11;
	v5, v8, _ =	vpop (xrf1)  }
0x3c: {  	(xrf1) =	vsort.dscd.msk.f32 $0xffff, v9, v10;
	v5 =	vsel vm0, v5, v6;
	v6 =	vsel vm0, v8, v7  }
0x3d: {  	(xrf1) =	vsort.dscd.msk.f32 $0xffff, v5, v6;
	v7, v8, _ =	vpop (xrf1)  }
0x3e: {  	v5 =	vperm.xlane v7, v4;
	v6 =	vperm.xlane v8, v4;
	v7, v8, _ =	vpop (xrf1)  }
0x3f: {  	s26 =	simm.s32 $0x280;
	v7 =	vperm.xlane v7, v4;
	v9, v10, _ =	vpop (xrf1)  }
0x40: {  	v11 =	vld [tilespmem:s26+$0x30];
	v8 =	vperm.xlane v8, v4;
	v5 =	vsel vm0, v9, v5;
	v6 =	vsel vm0, v10, v6;
	v9, v12, _ =	vpop (xrf1)  }
0x41: {  	v10 =	vld [tilespmem:s26+$0x10];
	v13, v14, _ =	vpop (xrf1);
	(xrf1) =	vsort.dscd.msk.f32 $0xffff, v5, v6  }
0x42: {  	v5 =	vld [tilespmem:s26+$0x20];
	v6 =	vsel vm0, v13, v7;
	v7 =	vsel vm0, v14, v8  }
0x43: {  	(xrf1) =	vsort.dscd.msk.f32 $0xffff, v6, v7  }
0x44: {  	v8 =	vld [tilespmem:s26+$0xFFFFFFB0]  }
0x45: {  	v6 =	vld [tilespmem:s26+$0x0];
	(xrf1) =	vsort.dscd.msk.f32 $0xffff, v11, v3  }
0x46: {  	v7, v11, _ =	vpop (xrf1);
	(xrf1) =	vsort.dscd.msk.f32 $0xffff, v10, v1  }
0x47: {  	v13, v14, _ =	vpop (xrf1);
	(xrf1) =	vsort.dscd.msk.f32 $0xffff, v5, v2  }
0x48: {  	v5, v15, _ =	vpop (xrf1)  }
0x49: {  	(xrf1) =	vsort.dscd.msk.f32 $0xffff, v8, v3;
	v8 =	vld [tilespmem:s26+$0xFFFFFF90];
	v16, v17, _ =	vpop (xrf1)  }
0x4a: {  	v9 =	vperm.xlane v9, v4;
	(xrf1) =	vsort.dscd.msk.f32 $0xffff, v6, v0;
	v6 =	vld [tilespmem:s26+$0xFFFFFFA0];
	v18, v19, _ =	vpop (xrf1)  }
0x4b: {  	v20 =	vld [tilespmem:s26+$0xFFFFFF80];
	v12 =	vperm.xlane v12, v4;
	v7 =	vperm.xlane v7, v4;
	v21, v10, _ =	vpop (xrf1)  }
0x4c: {  	v11 =	vperm.xlane v11, v4;
	(xrf0) =	vmax.scan.msk.f32 $0xffff, v21  }
0x4d: {  	v9 =	vsel vm0, v13, v9;
	v12 =	vsel vm0, v14, v12;
	v5 =	vsel vm0, v5, v7  }
0x4e: {  	v7 =	vsel vm0, v15, v11;
	v11 =	vperm.xlane v16, v4;
	(xrf1) =	vsort.dscd.msk.f32 $0xffff, v8, v1  }
0x4f: {  	(xrf1) =	vsort.dscd.msk.f32 $0xffff, v6, v2;
	v6, v8, _ =	vpop (xrf1)  }
0x50: {  	(xrf1) =	vsort.dscd.msk.f32 $0xffff, v20, v0;
	v6 =	vperm.xlane v6, v4;
	v8 =	vperm.xlane v8, v4  }
0x51: {  	v13 =	vperm.xlane v17, v4;
	(xrf1) =	vsort.dscd.msk.f32 $0xffff, v9, v12;
	v9, v12, _ =	vpop (xrf1)  }
0x52: {  	(xrf1) =	vsort.dscd.msk.f32 $0xffff, v5, v7;
	v7, _, _ =	vpop (xrf0);
	v5 =	vsel vm0, v9, v6;
	v6 =	vsel vm0, v12, v8  }
0x53: {  	v8 =	vsel vm0, v18, v11;
	v9, v11, _ =	vpop (xrf1);
	(xrf1) =	vsort.dscd.msk.f32 $0xffff, v5, v6;
	v5 =	vbroadcast v7, $0xF  }
0x54: {  	v7 =	vperm.xlane v9, v4;
	v9 =	vperm.xlane v11, v4;
	v11, v12, _ =	vpop (xrf1)  }
0x55: {  	v6 =	vsel vm0, v19, v13;
	v13, v14, _ =	vpop (xrf1)  }
0x56: {  	s30 =	simm.s32 $0x380;
	(xrf1) =	vsort.dscd.msk.f32 $0xffff, v8, v6;
	v8 =	vperm.xlane v12, v4  }
0x57: {  	v6 =	vld [tilespmem:s30+$0x30];
	v5 =	vsub.f32 v21, v5;
	v7 =	vsel vm0, v13, v7;
	v9 =	vsel vm0, v14, v9;
	v12, v13, _ =	vpop (xrf1)  }
0x58: {  	v11 =	vperm.xlane v11, v4;
	v14 =	vld [tilespmem:s30+$0x10];
	(xrf1) =	vsort.dscd.msk.f32 $0xffff, v7, v9;
	v15, v16, _ =	vpop (xrf1)  }
0x59: {  	v7 =	vld [tilespmem:s30+$0x20];
	v5 =	vmul.f32 $1.442695020e+00, v5;
	v8 =	vsel vm0, v16, v8  }
0x5a: {  	v9 =	vsel vm0, v15, v11;
	v11 =	vld [tilespmem:s30+$0xFFFFFFB0]  }
0x5b: {  	(xrf1) =	vsort.dscd.msk.f32 $0xffff, v9, v8;
	(erf) = vpow2.f32 v5;
	v5 =	vld [tilespmem:s30+$0x0]  }
0x5c: {  	(xrf1) =	vsort.dscd.msk.f32 $0xffff, v6, v3  }
0x5d: {  	v6, v8, _ =	vpop (xrf1);
	(xrf1) =	vsort.dscd.msk.f32 $0xffff, v14, v1  }
0x5e: {  	v9, v14, _ =	vpop (xrf1);
	(xrf1) =	vsort.dscd.msk.f32 $0xffff, v7, v2  }
0x5f: {  	v7 =	vld [tilespmem:s30+$0xFFFFFF90];
	v15, v16, _ =	vpop (xrf1);
	(xrf1) =	vsort.dscd.msk.f32 $0xffff, v11, v3  }
0x60: {  	v18, v19, _ =	vpop (xrf1);
	(xrf1) =	vsort.dscd.msk.f32 $0xffff, v5, v0;
	v5 =	vperm.xlane v12, v4;
	_ =	sdelay $0x1  }
0x61: {  	v20, v21, _ =	vpop (xrf1)  }
0x62: {  	v17 =	vld [tilespmem:s30+$0xFFFFFFA0];
	v23, v11, _ =	vpop (xrf1)  }
0x63: {  	v22 =	vld [tilespmem:s30+$0xFFFFFF80];
	v13 =	vperm.xlane v13, v4;
	v6 =	vperm.xlane v6, v4;
	(xrf1) =	vsort.dscd.msk.f32 $0xffff, v7, v1;
	v7 =	vpop (erf)  }
0x64: {  	v8 =	vperm.xlane v8, v4;
	v9 =	vsel vm0, v9, v5;
	(xrf0) =	vmax.scan.msk.f32 $0xffff, v23;
	v12 =	vnsel vm0, $0x0, v7;
	v7, v5, _ =	vpop (xrf1)  }
0x65: {  	v13 =	vsel vm0, v14, v13;
	v6 =	vsel vm0, v15, v6;
	v14, v15, _ =	vpop (xrf1)  }
0x66: {  	v8 =	vsel vm0, v16, v8;
	v15 =	vperm.xlane v15, v4  }
0x67: {  	v16 =	vperm.xlane v18, v4;
	(xrf1) =	vsort.dscd.msk.f32 $0xffff, v17, v2;
	v14 =	vperm.xlane v14, v4  }
0x68: {  	(xrf1) =	vsort.dscd.msk.f32 $0xffff, v22, v0  }
0x69: {  	v17 =	vperm.xlane v19, v4;
	(xrf1) =	vsort.dscd.msk.f32 $0xffff, v9, v13;
	v9, v13, _ =	vpop (xrf1)  }
0x6a: {  	(xrf1) =	vsort.dscd.msk.f32 $0xffff, v6, v8;
	v6 =	vsel vm0, v9, v14;
	v8 =	vsel vm0, v13, v15;
	v9, _, _ =	vpop (xrf0)  }
0x6b: {  	v14, v15, _ =	vpop (xrf1);
	(xrf1) =	vsort.dscd.msk.f32 $0xffff, v6, v8;
	v6 =	vbroadcast v9, $0xF  }
0x6c: {  	v13 =	vsel vm0, v20, v16;
	v9 =	vperm.xlane v14, v4;
	v14 =	vperm.xlane v15, v4;
	v15, v16, _ =	vpop (xrf1)  }
0x6d: {  	(xrf0) =	vmax.scan.msk.f32 $0xffff, v7;
	v8 =	vsel vm0, v21, v17;
	v17, v18, _ =	vpop (xrf1)  }
0x6e: {  	s31 =	simm.s32 $0x480;
	(xrf1) =	vsort.dscd.msk.f32 $0xffff, v13, v8;
	v15 =	vperm.xlane v15, v4;
	v6 =	vsub.f32 v23, v6  }
0x6f: {  	(xrf2) =	vadd.scan.msk.f32 $0xffff, v12;
	v8 =	vld [tilespmem:s31+$0x30];
	v13 =	vperm.xlane v16, v4;
	v9 =	vsel vm0, v17, v9;
	v14 =	vsel vm0, v18, v14;
	v16, v17, _ =	vpop (xrf1)  }
0x70: {  	v18 =	vld [tilespmem:s31+$0x10];
	(xrf1) =	vsort.dscd.msk.f32 $0xffff, v9, v14;
	v19, v20, _ =	vpop (xrf1)  }
0x71: {  	v6 =	vmul.f32 $1.442695020e+00, v6;
	v9 =	vld [tilespmem:s31+$0x20];
	v14 =	vsel vm0, v19, v15  }
0x72: {  	v13 =	vsel vm0, v20, v13;
	v15 =	vld [tilespmem:s31+$0xFFFFFFB0]  }
0x73: {  	(erf) = vpow2.f32 v6;
	v6 =	vld [tilespmem:s31+$0x0];
	(xrf1) =	vsort.dscd.msk.f32 $0xffff, v14, v13  }
0x74: {  	v28, _, _ =	vpop (xrf0);
	(xrf1) =	vsort.dscd.msk.f32 $0xffff, v8, v3  }
0x75: {  	v8, v14, _ =	vpop (xrf1);
	(xrf1) =	vsort.dscd.msk.f32 $0xffff, v18, v1  }
0x76: {  	v18, v19, _ =	vpop (xrf1);
	(xrf1) =	vsort.dscd.msk.f32 $0xffff, v9, v2  }
0x77: {  	v9 =	vld [tilespmem:s31+$0xFFFFFF90];
	v20, v21, _ =	vpop (xrf1);
	(xrf1) =	vsort.dscd.msk.f32 $0xffff, v15, v3  }
0x78: {  	v22, v23, _ =	vpop (xrf1);
	(xrf1) =	vsort.dscd.msk.f32 $0xffff, v6, v0;
	v6 =	vperm.xlane v16, v4  }
0x79: {  	v13, _, _ =	vpop (xrf2);
	v15 =	vld [tilespmem:s31+$0xFFFFFFA0]  }
0x7a: {  	v16 =	vperm.xlane v17, v4;
	v24, v25, _ =	vpop (xrf1)  }
0x7b: {  	v13 =	vbroadcast v13, $0xF;
	v27, v17, _ =	vpop (xrf1)  }
0x7c: {  	v26 =	vld [tilespmem:s31+$0xFFFFFF80];
	(xrf1) =	vsort.dscd.msk.f32 $0xffff, v9, v1;
	v9 =	vpop (erf)  }
0x7d: {  	(erf) = vrcp.f32 v13;
	v18 =	vsel vm0, v18, v6;
	(xrf0) =	vmax.scan.msk.f32 $0xffff, v27;
	v13 =	vnsel vm0, $0x0, v9;
	v9, v6, _ =	vpop (xrf1)  }
0x7e: {  	v8 =	vperm.xlane v8, v4;
	(xrf1) =	vsort.dscd.msk.f32 $0xffff, v15, v2;
	v15 =	vsel vm0, v19, v16;
	v16, v19, _ =	vpop (xrf1)  }
0x7f: {  	v19 =	vperm.xlane v19, v4  }
0x80: {  	v14 =	vperm.xlane v14, v4;
	v8 =	vsel vm0, v20, v8;
	v20 =	vperm.xlane v22, v4;
	(xrf2) =	vadd.scan.msk.f32 $0xffff, v13  }
0x81: {  	(xrf1) =	vsort.dscd.msk.f32 $0xffff, v26, v0;
	v16 =	vperm.xlane v16, v4  }
0x82: {  	v14 =	vsel vm0, v21, v14;
	v21 =	vperm.xlane v23, v4;
	(xrf1) =	vsort.dscd.msk.f32 $0xffff, v18, v15;
	v15, v18, _ =	vpop (xrf1)  }
0x83: {  	(xrf1) =	vsort.dscd.msk.f32 $0xffff, v8, v14;
	v8 =	vsel vm0, v15, v16;
	v14 =	vsel vm0, v18, v19;
	v15, _, _ =	vpop (xrf0)  }
0x84: {  	v28 =	vbroadcast v28, $0xF;
	v18, v19, _ =	vpop (xrf1);
	(xrf1) =	vsort.dscd.msk.f32 $0xffff, v8, v14;
	v8 =	vbroadcast v15, $0xF  }
0x85: {  	v16 =	vsel vm0, v24, v20;
	v15 =	vperm.xlane v18, v4;
	v18 =	vperm.xlane v19, v4;
	v19, v20, _ =	vpop (xrf1)  }
0x86: {  	v14 =	vsel vm0, v25, v21;
	v21, v22, _ =	vpop (xrf1)  }
0x87: {  	v7 =	vsub.f32 v7, v28;
	(xrf1) =	vsort.dscd.msk.f32 $0xffff, v16, v14  }
0x88: {  	s17 =	simm.s32 $0x580;
	v19 =	vperm.xlane v19, v4;
	v16 =	vperm.xlane v20, v4;
	v15 =	vsel vm0, v21, v15;
	v20, v21, _ =	vpop (xrf1)  }
0x89: {  	(xrf0) =	vmax.scan.msk.f32 $0xffff, v9;
	v14 =	vld [tilespmem:s17+$0x30];
	v8 =	vsub.f32 v27, v8;
	v18 =	vsel vm0, v22, v18;
	v23, v24, _ =	vpop (xrf1)  }
0x8a: {  	v7 =	vmul.f32 $1.442695020e+00, v7;
	v22 =	vld [tilespmem:s17+$0x10];
	(xrf1) =	vsort.dscd.msk.f32 $0xffff, v15, v18;
	v16 =	vsel vm0, v24, v16  }
0x8b: {  	v8 =	vmul.f32 $1.442695020e+00, v8;
	v15 =	vld [tilespmem:s17+$0x20];
	v18 =	vsel vm0, v23, v19  }
0x8c: {  	(erf) = vpow2.f32 v7;
	v19 =	vpop (erf);
	(xrf1) =	vsort.dscd.msk.f32 $0xffff, v18, v16  }
0x8d: {  	v7 =	vld [tilespmem:s17+$0xFFFFFFB0];
	(erf) = vpow2.f32 v8;
	v16, _, _ =	vpop (xrf2)  }
0x8e: {  	v8 =	vld [tilespmem:s17+$0x0];
	v18, v23, _ =	vpop (xrf1);
	(xrf1) =	vsort.dscd.msk.f32 $0xffff, v14, v3  }
0x8f: {  	v24 =	vld [tilespmem:s17+$0xFFFFFF90];
	v14, _, _ =	vpop (xrf0);
	(xrf1) =	vsort.dscd.msk.f32 $0xffff, v22, v1  }
0x90: {  	v22, v25, _ =	vpop (xrf1);
	(xrf1) =	vsort.dscd.msk.f32 $0xffff, v15, v2  }
0x91: {  	v15, v26, _ =	vpop (xrf1)  }
0x92: {  	v16 =	vbroadcast v16, $0xF;
	(xrf1) =	vsort.dscd.msk.f32 $0xffff, v7, v3;
	v7 =	vld [tilespmem:s17+$0xFFFFFFA0];
	v27, v28, _ =	vpop (xrf1)  }
0x93: {  	(xrf1) =	vsort.dscd.msk.f32 $0xffff, v8, v0;
	v29, v30, _ =	vpop (xrf1)  }
0x94: {  	v31 =	vld [tilespmem:s17+$0xFFFFFF80];
	v21 =	vperm.xlane v21, v4;
	v18 =	vperm.xlane v18, v4;
	(xrf1) =	vsort.dscd.msk.f32 $0xffff, v24, v1;
	v24, v8, _ =	vpop (xrf1)  }
0x95: {  	v20 =	vperm.xlane v20, v4;
	v32 =	vpop (erf);
	v14 =	vbroadcast v14, $0xF;
	(xrf0) =	vmax.scan.msk.f32 $0xffff, v24  }
0x96: {  	v23 =	vperm.xlane v23, v4;
	v21 =	vsel vm0, v25, v21;
	(erf) = vrcp.f32 v16;
	v16 =	vpop (erf)  }
0x97: {  	v20 =	vsel vm0, v22, v20;
	v9 =	vsub.f32 v9, v14;
	v16 =	vnsel vm0, $0x0, v16;
	(xrf1) =	vsort.dscd.msk.f32 $0xffff, v7, v2;
	v22, v7, _ =	vpop (xrf1)  }
0x98: {  	v14 =	vsel vm0, v15, v18;
	v23 =	vsel vm0, v26, v23;
	v26 =	vperm.xlane v28, v4;
	(xrf2) =	vadd.scan.msk.f32 $0xffff, v16;
	v18, v25, _ =	vpop (xrf1)  }
0x99: {  	(xrf1) =	vsort.dscd.msk.f32 $0xffff, v31, v0;
	v18 =	vperm.xlane v18, v4;
	v25 =	vperm.xlane v25, v4  }
0x9a: {  	v15 =	vperm.xlane v27, v4;
	(xrf1) =	vsort.dscd.msk.f32 $0xffff, v20, v21;
	v20, v21, _ =	vpop (xrf1)  }
0x9b: {  	(xrf1) =	vsort.dscd.msk.f32 $0xffff, v14, v23;
	v14 =	vsel vm0, v20, v18;
	v18 =	vsel vm0, v21, v25;
	v20, _, _ =	vpop (xrf0)  }
0x9c: {  	v9 =	vmul.f32 $1.442695020e+00, v9;
	v21, v23, _ =	vpop (xrf1);
	(xrf1) =	vsort.dscd.msk.f32 $0xffff, v14, v18;
	v14 =	vbroadcast v20, $0xF  }
0x9d: {  	v18 =	vperm.xlane v21, v4;
	v20 =	vperm.xlane v23, v4;
	v21, v23, _ =	vpop (xrf1)  }
0x9e: {  	v15 =	vsel vm0, v29, v15;
	(erf) = vpow2.f32 v9;
	v9 =	vsel vm0, v30, v26;
	(xrf0) =	vmax.scan.msk.f32 $0xffff, v22;
	v25, v26, _ =	vpop (xrf1)  }
0x9f: {  	(xrf1) =	vsort.dscd.msk.f32 $0xffff, v15, v9;
	v21 =	vperm.xlane v21, v4;
	v14 =	vsub.f32 v24, v14  }
0xa0: {  	s18 =	simm.s32 $0x680;
	v23 =	vperm.xlane v23, v4;
	v18 =	vsel vm0, v25, v18;
	v20 =	vsel vm0, v26, v20;
	v24, v25, _ =	vpop (xrf1)  }
0xa1: {  	s17 =	simm.s32 $0x80;
	v15 =	vld [tilespmem:s18+$0x30];
	(xrf1) =	vsort.dscd.msk.f32 $0xffff, v18, v20;
	v14 =	vmul.f32 $1.442695020e+00, v14;
	v27, v28, _ =	vpop (xrf1)  }
0xa2: {  	s23 =	simm.s32 $0x180;
	v26 =	vld [tilespmem:s18+$0x10];
	v21 =	vsel vm0, v27, v21;
	v23 =	vsel vm0, v28, v23;
	v27 =	vor.u32 s17, v0  }
0xa3: {  	v57 =	vor.u32 s23, v0;
	v20 =	vld [tilespmem:s18+$0x20];
	v28, _, _ =	vpop (xrf2)  }
0xa4: {  	v29 =	vld [tilespmem:s18+$0xFFFFFFB0];
	v9 =	vnsel vm0, $0x0, v32;
	v58, _, _ =	vpop (xrf0);
	(erf) = vpow2.f32 v14;
	(xrf1) =	vsort.dscd.msk.f32 $0xffff, v21, v23;
	v28 =	vbroadcast v28, $0xF  }
0xa5: {  	v12 =	vmul.f32 v19, v12;
	(xrf2) =	vadd.scan.msk.f32 $0xffff, v9;
	v18 =	vpop (erf);
	v14 =	vld [tilespmem:s18+$0x0]  }
0xa6: {  	(xrf1) =	vsort.dscd.msk.f32 $0xffff, v15, v3;
	v21, v23, _ =	vpop (xrf1)  }
0xa7: {  	v15, v19, _ =	vpop (xrf1);
	(xrf1) =	vsort.dscd.msk.f32 $0xffff, v26, v1;
	[tilespmem:v27+s20+$0x0] =	vst.idx.msk $0xff, v12;
	v12 =	vmul.f32 v18, v13  }
0xa8: {  	(erf) = vrcp.f32 v28;
	v13 =	vld [tilespmem:s18+$0xFFFFFF90];
	(xrf1) =	vsort.dscd.msk.f32 $0xffff, v20, v2;
	v18, v20, _ =	vpop (xrf1);
	[tilespmem:v27+s21+$0x0] =	vst.idx.msk $0xff, v10  }
0xa9: {  	v10 =	vld [tilespmem:s18+$0xFFFFFFA0];
	(xrf1) =	vsort.dscd.msk.f32 $0xffff, v29, v3;
	v27, v28, _ =	vpop (xrf1);
	[tilespmem:v57+s20+$0x0] =	vst.idx.msk $0xff, v12;
	v12 =	vperm.xlane v24, v4  }
0xaa: {  	v21 =	vperm.xlane v21, v4;
	(xrf1) =	vsort.dscd.msk.f32 $0xffff, v14, v0;
	v14 =	vperm.xlane v25, v4;
	v24, v25, _ =	vpop (xrf1)  }
0xab: {  	[tilespmem:v57+s21+$0x0] =	vst.idx.msk $0xff, v11;
	v60, v11, _ =	vpop (xrf1);
	v61 =	vsel vm0, v15, v12;
	v15 =	vperm.xlane v27, v4  }
0xac: {  	v59 =	vld [tilespmem:s18+$0xFFFFFF80];
	v26 =	vpop (erf);
	v23 =	vperm.xlane v23, v4;
	(xrf0) =	vmax.scan.msk.f32 $0xffff, v60  }
0xad: {  	v29 =	vbroadcast v58, $0xF;
	v21 =	vsel vm0, v18, v21;
	(xrf1) =	vsort.dscd.msk.f32 $0xffff, v13, v1;
	v13 =	vpop (erf)  }
0xae: {  	v20 =	vsel vm0, v20, v23;
	v19 =	vsel vm0, v19, v14;
	(xrf1) =	vsort.dscd.msk.f32 $0xffff, v10, v2;
	v18, v10, _ =	vpop (xrf1)  }
0xaf: {  	v23 =	vperm.xlane v28, v4;
	v14 =	vnsel vm0, $0x0, v13;
	v24 =	vsel vm0, v24, v15;
	v15, v28, _ =	vpop (xrf1)  }
0xb0: {  	v33, _, _ =	vpop (xrf2);
	(xrf2) =	vadd.scan.msk.f32 $0xffff, v14;
	v28 =	vperm.xlane v28, v4  }
0xb1: {  	s26 =	simm.s32 $0x280;
	v22 =	vsub.f32 v22, v29;
	v23 =	vsel vm0, v25, v23;
	(xrf1) =	vsort.dscd.msk.f32 $0xffff, v59, v0;
	v29 =	vpop (erf)  }
0xb2: {  	v27 =	vor.u32 s26, v0;
	v25 =	vmul.f32 v29, v16;
	(xrf1) =	vsort.dscd.msk.f32 $0xffff, v61, v19;
	v62 =	vperm.xlane v15, v4;
	v16, v19, _ =	vpop (xrf1)  }
0xb3: {  	v15 =	vnsel vm0, $0x0, v26;
	v26, _, _ =	vpop (xrf0)  }
0xb4: {  	v22 =	vmul.f32 $1.442695020e+00, v22;
	(xrf1) =	vsort.dscd.msk.f32 $0xffff, v21, v20;
	v20 =	vsel vm0, v16, v62;
	v21 =	vsel vm0, v19, v28;
	v28, v29, _ =	vpop (xrf1)  }
0xb5: {  	(xrf1) =	vsort.dscd.msk.f32 $0xffff, v20, v21;
	v20 =	vbroadcast v26, $0xF;
	v26 =	vperm.xlane v29, v4;
	_ =	sdelay $0x1  }
0xb6: {  	s24 =	simm.s32 $0x0;
	(erf) = vpow2.f32 v22;
	[tilespmem:v27+s20+$0x0] =	vst.idx.msk $0xff, v25;
	v21 =	vperm.xlane v28, v4;
	v25, v28, _ =	vpop (xrf1)  }
0xb7: {  	s30 =	simm.s32 $0x100;
	v12 =	vor.u32 s24, v0;
	(xrf0) =	vmax.scan.msk.f32 $0xffff, v18;
	v31 =	vsub.f32 v60, v20;
	v22 =	vperm.xlane v25, v4;
	v29, v63, _ =	vpop (xrf1)  }
0xb8: {  	s31 =	simm.s32 $0x200;
	s26 =	simm.s32 $0x780;
	v13 =	vor.u32 s30, v0;
	(xrf1) =	vsort.dscd.msk.f32 $0xffff, v24, v23;
	v25 =	vperm.xlane v28, v4;
	v28 =	vsel vm0, v63, v26;
	v26, v24, _ =	vpop (xrf1)  }
0xb9: {  	s28 =	simm.s32 $0x10;
	s16 =	simm.s32 $0xE;
	s23 =	simm.s32 $0x8;
	(xrf2) =	vadd.scan.msk.f32 $0xffff, v15;
	v19 =	vbroadcast v33, $0xF;
	v16 =	vor.u32 s31, v0;
	v20 =	vld [tilespmem:s26+$0x30];
	v21 =	vsel vm0, v29, v21  }
0xba: {  	s17 =	simm.s32 $0xC;
	s18 =	simm.s32 $0xA;
	s24 =	simm.s32 $0x6;
	[tilespmem:v27+s21+$0x0] =	vst.idx.msk $0xff, v17;
	v23 =	vld [tilespmem:s26+$0x10];
	v17 =	vperm.xlane v26, v4;
	v27, v26, _ =	vpop (xrf1);
	(xrf1) =	vsort.dscd.msk.f32 $0xffff, v21, v28;
	v21 =	vmul.f32 $1.442695020e+00, v31  }
.LBB2_2:
0xbb: {  	p0 =	slt.u32 s28, $0x3E;
	v28 =	vld [tilespmem:s26+$0x20];
	v24 =	vperm.xlane v24, v4;
	v31 =	vsel vm0, v27, v22;
	v25 =	vsel vm0, v26, v25;
	v26, _, _ =	vpop (xrf2)  }
0xbc: {  	v22 =	vmov v12;
	v27 =	vld [tilespmem:s26+$0xFFFFFFB0];
	v29, v30, _ =	vpop (xrf1);
	(xrf1) =	vsort.dscd.msk.f32 $0xffff, v31, v25;
	(erf) = vpow2.f32 v21;
	v21 =	vbroadcast v26, $0xF  }
0xbd: {  	v12 =	vmov v13;
	v25 =	vld [tilespmem:s26+$0x0];
	v26 =	vperm.xlane v29, v4;
	v29 =	vperm.xlane v30, v4;
	v30, _, _ =	vpop (xrf0)  }
0xbe: {  	v13 =	vmov v16;
	v31 =	vld [tilespmem:s26+$0xFFFFFF90];
	(xrf1) =	vsort.dscd.msk.f32 $0xffff, v20, v3;
	v20, v32, _ =	vpop (xrf1);
	v30 =	vbroadcast v30, $0xF;
	(erf) = vrcp.f32 v21  }
0xbf: {  	v21 =	vld [tilespmem:s26+$0xFFFFFFA0];
	(xrf1) =	vsort.dscd.msk.f32 $0xffff, v23, v1;
	v17 =	vsel vm0, v20, v17;
	v20 =	vsel vm0, v32, v24;
	v16 =	vpop (erf);
	v23 =	vmov v5  }
0xc0: {  	v24 =	vld [tilespmem:s26+$0xFFFFFF80];
	(xrf1) =	vsort.dscd.msk.f32 $0xffff, v28, v2;
	v5, v28, _ =	vpop (xrf1);
	v33 =	vsub.f32 v18, v30;
	v30 =	vnsel vm0, $0x0, v16;
	(erf) = vrcp.f32 v19  }
0xc1: {  	(xrf1) =	vsort.dscd.msk.f32 $0xffff, v27, v3;
	v26 =	vsel vm0, v5, v26;
	v27 =	vsel vm0, v28, v29;
	v16, v19, _ =	vpop (xrf1);
	v5 =	vmov v6  }
0xc2: {  	v6 =	vmov v7;
	(xrf1) =	vsort.dscd.msk.f32 $0xffff, v25, v0;
	v16 =	vperm.xlane v16, v4;
	v19 =	vperm.xlane v19, v4;
	v25, v28, _ =	vpop (xrf1)  }
0xc3: {  	s30 =	sshll.u32 s24, $0x7;
	s24 =	smov.u32 s23;
	s23 =	smov.u32 s18;
	v7 =	vmov v10;
	v29 =	vmul.f32 $1.442695020e+00, v33;
	v18, _, _ =	vpop (xrf2)  }
0xc4: {  	s18 =	smov.u32 s17;
	s17 =	smov.u32 s16;
	s31 =	sadd.s32 $0x80, s30;
	(xrf1) =	vsort.dscd.msk.f32 $0xffff, v31, v1;
	v25 =	vsel vm0, v25, v16;
	v28 =	vsel vm0, v28, v19;
	v31, v32, _ =	vpop (xrf1);
	v19 =	vbroadcast v18, $0xF  }
0xc5: {  	s16 =	smov.u32 s28;
	v33 =	vor.u32 s31, v0;
	v16 =	vor.u32 s30, v0;
	(xrf0) =	vmax.scan.msk.f32 $0xffff, v31;
	v34 =	vpop (erf)  }
0xc6: {  	(xrf1) =	vsort.dscd.msk.f32 $0xffff, v21, v2;
	v21 =	vnsel vm0, $0x0, v34;
	v18, v10, _ =	vpop (xrf1)  }
0xc7: {  	(xrf2) =	vadd.scan.msk.f32 $0xffff, v21;
	v34 =	vpop (erf)  }
0xc8: {  	(xrf1) =	vsort.dscd.msk.f32 $0xffff, v24, v0;
	v24, v35, _ =	vpop (xrf1);
	v34 =	vmul.f32 v34, v14  }
0xc9: {  	v14 =	vmov v21;
	v21 =	vperm.xlane v24, v4;
	v24 =	vperm.xlane v35, v4;
	_ =	sdelay $0x1  }
0xca: {  	(xrf1) =	vsort.dscd.msk.f32 $0xffff, v17, v20;
	v17 =	vpop (erf)  }
0xcb: {  	(xrf1) =	vsort.dscd.msk.f32 $0xffff, v26, v27;
	v20, v26, _ =	vpop (xrf1);
	[tilespmem:v33+s20+$0x0] =	vst.idx.msk $0xff, v34;
	v17 =	vmul.f32 v17, v9;
	v9 =	vmov v15  }
0xcc: {  	v15 =	vmov v30;
	v20 =	vsel vm0, v20, v21;
	v21 =	vsel vm0, v26, v24;
	[tilespmem:v33+s21+$0x0] =	vst.idx.msk $0xff, v8;
	v24, _, _ =	vpop (xrf0)  }
.Ltmp0:
0xcd: {  	v8, v26, _ =	vpop (xrf1);
	(xrf1) =	vsort.dscd.msk.f32 $0xffff, v20, v21;
	v20 =	vbroadcast v24, $0xF;
	(erf) = vpow2.f32 v29;
	[tilespmem:v22+s20+$0x0] =	vst.idx.msk $0xff, v17;
	(pc) =	sbr.rel @p0 .LBB2_2-.Ltmp0, $4  }
0xce: {  	v30 =	vperm.xlane v8, v4;
	v21 =	vperm.xlane v26, v4;
	v8, v24, _ =	vpop (xrf1);
	(xrf0) =	vmax.scan.msk.f32 $0xffff, v18;
	[tilespmem:v22+s21+$0x0] =	vst.idx.msk $0xff, v23  }
0xcf: {  	s26 =	sadd.s32 $0x100, s26;
	v22 =	vperm.xlane v8, v4;
	v23, v26, _ =	vpop (xrf1);
	v29 =	vsub.f32 v31, v20;
	(xrf1) =	vsort.dscd.msk.f32 $0xffff, v25, v28;
	v8 =	vmov v11  }
0xd0: {  	v25 =	vperm.xlane v24, v4;
	v20 =	vld [tilespmem:s26+$0x30];
	v28 =	vsel vm0, v23, v30;
	v21 =	vsel vm0, v26, v21;
	v17, v24, _ =	vpop (xrf1);
	(xrf2) =	vadd.scan.msk.f32 $0xffff, v15  }
0xd1: {  	s28 =	sadd.s32 $0x2, s28;
	v11 =	vmov v32;
	v23 =	vld [tilespmem:s26+$0x10];
	v17 =	vperm.xlane v17, v4;
	v27, v26, _ =	vpop (xrf1);
	(xrf1) =	vsort.dscd.msk.f32 $0xffff, v28, v21;
	v21 =	vmul.f32 $1.442695020e+00, v29  }
0xd2: {  	v28 =	vld [tilespmem:s26+$0x20]  }
0xd3: {  	v22 =	vsel vm0, v27, v22;
	v25 =	vsel vm0, v26, v25;
	v26 =	vld [tilespmem:s26+$0xFFFFFFB0]  }
0xd4: {  	(xrf1) =	vsort.dscd.msk.f32 $0xffff, v22, v25;
	v22 =	vld [tilespmem:s26+$0x0]  }
0xd5: {  	(xrf1) =	vsort.dscd.msk.f32 $0xffff, v20, v3  }
0xd6: {  	(xrf1) =	vsort.dscd.msk.f32 $0xffff, v23, v1  }
0xd7: {  	(xrf1) =	vsort.dscd.msk.f32 $0xffff, v28, v2  }
0xd8: {  	v20, v23, _ =	vpop (xrf1);
	(xrf1) =	vsort.dscd.msk.f32 $0xffff, v26, v3  }
0xd9: {  	v26 =	vld [tilespmem:s26+$0xFFFFFF90];
	(xrf1) =	vsort.dscd.msk.f32 $0xffff, v22, v0;
	v22, v25, _ =	vpop (xrf1)  }
0xda: {  	v29 =	vld [tilespmem:s26+$0xFFFFFFA0];
	v27, v28, _ =	vpop (xrf1)  }
0xdb: {  	v24 =	vperm.xlane v24, v4;
	v31, v32, _ =	vpop (xrf1)  }
0xdc: {  	v30 =	vld [tilespmem:s26+$0xFFFFFF80];
	v34, v35, _ =	vpop (xrf1)  }
0xdd: {  	v33 =	vperm.xlane v20, v4;
	v24 =	vsel vm0, v25, v24;
	v25, v20, _ =	vpop (xrf1)  }
0xde: {  	v23 =	vperm.xlane v23, v4;
	v22 =	vsel vm0, v22, v17;
	(xrf1) =	vsort.dscd.msk.f32 $0xffff, v26, v1;
	v26, v17, _ =	vpop (xrf1)  }
0xdf: {  	(xrf1) =	vsort.dscd.msk.f32 $0xffff, v29, v2;
	v29, v49, _ =	vpop (xrf1)  }
0xe0: {  	v23 =	vsel vm0, v28, v23;
	v28 =	vperm.xlane v31, v4;
	v29 =	vperm.xlane v29, v4  }
0xe1: {  	v27 =	vsel vm0, v27, v33;
	(xrf1) =	vsort.dscd.msk.f32 $0xffff, v30, v0;
	v50 =	vperm.xlane v49, v4  }
0xe2: {  	v48 =	vperm.xlane v32, v4;
	v28 =	vsel vm0, v34, v28;
	(xrf1) =	vsort.dscd.msk.f32 $0xffff, v22, v24;
	v22, v24, _ =	vpop (xrf1)  }
0xe3: {  	(erf) = vpow2.f32 v21;
	(xrf1) =	vsort.dscd.msk.f32 $0xffff, v27, v23;
	v21 =	vsel vm0, v22, v29;
	v22 =	vsel vm0, v24, v50;
	v23, v24, _ =	vpop (xrf1)  }
0xe4: {  	(xrf1) =	vsort.dscd.msk.f32 $0xffff, v21, v22;
	v21 =	vperm.xlane v23, v4;
	v22 =	vperm.xlane v24, v4;
	v23, v24, _ =	vpop (xrf1)  }
0xe5: {  	v31 =	vsel vm0, v35, v48;
	v27, v29, _ =	vpop (xrf1)  }
0xe6: {  	(xrf1) =	vsort.dscd.msk.f32 $0xffff, v28, v31;
	v23 =	vperm.xlane v23, v4;
	v21 =	vsel vm0, v27, v21;
	v27, v28, _ =	vpop (xrf1)  }
0xe7: {  	(xrf0) =	vmax.scan.msk.f32 $0xffff, v25;
	v24 =	vperm.xlane v24, v4;
	v22 =	vsel vm0, v29, v22;
	v29, v51, _ =	vpop (xrf1)  }
0xe8: {  	(xrf1) =	vsort.dscd.msk.f32 $0xffff, v21, v22;
	v21 =	vsel vm0, v29, v23  }
0xe9: {  	v22 =	vsel vm0, v51, v24  }
0xea: {  	v23, _, _ =	vpop (xrf2);
	(xrf1) =	vsort.dscd.msk.f32 $0xffff, v21, v22  }
0xeb: {  	v21, _, _ =	vpop (xrf0)  }
0xec: {  	v24 =	vpop (erf);
	v21 =	vbroadcast v21, $0xF  }
0xed: {  	v29, _, _ =	vpop (xrf0)  }
0xee: {  	v22 =	vpop (erf);
	v29 =	vbroadcast v29, $0xF;
	v18 =	vsub.f32 v18, v21  }
0xef: {  	v53, v52, _ =	vpop (xrf1)  }
0xf0: {  	v21, v54, _ =	vpop (xrf1);
	v18 =	vmul.f32 $1.442695020e+00, v18  }
0xf1: {  	v23 =	vbroadcast v23, $0xF;
	v55, v56, _ =	vpop (xrf1)  }
0xf2: {  	v27 =	vperm.xlane v27, v4;
	v28 =	vperm.xlane v28, v4;
	v57, v36, _ =	vpop (xrf1)  }
0xf3: {  	(erf) = vrcp.f32 v23;
	v23 =	vsub.f32 v25, v29;
	v25, v29, _ =	vpop (xrf1)  }
0xf4: {  	(erf) = vrcp.f32 v19;
	v28 =	vsel vm0, v54, v28;
	v37, v19, _ =	vpop (xrf1)  }
0xf5: {  	v30 =	vperm.xlane v53, v4;
	v21 =	vsel vm0, v21, v27;
	(erf) = vpow2.f32 v18;
	v38, v18, _ =	vpop (xrf1)  }
0xf6: {  	v22 =	vnsel vm0, $0x0, v22;
	v31 =	vperm.xlane v52, v4;
	v23 =	vmul.f32 $1.442695020e+00, v23;
	v27, v39, _ =	vpop (xrf1)  }
0xf7: {  	(xrf2) =	vadd.scan.msk.f32 $0xffff, v22;
	v27 =	vperm.xlane v27, v4;
	v58 =	vperm.xlane v39, v4  }
0xf8: {  	v59 =	vsel vm0, v56, v31;
	(xrf1) =	vsort.dscd.msk.f32 $0xffff, v21, v28;
	(erf) = vpow2.f32 v23;
	v23 =	vsel vm0, v55, v30;
	v21, v28, _ =	vpop (xrf1)  }
0xf9: {  	(xrf1) =	vsort.dscd.msk.f32 $0xffff, v23, v59;
	v21 =	vsel vm0, v21, v27;
	v23 =	vsel vm0, v28, v58  }
0xfa: {  	(xrf1) =	vsort.dscd.msk.f32 $0xffff, v21, v23;
	_ =	sdelay $0x3  }
0xfb: {  	(xrf0) =	vmax.scan.msk.f32 $0xffff, v26;
	v23 =	vnsel vm0, $0x0, v24;
	v24, _, _ =	vpop (xrf2)  }
0xfc: {  	(xrf0) =	vmax.scan.msk.f32 $0xffff, v37;
	v27 =	vpop (erf)  }
0xfd: {  	v28 =	vpop (erf)  }
0xfe: {  	v60 =	vpop (erf)  }
0xff: {  	(xrf2) =	vadd.scan.msk.f32 $0xffff, v23;
	v21 =	vpop (erf)  }
0x100: {  	v61, _, _ =	vpop (xrf2);
	v31 =	vnsel vm0, $0x0, v21  }
0x101: {  	v35 =	vperm.xlane v57, v4;
	v21, _, _ =	vpop (xrf0);
	(xrf2) =	vadd.scan.msk.f32 $0xffff, v31  }
0x102: {  	v36 =	vperm.xlane v36, v4;
	v62, _, _ =	vpop (xrf0);
	v42 =	vbroadcast v21, $0xF  }
0x103: {  	v45, v63, _ =	vpop (xrf1)  }
0x104: {  	v25 =	vsel vm0, v25, v35;
	v29 =	vsel vm0, v29, v36;
	(xrf0) =	vmax.scan.msk.f32 $0xffff, v38;
	v40, v41, _ =	vpop (xrf1);
	v26 =	vsub.f32 v26, v42  }
0x105: {  	(xrf1) =	vsort.dscd.msk.f32 $0xffff, v25, v29;
	v32 =	vbroadcast v61, $0xF;
	v43, v21, _ =	vpop (xrf1)  }
0x106: {  	v33 =	vbroadcast v62, $0xF;
	v26 =	vmul.f32 $1.442695020e+00, v26;
	(xrf0) =	vmax.scan.msk.f32 $0xffff, v43  }
0x107: {  	v24 =	vbroadcast v24, $0xF  }
0x108: {  	(erf) = vrcp.f32 v32;
	v46 =	vsub.f32 v37, v33  }
0x109: {  	(erf) = vrcp.f32 v24;
	v47, _, _ =	vpop (xrf2)  }
0x10a: {  	v24 =	vmul.f32 $1.442695020e+00, v46;
	(erf) = vpow2.f32 v26;
	v26, _, _ =	vpop (xrf0)  }
0x10b: {  	v25, _, _ =	vpop (xrf2)  }
0x10c: {  	(erf) = vpow2.f32 v24;
	v24 =	vbroadcast v26, $0xF;
	v26, _, _ =	vpop (xrf0)  }
0x10d: {  	v25 =	vbroadcast v25, $0xF;
	v26 =	vbroadcast v26, $0xF  }
0x10e: {  	v29 =	vperm.xlane v45, v4;
	v48 =	vperm.xlane v63, v4;
	v24 =	vsub.f32 v38, v24  }
0x10f: {  	v33 =	vbroadcast v47, $0xF;
	(erf) = vrcp.f32 v25;
	v25 =	vsub.f32 v43, v26  }
0x110: {  	v24 =	vmul.f32 $1.442695020e+00, v24;
	v26 =	vsel vm0, v40, v29;
	v29 =	vsel vm0, v41, v48  }
0x111: {  	(erf) = vrcp.f32 v33;
	(xrf1) =	vsort.dscd.msk.f32 $0xffff, v26, v29;
	v25 =	vmul.f32 $1.442695020e+00, v25  }
0x112: {  	(erf) = vpow2.f32 v24  }
0x113: {  	(erf) = vpow2.f32 v25  }
0x114: {  	v49, v33, _ =	vpop (xrf1)  }
0x115: {  	v24 =	vpop (erf)  }
0x116: {  	v25 =	vpop (erf)  }
0x117: {  	v26 =	vpop (erf)  }
0x118: {  	v29 =	vpop (erf)  }
0x119: {  	v30 =	vnsel vm0, $0x0, v60;
	v34 =	vpop (erf)  }
0x11a: {  	(xrf2) =	vadd.scan.msk.f32 $0xffff, v30;
	v29 =	vnsel vm0, $0x0, v29;
	v35 =	vpop (erf)  }
0x11b: {  	(xrf2) =	vadd.scan.msk.f32 $0xffff, v29;
	v50 =	vpop (erf)  }
0x11c: {  	(xrf0) =	vmax.scan.msk.f32 $0xffff, v49;
	v26 =	vnsel vm0, $0x0, v26;
	v51 =	vpop (erf)  }
0x11d: {  	(xrf2) =	vadd.scan.msk.f32 $0xffff, v26;
	v37 =	vnsel vm0, $0x0, v51  }
0x11e: {  	(xrf2) =	vadd.scan.msk.f32 $0xffff, v37  }
0x11f: {  	v52, v39, _ =	vpop (xrf1)  }
0x120: {  	(xrf0) =	vmax.scan.msk.f32 $0xffff, v52;
	_ =	sdelay $0x2  }
0x121: {  	v53, _, _ =	vpop (xrf0)  }
0x122: {  	v54, _, _ =	vpop (xrf2);
	v40 =	vbroadcast v53, $0xF  }
0x123: {  	v55, _, _ =	vpop (xrf2)  }
0x124: {  	v32 =	vsub.f32 v49, v40;
	v42 =	vbroadcast v55, $0xF;
	v56, _, _ =	vpop (xrf0)  }
0x125: {  	v41 =	vbroadcast v54, $0xF;
	v57, _, _ =	vpop (xrf2);
	v40 =	vbroadcast v56, $0xF  }
0x126: {  	v32 =	vmul.f32 $1.442695020e+00, v32;
	(erf) = vrcp.f32 v42;
	v58, _, _ =	vpop (xrf2)  }
0x127: {  	(erf) = vrcp.f32 v41;
	v38 =	vsub.f32 v52, v40;
	v59 =	vbroadcast v58, $0xF  }
0x128: {  	v60 =	vbroadcast v57, $0xF;
	(erf) = vpow2.f32 v32  }
0x129: {  	v61 =	vmul.f32 $1.442695020e+00, v38;
	(erf) = vrcp.f32 v59  }
0x12a: {  	(erf) = vrcp.f32 v60  }
0x12b: {  	(erf) = vpow2.f32 v61;
	_ =	sdelay $0x3  }
0x12c: {  	v62 =	vpop (erf)  }
0x12d: {  	v36 =	vnsel vm0, $0x0, v50;
	v63 =	vpop (erf)  }
0x12e: {  	s24 =	sshll.u32 s24, $0x7;
	(xrf2) =	vadd.scan.msk.f32 $0xffff, v36;
	v48 =	vpop (erf)  }
0x12f: {  	s31 =	sadd.s32 $0x80, s24;
	v50 =	vpop (erf)  }
0x130: {  	v49 =	vor.u32 s31, v0;
	v40 =	vnsel vm0, $0x0, v48;
	v51 =	vpop (erf)  }
0x131: {  	s23 =	sshll.u32 s23, $0x7;
	(xrf2) =	vadd.scan.msk.f32 $0xffff, v40;
	v44 =	vpop (erf)  }
0x132: {  	s30 =	sadd.s32 $0x80, s23;
	v14 =	vmul.f32 v27, v14;
	v9 =	vmul.f32 v28, v9;
	v27 =	vnsel vm0, $0x0, v44  }
0x133: {  	v52 =	vor.u32 s30, v0;
	(xrf2) =	vadd.scan.msk.f32 $0xffff, v27  }
0x134: {  	[tilespmem:v12+s20+$0x0] =	vst.idx.msk $0xff, v9  }
0x135: {  	s18 =	sshll.u32 s18, $0x7;
	[tilespmem:v49+s20+$0x0] =	vst.idx.msk $0xff, v14  }
0x136: {  	s31 =	sadd.s32 $0x80, s18;
	[tilespmem:v49+s21+$0x0] =	vst.idx.msk $0xff, v8;
	v8 =	vmul.f32 v24, v22  }
0x137: {  	[tilespmem:v12+s21+$0x0] =	vst.idx.msk $0xff, v5;
	v5 =	vor.u32 s31, v0  }
0x138: {  	v9, _, _ =	vpop (xrf2);
	[tilespmem:v52+s20+$0x0] =	vst.idx.msk $0xff, v8;
	v8 =	vmul.f32 v25, v15  }
0x139: {  	s17 =	sshll.u32 s17, $0x7;
	v9 =	vbroadcast v9, $0xF;
	[tilespmem:v52+s21+$0x0] =	vst.idx.msk $0xff, v11  }
0x13a: {  	s30 =	sadd.s32 $0x80, s17;
	[tilespmem:v13+s20+$0x0] =	vst.idx.msk $0xff, v8;
	v8 =	vmul.f32 v34, v31  }
0x13b: {  	v11 =	vor.u32 s30, v0;
	(erf) = vrcp.f32 v9;
	[tilespmem:v13+s21+$0x0] =	vst.idx.msk $0xff, v6;
	v12, _, _ =	vpop (xrf2)  }
0x13c: {  	v6 =	vmul.f32 v35, v23;
	[tilespmem:v5+s20+$0x0] =	vst.idx.msk $0xff, v8;
	v8 =	vbroadcast v12, $0xF  }
0x13d: {  	s16 =	sshll.u32 s16, $0x7;
	v9 =	vor.u32 s24, v0;
	[tilespmem:v5+s21+$0x0] =	vst.idx.msk $0xff, v20;
	v5 =	vmul.f32 v62, v29;
	v12, _, _ =	vpop (xrf2)  }
0x13e: {  	s31 =	sadd.s32 $0x80, s16;
	[tilespmem:v16+s20+$0x0] =	vst.idx.msk $0xff, v6;
	(erf) = vrcp.f32 v8;
	v6 =	vbroadcast v12, $0xF  }
0x13f: {  	[tilespmem:v16+s21+$0x0] =	vst.idx.msk $0xff, v7;
	v7 =	vor.u32 s31, v0  }
0x140: {  	[tilespmem:v11+s20+$0x0] =	vst.idx.msk $0xff, v5;
	v5 =	vmul.f32 v63, v30;
	(erf) = vrcp.f32 v6  }
0x141: {  	[tilespmem:v11+s21+$0x0] =	vst.idx.msk $0xff, v19;
	v6 =	vor.u32 s23, v0  }
0x142: {  	[tilespmem:v9+s20+$0x0] =	vst.idx.msk $0xff, v5;
	v5 =	vmul.f32 v50, v37  }
0x143: {  	[tilespmem:v9+s21+$0x0] =	vst.idx.msk $0xff, v10;
	v8 =	vor.u32 s18, v0  }
0x144: {  	[tilespmem:v7+s20+$0x0] =	vst.idx.msk $0xff, v5;
	v5 =	vmul.f32 v51, v26  }
0x145: {  	v9 =	vor.u32 s17, v0;
	[tilespmem:v7+s21+$0x0] =	vst.idx.msk $0xff, v21;
	v7 =	vpop (erf)  }
0x146: {  	[tilespmem:v6+s20+$0x0] =	vst.idx.msk $0xff, v5;
	v5 =	vmul.f32 v7, v36  }
0x147: {  	v7 =	vor.u32 s16, v0;
	[tilespmem:v6+s21+$0x0] =	vst.idx.msk $0xff, v17;
	v6 =	vpop (erf)  }
0x148: {  	[tilespmem:v8+s20+$0x0] =	vst.idx.msk $0xff, v5;
	v5 =	vmul.f32 v6, v40  }
0x149: {  	[tilespmem:v8+s21+$0x0] =	vst.idx.msk $0xff, v18;
	v6 =	vpop (erf)  }
0x14a: {  	[tilespmem:v9+s20+$0x0] =	vst.idx.msk $0xff, v5;
	v5 =	vmul.f32 v6, v27  }
0x14b: {  	[tilespmem:v9+s21+$0x0] =	vst.idx.msk $0xff, v33  }
0x14c: {  	[tilespmem:v7+s20+$0x0] =	vst.idx.msk $0xff, v5  }
0x14d: {  	[tilespmem:v7+s21+$0x0] =	vst.idx.msk $0xff, v39  }
0x14e: {  	[hbm4b:s7+s1] =	stream.linear.scatter [tilespmem:s20], [sflag:$0x5], $0x2000, $0x38;
	[tilespmem:$0x18000] =	vst v63  }
0x14f: {  	_ = 	snop  }
0x150: {  	[hbm4b:s8+s1] =	stream.linear.scatter [tilespmem:s21], [sflag:$0x5], $0x2000, $0x38;
	[tilespmem:$0x18000] =	vst v63  }
0x151: {  	_ =	swait.ge [sflag:s22], $0x2000  }
0x152: {  	[sflag:s22] =	ssyncset.done $0x0  }
0x153: {  	s17 =	simm.s32 $0x20B0;
	[sflag:s22] =	ssyncadd.s32 $0xFFFFE000  }
0x154: {  	v5 =	vld [tilespmem:s17+$0x0]  }
0x155: {  	v6 =	vld [tilespmem:s17+$0xFFFFFFE0]  }
0x156: {  	v7 =	vld [tilespmem:s17+$0xFFFFFFF0];
	_ =	sdelay $0x1  }
0x157: {  	v8 =	vld [tilespmem:s17+$0xFFFFFF80]  }
0x158: {  	v9 =	vld [tilespmem:s17+$0xFFFFFFD0];
	(xrf1) =	vsort.dscd.msk.f32 $0xffff, v5, v3  }
0x159: {  	(xrf1) =	vsort.dscd.msk.f32 $0xffff, v6, v1  }
0x15a: {  	(xrf1) =	vsort.dscd.msk.f32 $0xffff, v7, v2;
	_ =	sdelay $0x1  }
0x15b: {  	(xrf1) =	vsort.dscd.msk.f32 $0xffff, v8, v3  }
0x15c: {  	(xrf1) =	vsort.dscd.msk.f32 $0xffff, v9, v0;
	_ =	sdelay $0x3  }
0x15d: {  	v5 =	vld [tilespmem:s17+$0xFFFFFF60]  }
0x15e: {  	v6 =	vld [tilespmem:s17+$0xFFFFFF70]  }
0x15f: {  	v7 =	vld [tilespmem:s17+$0xFFFFFF50];
	_ =	sdelay $0x2  }
0x160: {  	(xrf1) =	vsort.dscd.msk.f32 $0xffff, v5, v1;
	v5, v8, _ =	vpop (xrf1)  }
0x161: {  	(xrf1) =	vsort.dscd.msk.f32 $0xffff, v6, v2;
	v5 =	vperm.xlane v5, v4;
	v6 =	vperm.xlane v8, v4;
	v8, v9, _ =	vpop (xrf1)  }
0x162: {  	(xrf1) =	vsort.dscd.msk.f32 $0xffff, v7, v0;
	v7 =	vperm.xlane v8, v4;
	v8, v10, _ =	vpop (xrf1)  }
0x163: {  	s18 =	simm.s32 $0x21B0;
	v5 =	vsel vm0, v8, v5;
	v6 =	vsel vm0, v10, v6  }
0x164: {  	v11 =	vld [tilespmem:s18+$0x0];
	v9 =	vperm.xlane v9, v4;
	v8, v10, _ =	vpop (xrf1);
	(xrf1) =	vsort.dscd.msk.f32 $0xffff, v5, v6  }
0x165: {  	v12 =	vld [tilespmem:s18+$0xFFFFFFE0];
	v13, v14, _ =	vpop (xrf1)  }
0x166: {  	v5 =	vld [tilespmem:s18+$0xFFFFFFF0];
	v6 =	vsel vm0, v13, v7;
	v7 =	vsel vm0, v14, v9  }
0x167: {  	v9 =	vld [tilespmem:s18+$0xFFFFFF80];
	(xrf1) =	vsort.dscd.msk.f32 $0xffff, v6, v7  }
0x168: {  	v6 =	vld [tilespmem:s18+$0xFFFFFFD0]  }
0x169: {  	(xrf1) =	vsort.dscd.msk.f32 $0xffff, v11, v3  }
0x16a: {  	(xrf1) =	vsort.dscd.msk.f32 $0xffff, v12, v1  }
0x16b: {  	(xrf1) =	vsort.dscd.msk.f32 $0xffff, v5, v2  }
0x16c: {  	v5 =	vld [tilespmem:s18+$0xFFFFFF60];
	(xrf1) =	vsort.dscd.msk.f32 $0xffff, v9, v3  }
0x16d: {  	v10 =	vperm.xlane v10, v4;
	(xrf1) =	vsort.dscd.msk.f32 $0xffff, v6, v0;
	v6 =	vld [tilespmem:s18+$0xFFFFFF70]  }
0x16e: {  	v7 =	vld [tilespmem:s18+$0xFFFFFF50]  }
0x16f: {  	v8 =	vperm.xlane v8, v4;
	v9, v11, _ =	vpop (xrf1)  }
0x170: {  	v12, v13, _ =	vpop (xrf1)  }
0x171: {  	v14, v15, _ =	vpop (xrf1);
	(xrf1) =	vsort.dscd.msk.f32 $0xffff, v5, v1;
	v5 =	vsel vm0, v12, v8;
	v8 =	vsel vm0, v13, v10  }
0x172: {  	v9 =	vperm.xlane v9, v4;
	(xrf1) =	vsort.dscd.msk.f32 $0xffff, v6, v2;
	v6, v10, _ =	vpop (xrf1)  }
0x173: {  	v11 =	vperm.xlane v11, v4;
	(xrf1) =	vsort.dscd.msk.f32 $0xffff, v7, v0;
	v7 =	vperm.xlane v10, v4  }
0x174: {  	v6 =	vperm.xlane v6, v4  }
0x175: {  	v9 =	vsel vm0, v14, v9;
	(xrf1) =	vsort.dscd.msk.f32 $0xffff, v5, v8;
	v10 =	vsel vm0, v15, v11;
	v5, v8, _ =	vpop (xrf1)  }
0x176: {  	(xrf1) =	vsort.dscd.msk.f32 $0xffff, v9, v10;
	v5 =	vsel vm0, v5, v6;
	v6 =	vsel vm0, v8, v7  }
0x177: {  	(xrf1) =	vsort.dscd.msk.f32 $0xffff, v5, v6;
	v7, v8, _ =	vpop (xrf1)  }
0x178: {  	v5 =	vperm.xlane v7, v4;
	v6 =	vperm.xlane v8, v4;
	v7, v8, _ =	vpop (xrf1)  }
0x179: {  	s23 =	simm.s32 $0x22B0;
	v7 =	vperm.xlane v7, v4;
	v9, v10, _ =	vpop (xrf1)  }
0x17a: {  	v11 =	vld [tilespmem:s23+$0x0];
	v8 =	vperm.xlane v8, v4;
	v5 =	vsel vm0, v9, v5;
	v6 =	vsel vm0, v10, v6;
	v9, v12, _ =	vpop (xrf1)  }
0x17b: {  	v10 =	vld [tilespmem:s23+$0xFFFFFFE0];
	v13, v14, _ =	vpop (xrf1);
	(xrf1) =	vsort.dscd.msk.f32 $0xffff, v5, v6  }
0x17c: {  	v5 =	vld [tilespmem:s23+$0xFFFFFFF0];
	v6 =	vsel vm0, v13, v7;
	v7 =	vsel vm0, v14, v8  }
0x17d: {  	(xrf1) =	vsort.dscd.msk.f32 $0xffff, v6, v7  }
0x17e: {  	v8 =	vld [tilespmem:s23+$0xFFFFFF80]  }
0x17f: {  	v6 =	vld [tilespmem:s23+$0xFFFFFFD0];
	(xrf1) =	vsort.dscd.msk.f32 $0xffff, v11, v3  }
0x180: {  	v7, v11, _ =	vpop (xrf1);
	(xrf1) =	vsort.dscd.msk.f32 $0xffff, v10, v1  }
0x181: {  	v13, v14, _ =	vpop (xrf1);
	(xrf1) =	vsort.dscd.msk.f32 $0xffff, v5, v2  }
0x182: {  	v5, v15, _ =	vpop (xrf1)  }
0x183: {  	(xrf1) =	vsort.dscd.msk.f32 $0xffff, v8, v3;
	v8 =	vld [tilespmem:s23+$0xFFFFFF60];
	v16, v17, _ =	vpop (xrf1)  }
0x184: {  	v9 =	vperm.xlane v9, v4;
	(xrf1) =	vsort.dscd.msk.f32 $0xffff, v6, v0;
	v6 =	vld [tilespmem:s23+$0xFFFFFF70];
	v18, v19, _ =	vpop (xrf1)  }
0x185: {  	v20 =	vld [tilespmem:s23+$0xFFFFFF50];
	v12 =	vperm.xlane v12, v4;
	v7 =	vperm.xlane v7, v4;
	v21, v10, _ =	vpop (xrf1)  }
0x186: {  	v11 =	vperm.xlane v11, v4;
	(xrf0) =	vmax.scan.msk.f32 $0xffff, v21  }
0x187: {  	v9 =	vsel vm0, v13, v9;
	v12 =	vsel vm0, v14, v12;
	v5 =	vsel vm0, v5, v7  }
0x188: {  	v7 =	vsel vm0, v15, v11;
	v11 =	vperm.xlane v16, v4;
	(xrf1) =	vsort.dscd.msk.f32 $0xffff, v8, v1  }
0x189: {  	(xrf1) =	vsort.dscd.msk.f32 $0xffff, v6, v2;
	v6, v8, _ =	vpop (xrf1)  }
0x18a: {  	(xrf1) =	vsort.dscd.msk.f32 $0xffff, v20, v0;
	v6 =	vperm.xlane v6, v4;
	v8 =	vperm.xlane v8, v4  }
0x18b: {  	v13 =	vperm.xlane v17, v4;
	(xrf1) =	vsort.dscd.msk.f32 $0xffff, v9, v12;
	v9, v12, _ =	vpop (xrf1)  }
0x18c: {  	(xrf1) =	vsort.dscd.msk.f32 $0xffff, v5, v7;
	v7, _, _ =	vpop (xrf0);
	v5 =	vsel vm0, v9, v6;
	v6 =	vsel vm0, v12, v8  }
0x18d: {  	v8 =	vsel vm0, v18, v11;
	v9, v11, _ =	vpop (xrf1);
	(xrf1) =	vsort.dscd.msk.f32 $0xffff, v5, v6;
	v5 =	vbroadcast v7, $0xF  }
0x18e: {  	v7 =	vperm.xlane v9, v4;
	v9 =	vperm.xlane v11, v4;
	v11, v12, _ =	vpop (xrf1)  }
0x18f: {  	v6 =	vsel vm0, v19, v13;
	v13, v14, _ =	vpop (xrf1)  }
0x190: {  	s24 =	simm.s32 $0x23B0;
	(xrf1) =	vsort.dscd.msk.f32 $0xffff, v8, v6;
	v8 =	vperm.xlane v12, v4  }
0x191: {  	v6 =	vld [tilespmem:s24+$0x0];
	v5 =	vsub.f32 v21, v5;
	v7 =	vsel vm0, v13, v7;
	v9 =	vsel vm0, v14, v9;
	v12, v13, _ =	vpop (xrf1)  }
0x192: {  	v11 =	vperm.xlane v11, v4;
	v14 =	vld [tilespmem:s24+$0xFFFFFFE0];
	(xrf1) =	vsort.dscd.msk.f32 $0xffff, v7, v9;
	v15, v16, _ =	vpop (xrf1)  }
0x193: {  	v7 =	vld [tilespmem:s24+$0xFFFFFFF0];
	v5 =	vmul.f32 $1.442695020e+00, v5;
	v8 =	vsel vm0, v16, v8  }
0x194: {  	v9 =	vsel vm0, v15, v11;
	v11 =	vld [tilespmem:s24+$0xFFFFFF80]  }
0x195: {  	(xrf1) =	vsort.dscd.msk.f32 $0xffff, v9, v8;
	(erf) = vpow2.f32 v5;
	v5 =	vld [tilespmem:s24+$0xFFFFFFD0]  }
0x196: {  	(xrf1) =	vsort.dscd.msk.f32 $0xffff, v6, v3  }
0x197: {  	v6, v8, _ =	vpop (xrf1);
	(xrf1) =	vsort.dscd.msk.f32 $0xffff, v14, v1  }
0x198: {  	v9, v14, _ =	vpop (xrf1);
	(xrf1) =	vsort.dscd.msk.f32 $0xffff, v7, v2  }
0x199: {  	v7 =	vld [tilespmem:s24+$0xFFFFFF60];
	v15, v16, _ =	vpop (xrf1);
	(xrf1) =	vsort.dscd.msk.f32 $0xffff, v11, v3  }
0x19a: {  	v18, v19, _ =	vpop (xrf1);
	(xrf1) =	vsort.dscd.msk.f32 $0xffff, v5, v0;
	v5 =	vperm.xlane v12, v4;
	_ =	sdelay $0x1  }
0x19b: {  	v20, v21, _ =	vpop (xrf1)  }
0x19c: {  	v17 =	vld [tilespmem:s24+$0xFFFFFF70];
	v23, v11, _ =	vpop (xrf1)  }
0x19d: {  	v22 =	vld [tilespmem:s24+$0xFFFFFF50];
	v13 =	vperm.xlane v13, v4;
	v6 =	vperm.xlane v6, v4;
	(xrf1) =	vsort.dscd.msk.f32 $0xffff, v7, v1;
	v7 =	vpop (erf)  }
0x19e: {  	v8 =	vperm.xlane v8, v4;
	v9 =	vsel vm0, v9, v5;
	(xrf0) =	vmax.scan.msk.f32 $0xffff, v23;
	v12 =	vnsel vm0, $0x0, v7;
	v7, v5, _ =	vpop (xrf1)  }
0x19f: {  	v13 =	vsel vm0, v14, v13;
	v6 =	vsel vm0, v15, v6;
	v14, v15, _ =	vpop (xrf1)  }
0x1a0: {  	v8 =	vsel vm0, v16, v8;
	v15 =	vperm.xlane v15, v4  }
0x1a1: {  	v16 =	vperm.xlane v18, v4;
	(xrf1) =	vsort.dscd.msk.f32 $0xffff, v17, v2;
	v14 =	vperm.xlane v14, v4  }
0x1a2: {  	(xrf1) =	vsort.dscd.msk.f32 $0xffff, v22, v0  }
0x1a3: {  	v17 =	vperm.xlane v19, v4;
	(xrf1) =	vsort.dscd.msk.f32 $0xffff, v9, v13;
	v9, v13, _ =	vpop (xrf1)  }
0x1a4: {  	(xrf1) =	vsort.dscd.msk.f32 $0xffff, v6, v8;
	v6 =	vsel vm0, v9, v14;
	v8 =	vsel vm0, v13, v15;
	v9, _, _ =	vpop (xrf0)  }
0x1a5: {  	v14, v15, _ =	vpop (xrf1);
	(xrf1) =	vsort.dscd.msk.f32 $0xffff, v6, v8;
	v6 =	vbroadcast v9, $0xF  }
0x1a6: {  	v13 =	vsel vm0, v20, v16;
	v9 =	vperm.xlane v14, v4;
	v14 =	vperm.xlane v15, v4;
	v15, v16, _ =	vpop (xrf1)  }
0x1a7: {  	(xrf0) =	vmax.scan.msk.f32 $0xffff, v7;
	v8 =	vsel vm0, v21, v17;
	v17, v18, _ =	vpop (xrf1)  }
0x1a8: {  	s26 =	simm.s32 $0x24B0;
	(xrf1) =	vsort.dscd.msk.f32 $0xffff, v13, v8;
	v15 =	vperm.xlane v15, v4;
	v6 =	vsub.f32 v23, v6  }
0x1a9: {  	(xrf2) =	vadd.scan.msk.f32 $0xffff, v12;
	v8 =	vld [tilespmem:s26+$0x0];
	v13 =	vperm.xlane v16, v4;
	v9 =	vsel vm0, v17, v9;
	v14 =	vsel vm0, v18, v14;
	v16, v17, _ =	vpop (xrf1)  }
0x1aa: {  	v18 =	vld [tilespmem:s26+$0xFFFFFFE0];
	(xrf1) =	vsort.dscd.msk.f32 $0xffff, v9, v14;
	v19, v20, _ =	vpop (xrf1)  }
0x1ab: {  	v6 =	vmul.f32 $1.442695020e+00, v6;
	v9 =	vld [tilespmem:s26+$0xFFFFFFF0];
	v14 =	vsel vm0, v19, v15  }
0x1ac: {  	v13 =	vsel vm0, v20, v13;
	v15 =	vld [tilespmem:s26+$0xFFFFFF80]  }
0x1ad: {  	(erf) = vpow2.f32 v6;
	v6 =	vld [tilespmem:s26+$0xFFFFFFD0];
	(xrf1) =	vsort.dscd.msk.f32 $0xffff, v14, v13  }
0x1ae: {  	v28, _, _ =	vpop (xrf0);
	(xrf1) =	vsort.dscd.msk.f32 $0xffff, v8, v3  }
0x1af: {  	v8, v14, _ =	vpop (xrf1);
	(xrf1) =	vsort.dscd.msk.f32 $0xffff, v18, v1  }
0x1b0: {  	v18, v19, _ =	vpop (xrf1);
	(xrf1) =	vsort.dscd.msk.f32 $0xffff, v9, v2  }
0x1b1: {  	v9 =	vld [tilespmem:s26+$0xFFFFFF60];
	v20, v21, _ =	vpop (xrf1);
	(xrf1) =	vsort.dscd.msk.f32 $0xffff, v15, v3  }
0x1b2: {  	v22, v23, _ =	vpop (xrf1);
	(xrf1) =	vsort.dscd.msk.f32 $0xffff, v6, v0;
	v6 =	vperm.xlane v16, v4  }
0x1b3: {  	v13, _, _ =	vpop (xrf2);
	v15 =	vld [tilespmem:s26+$0xFFFFFF70]  }
0x1b4: {  	v16 =	vperm.xlane v17, v4;
	v24, v25, _ =	vpop (xrf1)  }
0x1b5: {  	v13 =	vbroadcast v13, $0xF;
	v27, v17, _ =	vpop (xrf1)  }
0x1b6: {  	v26 =	vld [tilespmem:s26+$0xFFFFFF50];
	(xrf1) =	vsort.dscd.msk.f32 $0xffff, v9, v1;
	v9 =	vpop (erf)  }
0x1b7: {  	(erf) = vrcp.f32 v13;
	v18 =	vsel vm0, v18, v6;
	(xrf0) =	vmax.scan.msk.f32 $0xffff, v27;
	v13 =	vnsel vm0, $0x0, v9;
	v9, v6, _ =	vpop (xrf1)  }
0x1b8: {  	v8 =	vperm.xlane v8, v4;
	(xrf1) =	vsort.dscd.msk.f32 $0xffff, v15, v2;
	v15 =	vsel vm0, v19, v16;
	v16, v19, _ =	vpop (xrf1)  }
0x1b9: {  	v19 =	vperm.xlane v19, v4  }
0x1ba: {  	v14 =	vperm.xlane v14, v4;
	v8 =	vsel vm0, v20, v8;
	v20 =	vperm.xlane v22, v4;
	(xrf2) =	vadd.scan.msk.f32 $0xffff, v13  }
0x1bb: {  	(xrf1) =	vsort.dscd.msk.f32 $0xffff, v26, v0;
	v16 =	vperm.xlane v16, v4  }
0x1bc: {  	v14 =	vsel vm0, v21, v14;
	v21 =	vperm.xlane v23, v4;
	(xrf1) =	vsort.dscd.msk.f32 $0xffff, v18, v15;
	v15, v18, _ =	vpop (xrf1)  }
0x1bd: {  	(xrf1) =	vsort.dscd.msk.f32 $0xffff, v8, v14;
	v8 =	vsel vm0, v15, v16;
	v14 =	vsel vm0, v18, v19;
	v15, _, _ =	vpop (xrf0)  }
0x1be: {  	v28 =	vbroadcast v28, $0xF;
	v18, v19, _ =	vpop (xrf1);
	(xrf1) =	vsort.dscd.msk.f32 $0xffff, v8, v14;
	v8 =	vbroadcast v15, $0xF  }
0x1bf: {  	v16 =	vsel vm0, v24, v20;
	v15 =	vperm.xlane v18, v4;
	v18 =	vperm.xlane v19, v4;
	v19, v20, _ =	vpop (xrf1)  }
0x1c0: {  	v14 =	vsel vm0, v25, v21;
	v21, v22, _ =	vpop (xrf1)  }
0x1c1: {  	v7 =	vsub.f32 v7, v28;
	(xrf1) =	vsort.dscd.msk.f32 $0xffff, v16, v14  }
0x1c2: {  	s30 =	simm.s32 $0x25B0;
	v19 =	vperm.xlane v19, v4;
	v16 =	vperm.xlane v20, v4;
	v15 =	vsel vm0, v21, v15;
	v20, v21, _ =	vpop (xrf1)  }
0x1c3: {  	(xrf0) =	vmax.scan.msk.f32 $0xffff, v9;
	v14 =	vld [tilespmem:s30+$0x0];
	v8 =	vsub.f32 v27, v8;
	v18 =	vsel vm0, v22, v18;
	v23, v24, _ =	vpop (xrf1)  }
0x1c4: {  	v7 =	vmul.f32 $1.442695020e+00, v7;
	v22 =	vld [tilespmem:s30+$0xFFFFFFE0];
	(xrf1) =	vsort.dscd.msk.f32 $0xffff, v15, v18;
	v16 =	vsel vm0, v24, v16  }
0x1c5: {  	v8 =	vmul.f32 $1.442695020e+00, v8;
	v15 =	vld [tilespmem:s30+$0xFFFFFFF0];
	v18 =	vsel vm0, v23, v19  }
0x1c6: {  	(erf) = vpow2.f32 v7;
	v19 =	vpop (erf);
	(xrf1) =	vsort.dscd.msk.f32 $0xffff, v18, v16  }
0x1c7: {  	v7 =	vld [tilespmem:s30+$0xFFFFFF80];
	(erf) = vpow2.f32 v8;
	v16, _, _ =	vpop (xrf2)  }
0x1c8: {  	v8 =	vld [tilespmem:s30+$0xFFFFFFD0];
	v18, v23, _ =	vpop (xrf1);
	(xrf1) =	vsort.dscd.msk.f32 $0xffff, v14, v3  }
0x1c9: {  	v24 =	vld [tilespmem:s30+$0xFFFFFF60];
	v14, _, _ =	vpop (xrf0);
	(xrf1) =	vsort.dscd.msk.f32 $0xffff, v22, v1  }
0x1ca: {  	v22, v25, _ =	vpop (xrf1);
	(xrf1) =	vsort.dscd.msk.f32 $0xffff, v15, v2  }
0x1cb: {  	v15, v26, _ =	vpop (xrf1)  }
0x1cc: {  	v16 =	vbroadcast v16, $0xF;
	(xrf1) =	vsort.dscd.msk.f32 $0xffff, v7, v3;
	v7 =	vld [tilespmem:s30+$0xFFFFFF70];
	v27, v28, _ =	vpop (xrf1)  }
0x1cd: {  	(xrf1) =	vsort.dscd.msk.f32 $0xffff, v8, v0;
	v29, v53, _ =	vpop (xrf1)  }
0x1ce: {  	v54 =	vld [tilespmem:s30+$0xFFFFFF50];
	v21 =	vperm.xlane v21, v4;
	v18 =	vperm.xlane v18, v4;
	(xrf1) =	vsort.dscd.msk.f32 $0xffff, v24, v1;
	v24, v8, _ =	vpop (xrf1)  }
0x1cf: {  	v20 =	vperm.xlane v20, v4;
	v55 =	vpop (erf);
	v14 =	vbroadcast v14, $0xF;
	(xrf0) =	vmax.scan.msk.f32 $0xffff, v24  }
0x1d0: {  	v23 =	vperm.xlane v23, v4;
	v21 =	vsel vm0, v25, v21;
	(erf) = vrcp.f32 v16;
	v16 =	vpop (erf)  }
0x1d1: {  	v20 =	vsel vm0, v22, v20;
	v9 =	vsub.f32 v9, v14;
	v16 =	vnsel vm0, $0x0, v16;
	(xrf1) =	vsort.dscd.msk.f32 $0xffff, v7, v2;
	v22, v7, _ =	vpop (xrf1)  }
0x1d2: {  	v14 =	vsel vm0, v15, v18;
	v23 =	vsel vm0, v26, v23;
	v26 =	vperm.xlane v28, v4;
	(xrf2) =	vadd.scan.msk.f32 $0xffff, v16;
	v18, v25, _ =	vpop (xrf1)  }
0x1d3: {  	(xrf1) =	vsort.dscd.msk.f32 $0xffff, v54, v0;
	v18 =	vperm.xlane v18, v4;
	v25 =	vperm.xlane v25, v4  }
0x1d4: {  	v15 =	vperm.xlane v27, v4;
	(xrf1) =	vsort.dscd.msk.f32 $0xffff, v20, v21;
	v20, v21, _ =	vpop (xrf1)  }
0x1d5: {  	(xrf1) =	vsort.dscd.msk.f32 $0xffff, v14, v23;
	v14 =	vsel vm0, v20, v18;
	v18 =	vsel vm0, v21, v25;
	v20, _, _ =	vpop (xrf0)  }
0x1d6: {  	v9 =	vmul.f32 $1.442695020e+00, v9;
	v21, v23, _ =	vpop (xrf1);
	(xrf1) =	vsort.dscd.msk.f32 $0xffff, v14, v18;
	v14 =	vbroadcast v20, $0xF  }
0x1d7: {  	v18 =	vperm.xlane v21, v4;
	v20 =	vperm.xlane v23, v4;
	v21, v23, _ =	vpop (xrf1)  }
0x1d8: {  	v15 =	vsel vm0, v29, v15;
	(erf) = vpow2.f32 v9;
	v9 =	vsel vm0, v53, v26;
	(xrf0) =	vmax.scan.msk.f32 $0xffff, v22;
	v25, v26, _ =	vpop (xrf1)  }
0x1d9: {  	(xrf1) =	vsort.dscd.msk.f32 $0xffff, v15, v9;
	v21 =	vperm.xlane v21, v4;
	v14 =	vsub.f32 v24, v14  }
0x1da: {  	s31 =	simm.s32 $0x26B0;
	v23 =	vperm.xlane v23, v4;
	v18 =	vsel vm0, v25, v18;
	v20 =	vsel vm0, v26, v20;
	v24, v25, _ =	vpop (xrf1)  }
0x1db: {  	s18 =	simm.s32 $0x2080;
	v15 =	vld [tilespmem:s31+$0x0];
	(xrf1) =	vsort.dscd.msk.f32 $0xffff, v18, v20;
	v14 =	vmul.f32 $1.442695020e+00, v14;
	v27, v28, _ =	vpop (xrf1)  }
0x1dc: {  	s23 =	simm.s32 $0x2180;
	v26 =	vld [tilespmem:s31+$0xFFFFFFE0];
	v21 =	vsel vm0, v27, v21;
	v23 =	vsel vm0, v28, v23;
	v27 =	vor.u32 s18, v0  }
0x1dd: {  	v56 =	vor.u32 s23, v0;
	v20 =	vld [tilespmem:s31+$0xFFFFFFF0];
	v28, _, _ =	vpop (xrf2)  }
0x1de: {  	v29 =	vld [tilespmem:s31+$0xFFFFFF80];
	v9 =	vnsel vm0, $0x0, v55;
	v57, _, _ =	vpop (xrf0);
	(erf) = vpow2.f32 v14;
	(xrf1) =	vsort.dscd.msk.f32 $0xffff, v21, v23;
	v28 =	vbroadcast v28, $0xF  }
0x1df: {  	v12 =	vmul.f32 v19, v12;
	(xrf2) =	vadd.scan.msk.f32 $0xffff, v9;
	v18 =	vpop (erf);
	v14 =	vld [tilespmem:s31+$0xFFFFFFD0]  }
0x1e0: {  	(xrf1) =	vsort.dscd.msk.f32 $0xffff, v15, v3;
	v21, v23, _ =	vpop (xrf1)  }
0x1e1: {  	v15, v19, _ =	vpop (xrf1);
	(xrf1) =	vsort.dscd.msk.f32 $0xffff, v26, v1;
	[tilespmem:v27+s20+$0x0] =	vst.idx.msk $0xff, v12;
	v12 =	vmul.f32 v18, v13  }
0x1e2: {  	(erf) = vrcp.f32 v28;
	v13 =	vld [tilespmem:s31+$0xFFFFFF60];
	(xrf1) =	vsort.dscd.msk.f32 $0xffff, v20, v2;
	v18, v20, _ =	vpop (xrf1);
	[tilespmem:v27+s21+$0x0] =	vst.idx.msk $0xff, v10  }
0x1e3: {  	v10 =	vld [tilespmem:s31+$0xFFFFFF70];
	(xrf1) =	vsort.dscd.msk.f32 $0xffff, v29, v3;
	v27, v28, _ =	vpop (xrf1);
	[tilespmem:v56+s20+$0x0] =	vst.idx.msk $0xff, v12;
	v12 =	vperm.xlane v24, v4  }
0x1e4: {  	v21 =	vperm.xlane v21, v4;
	(xrf1) =	vsort.dscd.msk.f32 $0xffff, v14, v0;
	v14 =	vperm.xlane v25, v4;
	v24, v25, _ =	vpop (xrf1)  }
0x1e5: {  	[tilespmem:v56+s21+$0x0] =	vst.idx.msk $0xff, v11;
	v59, v11, _ =	vpop (xrf1);
	v60 =	vsel vm0, v15, v12;
	v15 =	vperm.xlane v27, v4  }
0x1e6: {  	v58 =	vld [tilespmem:s31+$0xFFFFFF50];
	v26 =	vpop (erf);
	v23 =	vperm.xlane v23, v4;
	(xrf0) =	vmax.scan.msk.f32 $0xffff, v59  }
0x1e7: {  	v29 =	vbroadcast v57, $0xF;
	v21 =	vsel vm0, v18, v21;
	(xrf1) =	vsort.dscd.msk.f32 $0xffff, v13, v1;
	v13 =	vpop (erf)  }
0x1e8: {  	v20 =	vsel vm0, v20, v23;
	v19 =	vsel vm0, v19, v14;
	(xrf1) =	vsort.dscd.msk.f32 $0xffff, v10, v2;
	v18, v10, _ =	vpop (xrf1)  }
0x1e9: {  	v23 =	vperm.xlane v28, v4;
	v14 =	vnsel vm0, $0x0, v13;
	v24 =	vsel vm0, v24, v15;
	v15, v28, _ =	vpop (xrf1)  }
0x1ea: {  	v61, _, _ =	vpop (xrf2);
	(xrf2) =	vadd.scan.msk.f32 $0xffff, v14;
	v28 =	vperm.xlane v28, v4  }
0x1eb: {  	s26 =	simm.s32 $0x2280;
	v22 =	vsub.f32 v22, v29;
	v23 =	vsel vm0, v25, v23;
	v29 =	vpop (erf);
	(xrf1) =	vsort.dscd.msk.f32 $0xffff, v58, v0  }
0x1ec: {  	v27 =	vor.u32 s26, v0;
	v25 =	vmul.f32 v29, v16;
	(xrf1) =	vsort.dscd.msk.f32 $0xffff, v60, v19;
	v62 =	vperm.xlane v15, v4;
	v16, v19, _ =	vpop (xrf1)  }
0x1ed: {  	v15 =	vnsel vm0, $0x0, v26;
	v26, _, _ =	vpop (xrf0)  }
0x1ee: {  	v22 =	vmul.f32 $1.442695020e+00, v22;
	(xrf1) =	vsort.dscd.msk.f32 $0xffff, v21, v20;
	v20 =	vsel vm0, v16, v62;
	v21 =	vsel vm0, v19, v28;
	v28, v29, _ =	vpop (xrf1)  }
0x1ef: {  	(xrf1) =	vsort.dscd.msk.f32 $0xffff, v20, v21;
	v20 =	vbroadcast v26, $0xF;
	v26 =	vperm.xlane v29, v4;
	_ =	sdelay $0x1  }
0x1f0: {  	s24 =	simm.s32 $0x2000;
	(erf) = vpow2.f32 v22;
	[tilespmem:v27+s20+$0x0] =	vst.idx.msk $0xff, v25;
	v21 =	vperm.xlane v28, v4;
	v25, v28, _ =	vpop (xrf1)  }
0x1f1: {  	s30 =	simm.s32 $0x2100;
	v12 =	vor.u32 s24, v0;
	(xrf0) =	vmax.scan.msk.f32 $0xffff, v18;
	v31 =	vsub.f32 v59, v20;
	v22 =	vperm.xlane v25, v4;
	v29, v63, _ =	vpop (xrf1)  }
0x1f2: {  	s31 =	simm.s32 $0x2200;
	s26 =	simm.s32 $0x27B0;
	v13 =	vor.u32 s30, v0;
	(xrf1) =	vsort.dscd.msk.f32 $0xffff, v24, v23;
	v25 =	vperm.xlane v28, v4;
	v28 =	vsel vm0, v63, v26;
	v26, v24, _ =	vpop (xrf1)  }
0x1f3: {  	s28 =	simm.s32 $0x50;
	s16 =	simm.s32 $0x4E;
	s17 =	simm.s32 $0x4C;
	(xrf2) =	vadd.scan.msk.f32 $0xffff, v15;
	v19 =	vbroadcast v61, $0xF;
	v16 =	vor.u32 s31, v0;
	v20 =	vld [tilespmem:s26+$0x0];
	v21 =	vsel vm0, v29, v21  }
0x1f4: {  	s23 =	simm.s32 $0x48;
	s18 =	simm.s32 $0x4A;
	s24 =	simm.s32 $0x46;
	[tilespmem:v27+s21+$0x0] =	vst.idx.msk $0xff, v17;
	v23 =	vld [tilespmem:s26+$0xFFFFFFE0];
	v17 =	vperm.xlane v26, v4;
	v27, v26, _ =	vpop (xrf1);
	(xrf1) =	vsort.dscd.msk.f32 $0xffff, v21, v28;
	v21 =	vmul.f32 $1.442695020e+00, v31  }
.LBB2_4:
0x1f5: {  	p0 =	slt.u32 s28, $0x7E;
	v28 =	vld [tilespmem:s26+$0xFFFFFFF0];
	v24 =	vperm.xlane v24, v4;
	v31 =	vsel vm0, v27, v22;
	v25 =	vsel vm0, v26, v25;
	v26, _, _ =	vpop (xrf2)  }
0x1f6: {  	v22 =	vmov v12;
	v27 =	vld [tilespmem:s26+$0xFFFFFF80];
	v29, v30, _ =	vpop (xrf1);
	(xrf1) =	vsort.dscd.msk.f32 $0xffff, v31, v25;
	(erf) = vpow2.f32 v21;
	v21 =	vbroadcast v26, $0xF  }
0x1f7: {  	v12 =	vmov v13;
	v25 =	vld [tilespmem:s26+$0xFFFFFFD0];
	v26 =	vperm.xlane v29, v4;
	v29 =	vperm.xlane v30, v4;
	v30, _, _ =	vpop (xrf0)  }
0x1f8: {  	v13 =	vmov v16;
	v31 =	vld [tilespmem:s26+$0xFFFFFF60];
	(xrf1) =	vsort.dscd.msk.f32 $0xffff, v20, v3;
	v20, v32, _ =	vpop (xrf1);
	v30 =	vbroadcast v30, $0xF;
	(erf) = vrcp.f32 v21  }
0x1f9: {  	v21 =	vld [tilespmem:s26+$0xFFFFFF70];
	(xrf1) =	vsort.dscd.msk.f32 $0xffff, v23, v1;
	v17 =	vsel vm0, v20, v17;
	v20 =	vsel vm0, v32, v24;
	v16 =	vpop (erf);
	v23 =	vmov v5  }
0x1fa: {  	v24 =	vld [tilespmem:s26+$0xFFFFFF50];
	(xrf1) =	vsort.dscd.msk.f32 $0xffff, v28, v2;
	v5, v28, _ =	vpop (xrf1);
	v33 =	vsub.f32 v18, v30;
	v30 =	vnsel vm0, $0x0, v16;
	(erf) = vrcp.f32 v19  }
0x1fb: {  	(xrf1) =	vsort.dscd.msk.f32 $0xffff, v27, v3;
	v26 =	vsel vm0, v5, v26;
	v27 =	vsel vm0, v28, v29;
	v16, v19, _ =	vpop (xrf1);
	v5 =	vmov v6  }
0x1fc: {  	v6 =	vmov v7;
	(xrf1) =	vsort.dscd.msk.f32 $0xffff, v25, v0;
	v16 =	vperm.xlane v16, v4;
	v19 =	vperm.xlane v19, v4;
	v25, v28, _ =	vpop (xrf1)  }
0x1fd: {  	s30 =	sshll.u32 s24, $0x7;
	s24 =	smov.u32 s23;
	s23 =	smov.u32 s18;
	v7 =	vmov v10;
	v29 =	vmul.f32 $1.442695020e+00, v33;
	v18, _, _ =	vpop (xrf2)  }
0x1fe: {  	s18 =	smov.u32 s17;
	s17 =	smov.u32 s16;
	s31 =	sadd.s32 $0x80, s30;
	(xrf1) =	vsort.dscd.msk.f32 $0xffff, v31, v1;
	v25 =	vsel vm0, v25, v16;
	v28 =	vsel vm0, v28, v19;
	v31, v32, _ =	vpop (xrf1);
	v19 =	vbroadcast v18, $0xF  }
0x1ff: {  	s16 =	smov.u32 s28;
	v33 =	vor.u32 s31, v0;
	v16 =	vor.u32 s30, v0;
	(xrf0) =	vmax.scan.msk.f32 $0xffff, v31;
	v34 =	vpop (erf)  }
0x200: {  	(xrf1) =	vsort.dscd.msk.f32 $0xffff, v21, v2;
	v21 =	vnsel vm0, $0x0, v34;
	v18, v10, _ =	vpop (xrf1)  }
0x201: {  	(xrf2) =	vadd.scan.msk.f32 $0xffff, v21;
	v34 =	vpop (erf)  }
0x202: {  	(xrf1) =	vsort.dscd.msk.f32 $0xffff, v24, v0;
	v24, v35, _ =	vpop (xrf1);
	v34 =	vmul.f32 v34, v14  }
0x203: {  	v14 =	vmov v21;
	v21 =	vperm.xlane v24, v4;
	v24 =	vperm.xlane v35, v4;
	_ =	sdelay $0x1  }
0x204: {  	(xrf1) =	vsort.dscd.msk.f32 $0xffff, v17, v20;
	v17 =	vpop (erf)  }
0x205: {  	(xrf1) =	vsort.dscd.msk.f32 $0xffff, v26, v27;
	v20, v26, _ =	vpop (xrf1);
	[tilespmem:v33+s20+$0x0] =	vst.idx.msk $0xff, v34;
	v17 =	vmul.f32 v17, v9;
	v9 =	vmov v15  }
0x206: {  	v15 =	vmov v30;
	v20 =	vsel vm0, v20, v21;
	v21 =	vsel vm0, v26, v24;
	[tilespmem:v33+s21+$0x0] =	vst.idx.msk $0xff, v8;
	v24, _, _ =	vpop (xrf0)  }
.Ltmp1:
0x207: {  	v8, v26, _ =	vpop (xrf1);
	(xrf1) =	vsort.dscd.msk.f32 $0xffff, v20, v21;
	v20 =	vbroadcast v24, $0xF;
	(erf) = vpow2.f32 v29;
	[tilespmem:v22+s20+$0x0] =	vst.idx.msk $0xff, v17;
	(pc) =	sbr.rel @p0 .LBB2_4-.Ltmp1, $4  }
0x208: {  	v30 =	vperm.xlane v8, v4;
	v21 =	vperm.xlane v26, v4;
	v8, v24, _ =	vpop (xrf1);
	(xrf0) =	vmax.scan.msk.f32 $0xffff, v18;
	[tilespmem:v22+s21+$0x0] =	vst.idx.msk $0xff, v23  }
0x209: {  	s26 =	sadd.s32 $0x100, s26;
	v22 =	vperm.xlane v8, v4;
	v23, v26, _ =	vpop (xrf1);
	v29 =	vsub.f32 v31, v20;
	(xrf1) =	vsort.dscd.msk.f32 $0xffff, v25, v28;
	v8 =	vmov v11  }
0x20a: {  	v25 =	vperm.xlane v24, v4;
	v20 =	vld [tilespmem:s26+$0x0];
	v28 =	vsel vm0, v23, v30;
	v21 =	vsel vm0, v26, v21;
	v17, v24, _ =	vpop (xrf1);
	(xrf2) =	vadd.scan.msk.f32 $0xffff, v15  }
0x20b: {  	s28 =	sadd.s32 $0x2, s28;
	v11 =	vmov v32;
	v23 =	vld [tilespmem:s26+$0xFFFFFFE0];
	v17 =	vperm.xlane v17, v4;
	v27, v26, _ =	vpop (xrf1);
	(xrf1) =	vsort.dscd.msk.f32 $0xffff, v28, v21;
	v21 =	vmul.f32 $1.442695020e+00, v29  }
0x20c: {  	v28 =	vld [tilespmem:s26+$0xFFFFFFF0]  }
0x20d: {  	v22 =	vsel vm0, v27, v22;
	v25 =	vsel vm0, v26, v25;
	v26 =	vld [tilespmem:s26+$0xFFFFFF80]  }
0x20e: {  	(xrf1) =	vsort.dscd.msk.f32 $0xffff, v22, v25;
	v22 =	vld [tilespmem:s26+$0xFFFFFFD0]  }
0x20f: {  	(xrf1) =	vsort.dscd.msk.f32 $0xffff, v20, v3  }
0x210: {  	(xrf1) =	vsort.dscd.msk.f32 $0xffff, v23, v1  }
0x211: {  	(xrf1) =	vsort.dscd.msk.f32 $0xffff, v28, v2  }
0x212: {  	v20, v23, _ =	vpop (xrf1);
	(xrf1) =	vsort.dscd.msk.f32 $0xffff, v26, v3  }
0x213: {  	v26 =	vld [tilespmem:s26+$0xFFFFFF60];
	(xrf1) =	vsort.dscd.msk.f32 $0xffff, v22, v0;
	v22, v25, _ =	vpop (xrf1)  }
0x214: {  	v29 =	vld [tilespmem:s26+$0xFFFFFF70];
	v27, v28, _ =	vpop (xrf1)  }
0x215: {  	v24 =	vperm.xlane v24, v4;
	v31, v32, _ =	vpop (xrf1)  }
0x216: {  	v30 =	vld [tilespmem:s26+$0xFFFFFF50];
	v34, v35, _ =	vpop (xrf1)  }
0x217: {  	v33 =	vperm.xlane v20, v4;
	v24 =	vsel vm0, v25, v24;
	v25, v20, _ =	vpop (xrf1)  }
0x218: {  	v23 =	vperm.xlane v23, v4;
	v22 =	vsel vm0, v22, v17;
	(xrf1) =	vsort.dscd.msk.f32 $0xffff, v26, v1;
	v26, v17, _ =	vpop (xrf1)  }
0x219: {  	(xrf1) =	vsort.dscd.msk.f32 $0xffff, v29, v2;
	v29, v49, _ =	vpop (xrf1)  }
0x21a: {  	v23 =	vsel vm0, v28, v23;
	v28 =	vperm.xlane v31, v4;
	v29 =	vperm.xlane v29, v4  }
0x21b: {  	v27 =	vsel vm0, v27, v33;
	(xrf1) =	vsort.dscd.msk.f32 $0xffff, v30, v0;
	v50 =	vperm.xlane v49, v4  }
0x21c: {  	v48 =	vperm.xlane v32, v4;
	v28 =	vsel vm0, v34, v28;
	(xrf1) =	vsort.dscd.msk.f32 $0xffff, v22, v24;
	v22, v24, _ =	vpop (xrf1)  }
0x21d: {  	(erf) = vpow2.f32 v21;
	(xrf1) =	vsort.dscd.msk.f32 $0xffff, v27, v23;
	v21 =	vsel vm0, v22, v29;
	v22 =	vsel vm0, v24, v50;
	v23, v24, _ =	vpop (xrf1)  }
0x21e: {  	(xrf1) =	vsort.dscd.msk.f32 $0xffff, v21, v22;
	v21 =	vperm.xlane v23, v4;
	v22 =	vperm.xlane v24, v4;
	v23, v24, _ =	vpop (xrf1)  }
0x21f: {  	v31 =	vsel vm0, v35, v48;
	v27, v29, _ =	vpop (xrf1)  }
0x220: {  	(xrf1) =	vsort.dscd.msk.f32 $0xffff, v28, v31;
	v23 =	vperm.xlane v23, v4;
	v21 =	vsel vm0, v27, v21;
	v27, v28, _ =	vpop (xrf1)  }
0x221: {  	(xrf0) =	vmax.scan.msk.f32 $0xffff, v25;
	v24 =	vperm.xlane v24, v4;
	v22 =	vsel vm0, v29, v22;
	v29, v51, _ =	vpop (xrf1)  }
0x222: {  	(xrf1) =	vsort.dscd.msk.f32 $0xffff, v21, v22;
	v21 =	vsel vm0, v29, v23  }
0x223: {  	v22 =	vsel vm0, v51, v24  }
0x224: {  	v23, _, _ =	vpop (xrf2);
	(xrf1) =	vsort.dscd.msk.f32 $0xffff, v21, v22  }
0x225: {  	v21, _, _ =	vpop (xrf0)  }
0x226: {  	v24 =	vpop (erf);
	v21 =	vbroadcast v21, $0xF  }
0x227: {  	v29, _, _ =	vpop (xrf0)  }
0x228: {  	v22 =	vpop (erf);
	v29 =	vbroadcast v29, $0xF;
	v18 =	vsub.f32 v18, v21  }
0x229: {  	v53, v52, _ =	vpop (xrf1)  }
0x22a: {  	v21, v54, _ =	vpop (xrf1);
	v18 =	vmul.f32 $1.442695020e+00, v18  }
0x22b: {  	v23 =	vbroadcast v23, $0xF;
	v55, v56, _ =	vpop (xrf1)  }
0x22c: {  	v27 =	vperm.xlane v27, v4;
	v28 =	vperm.xlane v28, v4;
	v57, v36, _ =	vpop (xrf1)  }
0x22d: {  	(erf) = vrcp.f32 v23;
	v23 =	vsub.f32 v25, v29;
	v25, v29, _ =	vpop (xrf1)  }
0x22e: {  	(erf) = vrcp.f32 v19;
	v28 =	vsel vm0, v54, v28;
	v37, v19, _ =	vpop (xrf1)  }
0x22f: {  	v30 =	vperm.xlane v53, v4;
	v21 =	vsel vm0, v21, v27;
	(erf) = vpow2.f32 v18;
	v38, v18, _ =	vpop (xrf1)  }
0x230: {  	v22 =	vnsel vm0, $0x0, v22;
	v31 =	vperm.xlane v52, v4;
	v23 =	vmul.f32 $1.442695020e+00, v23;
	v27, v39, _ =	vpop (xrf1)  }
0x231: {  	(xrf2) =	vadd.scan.msk.f32 $0xffff, v22;
	v27 =	vperm.xlane v27, v4;
	v58 =	vperm.xlane v39, v4  }
0x232: {  	v59 =	vsel vm0, v56, v31;
	(xrf1) =	vsort.dscd.msk.f32 $0xffff, v21, v28;
	(erf) = vpow2.f32 v23;
	v23 =	vsel vm0, v55, v30;
	v21, v28, _ =	vpop (xrf1)  }
0x233: {  	(xrf1) =	vsort.dscd.msk.f32 $0xffff, v23, v59;
	v21 =	vsel vm0, v21, v27;
	v23 =	vsel vm0, v28, v58  }
0x234: {  	(xrf1) =	vsort.dscd.msk.f32 $0xffff, v21, v23;
	_ =	sdelay $0x3  }
0x235: {  	(xrf0) =	vmax.scan.msk.f32 $0xffff, v26;
	v23 =	vnsel vm0, $0x0, v24;
	v24, _, _ =	vpop (xrf2)  }
0x236: {  	(xrf0) =	vmax.scan.msk.f32 $0xffff, v37;
	v27 =	vpop (erf)  }
0x237: {  	v28 =	vpop (erf)  }
0x238: {  	v60 =	vpop (erf)  }
0x239: {  	(xrf2) =	vadd.scan.msk.f32 $0xffff, v23;
	v21 =	vpop (erf)  }
0x23a: {  	v61, _, _ =	vpop (xrf2);
	v31 =	vnsel vm0, $0x0, v21  }
0x23b: {  	v35 =	vperm.xlane v57, v4;
	v21, _, _ =	vpop (xrf0);
	(xrf2) =	vadd.scan.msk.f32 $0xffff, v31  }
0x23c: {  	v36 =	vperm.xlane v36, v4;
	v62, _, _ =	vpop (xrf0);
	v42 =	vbroadcast v21, $0xF  }
0x23d: {  	v45, v63, _ =	vpop (xrf1)  }
0x23e: {  	v25 =	vsel vm0, v25, v35;
	v29 =	vsel vm0, v29, v36;
	(xrf0) =	vmax.scan.msk.f32 $0xffff, v38;
	v40, v41, _ =	vpop (xrf1);
	v26 =	vsub.f32 v26, v42  }
0x23f: {  	(xrf1) =	vsort.dscd.msk.f32 $0xffff, v25, v29;
	v32 =	vbroadcast v61, $0xF;
	v43, v21, _ =	vpop (xrf1)  }
0x240: {  	v33 =	vbroadcast v62, $0xF;
	v26 =	vmul.f32 $1.442695020e+00, v26;
	(xrf0) =	vmax.scan.msk.f32 $0xffff, v43  }
0x241: {  	v24 =	vbroadcast v24, $0xF  }
0x242: {  	(erf) = vrcp.f32 v32;
	v46 =	vsub.f32 v37, v33  }
0x243: {  	(erf) = vrcp.f32 v24;
	v47, _, _ =	vpop (xrf2)  }
0x244: {  	v24 =	vmul.f32 $1.442695020e+00, v46;
	(erf) = vpow2.f32 v26;
	v26, _, _ =	vpop (xrf0)  }
0x245: {  	v25, _, _ =	vpop (xrf2)  }
0x246: {  	(erf) = vpow2.f32 v24;
	v24 =	vbroadcast v26, $0xF;
	v26, _, _ =	vpop (xrf0)  }
0x247: {  	v25 =	vbroadcast v25, $0xF;
	v26 =	vbroadcast v26, $0xF  }
0x248: {  	v29 =	vperm.xlane v45, v4;
	v48 =	vperm.xlane v63, v4;
	v24 =	vsub.f32 v38, v24  }
0x249: {  	v33 =	vbroadcast v47, $0xF;
	(erf) = vrcp.f32 v25;
	v25 =	vsub.f32 v43, v26  }
0x24a: {  	v24 =	vmul.f32 $1.442695020e+00, v24;
	v26 =	vsel vm0, v40, v29;
	v29 =	vsel vm0, v41, v48  }
0x24b: {  	(erf) = vrcp.f32 v33;
	(xrf1) =	vsort.dscd.msk.f32 $0xffff, v26, v29;
	v25 =	vmul.f32 $1.442695020e+00, v25  }
0x24c: {  	(erf) = vpow2.f32 v24  }
0x24d: {  	(erf) = vpow2.f32 v25  }
0x24e: {  	v49, v33, _ =	vpop (xrf1)  }
0x24f: {  	v24 =	vpop (erf)  }
0x250: {  	v25 =	vpop (erf)  }
0x251: {  	v26 =	vpop (erf)  }
0x252: {  	v29 =	vpop (erf)  }
0x253: {  	v30 =	vnsel vm0, $0x0, v60;
	v34 =	vpop (erf)  }
0x254: {  	(xrf2) =	vadd.scan.msk.f32 $0xffff, v30;
	v29 =	vnsel vm0, $0x0, v29;
	v35 =	vpop (erf)  }
0x255: {  	(xrf2) =	vadd.scan.msk.f32 $0xffff, v29;
	v50 =	vpop (erf)  }
0x256: {  	(xrf0) =	vmax.scan.msk.f32 $0xffff, v49;
	v26 =	vnsel vm0, $0x0, v26;
	v51 =	vpop (erf)  }
0x257: {  	(xrf2) =	vadd.scan.msk.f32 $0xffff, v26;
	v37 =	vnsel vm0, $0x0, v51  }
0x258: {  	(xrf2) =	vadd.scan.msk.f32 $0xffff, v37  }
0x259: {  	v52, v39, _ =	vpop (xrf1)  }
0x25a: {  	(xrf0) =	vmax.scan.msk.f32 $0xffff, v52;
	_ =	sdelay $0x2  }
0x25b: {  	v53, _, _ =	vpop (xrf0)  }
0x25c: {  	v54, _, _ =	vpop (xrf2);
	v40 =	vbroadcast v53, $0xF  }
0x25d: {  	v55, _, _ =	vpop (xrf2)  }
0x25e: {  	v32 =	vsub.f32 v49, v40;
	v42 =	vbroadcast v55, $0xF;
	v56, _, _ =	vpop (xrf0)  }
0x25f: {  	v41 =	vbroadcast v54, $0xF;
	v57, _, _ =	vpop (xrf2);
	v40 =	vbroadcast v56, $0xF  }
0x260: {  	v32 =	vmul.f32 $1.442695020e+00, v32;
	(erf) = vrcp.f32 v42;
	v58, _, _ =	vpop (xrf2)  }
0x261: {  	(erf) = vrcp.f32 v41;
	v38 =	vsub.f32 v52, v40;
	v59 =	vbroadcast v58, $0xF  }
0x262: {  	v60 =	vbroadcast v57, $0xF;
	(erf) = vpow2.f32 v32  }
0x263: {  	v61 =	vmul.f32 $1.442695020e+00, v38;
	(erf) = vrcp.f32 v59  }
0x264: {  	(erf) = vrcp.f32 v60  }
0x265: {  	(erf) = vpow2.f32 v61;
	_ =	sdelay $0x3  }
0x266: {  	v62 =	vpop (erf)  }
0x267: {  	v36 =	vnsel vm0, $0x0, v50;
	v63 =	vpop (erf)  }
0x268: {  	s24 =	sshll.u32 s24, $0x7;
	(xrf2) =	vadd.scan.msk.f32 $0xffff, v36;
	v48 =	vpop (erf)  }
0x269: {  	s30 =	sadd.s32 $0x80, s24;
	v50 =	vpop (erf)  }
0x26a: {  	v49 =	vor.u32 s30, v0;
	v40 =	vnsel vm0, $0x0, v48;
	v51 =	vpop (erf)  }
0x26b: {  	s23 =	sshll.u32 s23, $0x7;
	(xrf2) =	vadd.scan.msk.f32 $0xffff, v40;
	v44 =	vpop (erf)  }
0x26c: {  	s31 =	sadd.s32 $0x80, s23;
	v14 =	vmul.f32 v27, v14;
	v9 =	vmul.f32 v28, v9;
	v27 =	vnsel vm0, $0x0, v44  }
0x26d: {  	v52 =	vor.u32 s31, v0;
	(xrf2) =	vadd.scan.msk.f32 $0xffff, v27  }
0x26e: {  	[tilespmem:v12+s20+$0x0] =	vst.idx.msk $0xff, v9  }
0x26f: {  	s18 =	sshll.u32 s18, $0x7;
	[tilespmem:v49+s20+$0x0] =	vst.idx.msk $0xff, v14  }
0x270: {  	s30 =	sadd.s32 $0x80, s18;
	[tilespmem:v49+s21+$0x0] =	vst.idx.msk $0xff, v8;
	v8 =	vmul.f32 v24, v22  }
0x271: {  	[tilespmem:v12+s21+$0x0] =	vst.idx.msk $0xff, v5;
	v5 =	vor.u32 s30, v0  }
0x272: {  	v9, _, _ =	vpop (xrf2);
	[tilespmem:v52+s20+$0x0] =	vst.idx.msk $0xff, v8;
	v8 =	vmul.f32 v25, v15  }
0x273: {  	s17 =	sshll.u32 s17, $0x7;
	v9 =	vbroadcast v9, $0xF;
	[tilespmem:v52+s21+$0x0] =	vst.idx.msk $0xff, v11  }
0x274: {  	s31 =	sadd.s32 $0x80, s17;
	[tilespmem:v13+s20+$0x0] =	vst.idx.msk $0xff, v8;
	v8 =	vmul.f32 v34, v31  }
0x275: {  	v11 =	vor.u32 s31, v0;
	(erf) = vrcp.f32 v9;
	[tilespmem:v13+s21+$0x0] =	vst.idx.msk $0xff, v6;
	v12, _, _ =	vpop (xrf2)  }
0x276: {  	v6 =	vmul.f32 v35, v23;
	[tilespmem:v5+s20+$0x0] =	vst.idx.msk $0xff, v8;
	v8 =	vbroadcast v12, $0xF  }
0x277: {  	s16 =	sshll.u32 s16, $0x7;
	v9 =	vor.u32 s24, v0;
	[tilespmem:v5+s21+$0x0] =	vst.idx.msk $0xff, v20;
	v5 =	vmul.f32 v62, v29;
	v12, _, _ =	vpop (xrf2)  }
0x278: {  	s26 =	sadd.s32 $0x80, s16;
	[tilespmem:v16+s20+$0x0] =	vst.idx.msk $0xff, v6;
	(erf) = vrcp.f32 v8;
	v6 =	vbroadcast v12, $0xF  }
0x279: {  	[tilespmem:v16+s21+$0x0] =	vst.idx.msk $0xff, v7;
	v7 =	vor.u32 s26, v0  }
0x27a: {  	[tilespmem:v11+s20+$0x0] =	vst.idx.msk $0xff, v5;
	v5 =	vmul.f32 v63, v30;
	(erf) = vrcp.f32 v6  }
0x27b: {  	[tilespmem:v11+s21+$0x0] =	vst.idx.msk $0xff, v19;
	v6 =	vor.u32 s23, v0  }
0x27c: {  	[tilespmem:v9+s20+$0x0] =	vst.idx.msk $0xff, v5;
	v5 =	vmul.f32 v50, v37  }
0x27d: {  	[tilespmem:v9+s21+$0x0] =	vst.idx.msk $0xff, v10;
	v8 =	vor.u32 s18, v0  }
0x27e: {  	[tilespmem:v7+s20+$0x0] =	vst.idx.msk $0xff, v5;
	v5 =	vmul.f32 v51, v26  }
0x27f: {  	v9 =	vor.u32 s17, v0;
	[tilespmem:v7+s21+$0x0] =	vst.idx.msk $0xff, v21;
	v7 =	vpop (erf)  }
0x280: {  	[tilespmem:v6+s20+$0x0] =	vst.idx.msk $0xff, v5;
	v5 =	vmul.f32 v7, v36  }
0x281: {  	v7 =	vor.u32 s16, v0;
	[tilespmem:v6+s21+$0x0] =	vst.idx.msk $0xff, v17;
	v6 =	vpop (erf)  }
0x282: {  	[tilespmem:v8+s20+$0x0] =	vst.idx.msk $0xff, v5;
	v5 =	vmul.f32 v6, v40  }
0x283: {  	[tilespmem:v8+s21+$0x0] =	vst.idx.msk $0xff, v18;
	v6 =	vpop (erf)  }
0x284: {  	[tilespmem:v9+s20+$0x0] =	vst.idx.msk $0xff, v5;
	v5 =	vmul.f32 v6, v27  }
0x285: {  	[tilespmem:v9+s21+$0x0] =	vst.idx.msk $0xff, v33  }
0x286: {  	[tilespmem:v7+s20+$0x0] =	vst.idx.msk $0xff, v5  }
0x287: {  	s30 =	simm.s32 $0xA000;
	[tilespmem:v7+s21+$0x0] =	vst.idx.msk $0xff, v39  }
0x288: {  	[hbm4b:s9+s1] =	stream.linear.scatter [tilespmem:s30], [sflag:$0x5], $0x2000, $0x38;
	[tilespmem:$0x18000] =	vst v63  }
0x289: {  	s31 =	simm.s32 $0x12000  }
0x28a: {  	[hbm4b:s10+s1] =	stream.linear.scatter [tilespmem:s31], [sflag:$0x5], $0x2000, $0x38;
	[tilespmem:$0x18000] =	vst v63  }
0x28b: {  	_ =	swait.ge [sflag:s25], $0x2000  }
0x28c: {  	[sflag:s25] =	ssyncset.done $0x0  }
0x28d: {  	s17 =	simm.s32 $0x40B0;
	[sflag:s25] =	ssyncadd.s32 $0xFFFFE000  }
0x28e: {  	v5 =	vld [tilespmem:s17+$0x0]  }
0x28f: {  	v6 =	vld [tilespmem:s17+$0xFFFFFFE0]  }
0x290: {  	v7 =	vld [tilespmem:s17+$0xFFFFFFF0];
	_ =	sdelay $0x1  }
0x291: {  	v8 =	vld [tilespmem:s17+$0xFFFFFF80]  }
0x292: {  	v9 =	vld [tilespmem:s17+$0xFFFFFFD0];
	(xrf1) =	vsort.dscd.msk.f32 $0xffff, v5, v3  }
0x293: {  	(xrf1) =	vsort.dscd.msk.f32 $0xffff, v6, v1  }
0x294: {  	(xrf1) =	vsort.dscd.msk.f32 $0xffff, v7, v2;
	_ =	sdelay $0x1  }
0x295: {  	(xrf1) =	vsort.dscd.msk.f32 $0xffff, v8, v3  }
0x296: {  	(xrf1) =	vsort.dscd.msk.f32 $0xffff, v9, v0;
	_ =	sdelay $0x3  }
0x297: {  	v5 =	vld [tilespmem:s17+$0xFFFFFF60]  }
0x298: {  	v6 =	vld [tilespmem:s17+$0xFFFFFF70]  }
0x299: {  	v7 =	vld [tilespmem:s17+$0xFFFFFF50];
	_ =	sdelay $0x2  }
0x29a: {  	(xrf1) =	vsort.dscd.msk.f32 $0xffff, v5, v1;
	v5, v8, _ =	vpop (xrf1)  }
0x29b: {  	(xrf1) =	vsort.dscd.msk.f32 $0xffff, v6, v2;
	v5 =	vperm.xlane v5, v4;
	v6 =	vperm.xlane v8, v4;
	v8, v9, _ =	vpop (xrf1)  }
0x29c: {  	(xrf1) =	vsort.dscd.msk.f32 $0xffff, v7, v0;
	v7 =	vperm.xlane v8, v4;
	v8, v10, _ =	vpop (xrf1)  }
0x29d: {  	s18 =	simm.s32 $0x41B0;
	v5 =	vsel vm0, v8, v5;
	v6 =	vsel vm0, v10, v6  }
0x29e: {  	v11 =	vld [tilespmem:s18+$0x0];
	v9 =	vperm.xlane v9, v4;
	v8, v10, _ =	vpop (xrf1);
	(xrf1) =	vsort.dscd.msk.f32 $0xffff, v5, v6  }
0x29f: {  	v12 =	vld [tilespmem:s18+$0xFFFFFFE0];
	v13, v14, _ =	vpop (xrf1)  }
0x2a0: {  	v5 =	vld [tilespmem:s18+$0xFFFFFFF0];
	v6 =	vsel vm0, v13, v7;
	v7 =	vsel vm0, v14, v9  }
0x2a1: {  	v9 =	vld [tilespmem:s18+$0xFFFFFF80];
	(xrf1) =	vsort.dscd.msk.f32 $0xffff, v6, v7  }
0x2a2: {  	v6 =	vld [tilespmem:s18+$0xFFFFFFD0]  }
0x2a3: {  	(xrf1) =	vsort.dscd.msk.f32 $0xffff, v11, v3  }
0x2a4: {  	(xrf1) =	vsort.dscd.msk.f32 $0xffff, v12, v1  }
0x2a5: {  	(xrf1) =	vsort.dscd.msk.f32 $0xffff, v5, v2  }
0x2a6: {  	v5 =	vld [tilespmem:s18+$0xFFFFFF60];
	(xrf1) =	vsort.dscd.msk.f32 $0xffff, v9, v3  }
0x2a7: {  	v10 =	vperm.xlane v10, v4;
	(xrf1) =	vsort.dscd.msk.f32 $0xffff, v6, v0;
	v6 =	vld [tilespmem:s18+$0xFFFFFF70]  }
0x2a8: {  	v7 =	vld [tilespmem:s18+$0xFFFFFF50]  }
0x2a9: {  	v8 =	vperm.xlane v8, v4;
	v9, v11, _ =	vpop (xrf1)  }
0x2aa: {  	v12, v13, _ =	vpop (xrf1)  }
0x2ab: {  	v14, v15, _ =	vpop (xrf1);
	(xrf1) =	vsort.dscd.msk.f32 $0xffff, v5, v1;
	v5 =	vsel vm0, v12, v8;
	v8 =	vsel vm0, v13, v10  }
0x2ac: {  	v9 =	vperm.xlane v9, v4;
	(xrf1) =	vsort.dscd.msk.f32 $0xffff, v6, v2;
	v6, v10, _ =	vpop (xrf1)  }
0x2ad: {  	v11 =	vperm.xlane v11, v4;
	(xrf1) =	vsort.dscd.msk.f32 $0xffff, v7, v0;
	v7 =	vperm.xlane v10, v4  }
0x2ae: {  	v6 =	vperm.xlane v6, v4  }
0x2af: {  	v9 =	vsel vm0, v14, v9;
	(xrf1) =	vsort.dscd.msk.f32 $0xffff, v5, v8;
	v10 =	vsel vm0, v15, v11;
	v5, v8, _ =	vpop (xrf1)  }
0x2b0: {  	(xrf1) =	vsort.dscd.msk.f32 $0xffff, v9, v10;
	v5 =	vsel vm0, v5, v6;
	v6 =	vsel vm0, v8, v7  }
0x2b1: {  	(xrf1) =	vsort.dscd.msk.f32 $0xffff, v5, v6;
	v7, v8, _ =	vpop (xrf1)  }
0x2b2: {  	v5 =	vperm.xlane v7, v4;
	v6 =	vperm.xlane v8, v4;
	v7, v8, _ =	vpop (xrf1)  }
0x2b3: {  	s23 =	simm.s32 $0x42B0;
	v7 =	vperm.xlane v7, v4;
	v9, v10, _ =	vpop (xrf1)  }
0x2b4: {  	v11 =	vld [tilespmem:s23+$0x0];
	v8 =	vperm.xlane v8, v4;
	v5 =	vsel vm0, v9, v5;
	v6 =	vsel vm0, v10, v6;
	v9, v12, _ =	vpop (xrf1)  }
0x2b5: {  	v10 =	vld [tilespmem:s23+$0xFFFFFFE0];
	v13, v14, _ =	vpop (xrf1);
	(xrf1) =	vsort.dscd.msk.f32 $0xffff, v5, v6  }
0x2b6: {  	v5 =	vld [tilespmem:s23+$0xFFFFFFF0];
	v6 =	vsel vm0, v13, v7;
	v7 =	vsel vm0, v14, v8  }
0x2b7: {  	(xrf1) =	vsort.dscd.msk.f32 $0xffff, v6, v7  }
0x2b8: {  	v8 =	vld [tilespmem:s23+$0xFFFFFF80]  }
0x2b9: {  	v6 =	vld [tilespmem:s23+$0xFFFFFFD0];
	(xrf1) =	vsort.dscd.msk.f32 $0xffff, v11, v3  }
0x2ba: {  	v7, v11, _ =	vpop (xrf1);
	(xrf1) =	vsort.dscd.msk.f32 $0xffff, v10, v1  }
0x2bb: {  	v13, v14, _ =	vpop (xrf1);
	(xrf1) =	vsort.dscd.msk.f32 $0xffff, v5, v2  }
0x2bc: {  	v5, v15, _ =	vpop (xrf1)  }
0x2bd: {  	(xrf1) =	vsort.dscd.msk.f32 $0xffff, v8, v3;
	v8 =	vld [tilespmem:s23+$0xFFFFFF60];
	v16, v17, _ =	vpop (xrf1)  }
0x2be: {  	v9 =	vperm.xlane v9, v4;
	(xrf1) =	vsort.dscd.msk.f32 $0xffff, v6, v0;
	v6 =	vld [tilespmem:s23+$0xFFFFFF70];
	v18, v19, _ =	vpop (xrf1)  }
0x2bf: {  	v20 =	vld [tilespmem:s23+$0xFFFFFF50];
	v12 =	vperm.xlane v12, v4;
	v7 =	vperm.xlane v7, v4;
	v21, v10, _ =	vpop (xrf1)  }
0x2c0: {  	v11 =	vperm.xlane v11, v4;
	(xrf0) =	vmax.scan.msk.f32 $0xffff, v21  }
0x2c1: {  	v9 =	vsel vm0, v13, v9;
	v12 =	vsel vm0, v14, v12;
	v5 =	vsel vm0, v5, v7  }
0x2c2: {  	v7 =	vsel vm0, v15, v11;
	v11 =	vperm.xlane v16, v4;
	(xrf1) =	vsort.dscd.msk.f32 $0xffff, v8, v1  }
0x2c3: {  	(xrf1) =	vsort.dscd.msk.f32 $0xffff, v6, v2;
	v6, v8, _ =	vpop (xrf1)  }
0x2c4: {  	(xrf1) =	vsort.dscd.msk.f32 $0xffff, v20, v0;
	v6 =	vperm.xlane v6, v4;
	v8 =	vperm.xlane v8, v4  }
0x2c5: {  	v13 =	vperm.xlane v17, v4;
	(xrf1) =	vsort.dscd.msk.f32 $0xffff, v9, v12;
	v9, v12, _ =	vpop (xrf1)  }
0x2c6: {  	(xrf1) =	vsort.dscd.msk.f32 $0xffff, v5, v7;
	v7, _, _ =	vpop (xrf0);
	v5 =	vsel vm0, v9, v6;
	v6 =	vsel vm0, v12, v8  }
0x2c7: {  	v8 =	vsel vm0, v18, v11;
	v9, v11, _ =	vpop (xrf1);
	(xrf1) =	vsort.dscd.msk.f32 $0xffff, v5, v6;
	v5 =	vbroadcast v7, $0xF  }
0x2c8: {  	v7 =	vperm.xlane v9, v4;
	v9 =	vperm.xlane v11, v4;
	v11, v12, _ =	vpop (xrf1)  }
0x2c9: {  	v6 =	vsel vm0, v19, v13;
	v13, v14, _ =	vpop (xrf1)  }
0x2ca: {  	s24 =	simm.s32 $0x43B0;
	(xrf1) =	vsort.dscd.msk.f32 $0xffff, v8, v6;
	v8 =	vperm.xlane v12, v4  }
0x2cb: {  	v6 =	vld [tilespmem:s24+$0x0];
	v5 =	vsub.f32 v21, v5;
	v7 =	vsel vm0, v13, v7;
	v9 =	vsel vm0, v14, v9;
	v12, v13, _ =	vpop (xrf1)  }
0x2cc: {  	v11 =	vperm.xlane v11, v4;
	v14 =	vld [tilespmem:s24+$0xFFFFFFE0];
	(xrf1) =	vsort.dscd.msk.f32 $0xffff, v7, v9;
	v15, v16, _ =	vpop (xrf1)  }
0x2cd: {  	v7 =	vld [tilespmem:s24+$0xFFFFFFF0];
	v5 =	vmul.f32 $1.442695020e+00, v5;
	v8 =	vsel vm0, v16, v8  }
0x2ce: {  	v9 =	vsel vm0, v15, v11;
	v11 =	vld [tilespmem:s24+$0xFFFFFF80]  }
0x2cf: {  	(xrf1) =	vsort.dscd.msk.f32 $0xffff, v9, v8;
	(erf) = vpow2.f32 v5;
	v5 =	vld [tilespmem:s24+$0xFFFFFFD0]  }
0x2d0: {  	(xrf1) =	vsort.dscd.msk.f32 $0xffff, v6, v3  }
0x2d1: {  	v6, v8, _ =	vpop (xrf1);
	(xrf1) =	vsort.dscd.msk.f32 $0xffff, v14, v1  }
0x2d2: {  	v9, v14, _ =	vpop (xrf1);
	(xrf1) =	vsort.dscd.msk.f32 $0xffff, v7, v2  }
0x2d3: {  	v7 =	vld [tilespmem:s24+$0xFFFFFF60];
	v15, v16, _ =	vpop (xrf1);
	(xrf1) =	vsort.dscd.msk.f32 $0xffff, v11, v3  }
0x2d4: {  	v18, v19, _ =	vpop (xrf1);
	(xrf1) =	vsort.dscd.msk.f32 $0xffff, v5, v0;
	v5 =	vperm.xlane v12, v4;
	_ =	sdelay $0x1  }
0x2d5: {  	v20, v21, _ =	vpop (xrf1)  }
0x2d6: {  	v17 =	vld [tilespmem:s24+$0xFFFFFF70];
	v23, v11, _ =	vpop (xrf1)  }
0x2d7: {  	v22 =	vld [tilespmem:s24+$0xFFFFFF50];
	v13 =	vperm.xlane v13, v4;
	v6 =	vperm.xlane v6, v4;
	(xrf1) =	vsort.dscd.msk.f32 $0xffff, v7, v1;
	v7 =	vpop (erf)  }
0x2d8: {  	v8 =	vperm.xlane v8, v4;
	v9 =	vsel vm0, v9, v5;
	(xrf0) =	vmax.scan.msk.f32 $0xffff, v23;
	v12 =	vnsel vm0, $0x0, v7;
	v7, v5, _ =	vpop (xrf1)  }
0x2d9: {  	v13 =	vsel vm0, v14, v13;
	v6 =	vsel vm0, v15, v6;
	v14, v15, _ =	vpop (xrf1)  }
0x2da: {  	v8 =	vsel vm0, v16, v8;
	v15 =	vperm.xlane v15, v4  }
0x2db: {  	v16 =	vperm.xlane v18, v4;
	(xrf1) =	vsort.dscd.msk.f32 $0xffff, v17, v2;
	v14 =	vperm.xlane v14, v4  }
0x2dc: {  	(xrf1) =	vsort.dscd.msk.f32 $0xffff, v22, v0  }
0x2dd: {  	v17 =	vperm.xlane v19, v4;
	(xrf1) =	vsort.dscd.msk.f32 $0xffff, v9, v13;
	v9, v13, _ =	vpop (xrf1)  }
0x2de: {  	(xrf1) =	vsort.dscd.msk.f32 $0xffff, v6, v8;
	v6 =	vsel vm0, v9, v14;
	v8 =	vsel vm0, v13, v15;
	v9, _, _ =	vpop (xrf0)  }
0x2df: {  	v14, v15, _ =	vpop (xrf1);
	(xrf1) =	vsort.dscd.msk.f32 $0xffff, v6, v8;
	v6 =	vbroadcast v9, $0xF  }
0x2e0: {  	v13 =	vsel vm0, v20, v16;
	v9 =	vperm.xlane v14, v4;
	v14 =	vperm.xlane v15, v4;
	v15, v16, _ =	vpop (xrf1)  }
0x2e1: {  	(xrf0) =	vmax.scan.msk.f32 $0xffff, v7;
	v8 =	vsel vm0, v21, v17;
	v17, v18, _ =	vpop (xrf1)  }
0x2e2: {  	s26 =	simm.s32 $0x44B0;
	(xrf1) =	vsort.dscd.msk.f32 $0xffff, v13, v8;
	v15 =	vperm.xlane v15, v4;
	v6 =	vsub.f32 v23, v6  }
0x2e3: {  	(xrf2) =	vadd.scan.msk.f32 $0xffff, v12;
	v8 =	vld [tilespmem:s26+$0x0];
	v13 =	vperm.xlane v16, v4;
	v9 =	vsel vm0, v17, v9;
	v14 =	vsel vm0, v18, v14;
	v16, v17, _ =	vpop (xrf1)  }
0x2e4: {  	v18 =	vld [tilespmem:s26+$0xFFFFFFE0];
	(xrf1) =	vsort.dscd.msk.f32 $0xffff, v9, v14;
	v19, v20, _ =	vpop (xrf1)  }
0x2e5: {  	v6 =	vmul.f32 $1.442695020e+00, v6;
	v9 =	vld [tilespmem:s26+$0xFFFFFFF0];
	v14 =	vsel vm0, v19, v15  }
0x2e6: {  	v13 =	vsel vm0, v20, v13;
	v15 =	vld [tilespmem:s26+$0xFFFFFF80]  }
0x2e7: {  	(erf) = vpow2.f32 v6;
	v6 =	vld [tilespmem:s26+$0xFFFFFFD0];
	(xrf1) =	vsort.dscd.msk.f32 $0xffff, v14, v13  }
0x2e8: {  	v28, _, _ =	vpop (xrf0);
	(xrf1) =	vsort.dscd.msk.f32 $0xffff, v8, v3  }
0x2e9: {  	v8, v14, _ =	vpop (xrf1);
	(xrf1) =	vsort.dscd.msk.f32 $0xffff, v18, v1  }
0x2ea: {  	v18, v19, _ =	vpop (xrf1);
	(xrf1) =	vsort.dscd.msk.f32 $0xffff, v9, v2  }
0x2eb: {  	v9 =	vld [tilespmem:s26+$0xFFFFFF60];
	v20, v21, _ =	vpop (xrf1);
	(xrf1) =	vsort.dscd.msk.f32 $0xffff, v15, v3  }
0x2ec: {  	v22, v23, _ =	vpop (xrf1);
	(xrf1) =	vsort.dscd.msk.f32 $0xffff, v6, v0;
	v6 =	vperm.xlane v16, v4  }
0x2ed: {  	v13, _, _ =	vpop (xrf2);
	v15 =	vld [tilespmem:s26+$0xFFFFFF70]  }
0x2ee: {  	v16 =	vperm.xlane v17, v4;
	v24, v25, _ =	vpop (xrf1)  }
0x2ef: {  	v13 =	vbroadcast v13, $0xF;
	v27, v17, _ =	vpop (xrf1)  }
0x2f0: {  	v26 =	vld [tilespmem:s26+$0xFFFFFF50];
	(xrf1) =	vsort.dscd.msk.f32 $0xffff, v9, v1;
	v9 =	vpop (erf)  }
0x2f1: {  	(erf) = vrcp.f32 v13;
	v18 =	vsel vm0, v18, v6;
	(xrf0) =	vmax.scan.msk.f32 $0xffff, v27;
	v13 =	vnsel vm0, $0x0, v9;
	v9, v6, _ =	vpop (xrf1)  }
0x2f2: {  	v8 =	vperm.xlane v8, v4;
	(xrf1) =	vsort.dscd.msk.f32 $0xffff, v15, v2;
	v15 =	vsel vm0, v19, v16;
	v16, v19, _ =	vpop (xrf1)  }
0x2f3: {  	v19 =	vperm.xlane v19, v4  }
0x2f4: {  	v14 =	vperm.xlane v14, v4;
	v8 =	vsel vm0, v20, v8;
	v20 =	vperm.xlane v22, v4;
	(xrf2) =	vadd.scan.msk.f32 $0xffff, v13  }
0x2f5: {  	(xrf1) =	vsort.dscd.msk.f32 $0xffff, v26, v0;
	v16 =	vperm.xlane v16, v4  }
0x2f6: {  	v14 =	vsel vm0, v21, v14;
	v21 =	vperm.xlane v23, v4;
	(xrf1) =	vsort.dscd.msk.f32 $0xffff, v18, v15;
	v15, v18, _ =	vpop (xrf1)  }
0x2f7: {  	(xrf1) =	vsort.dscd.msk.f32 $0xffff, v8, v14;
	v8 =	vsel vm0, v15, v16;
	v14 =	vsel vm0, v18, v19;
	v15, _, _ =	vpop (xrf0)  }
0x2f8: {  	v28 =	vbroadcast v28, $0xF;
	v18, v19, _ =	vpop (xrf1);
	(xrf1) =	vsort.dscd.msk.f32 $0xffff, v8, v14;
	v8 =	vbroadcast v15, $0xF  }
0x2f9: {  	v16 =	vsel vm0, v24, v20;
	v15 =	vperm.xlane v18, v4;
	v18 =	vperm.xlane v19, v4;
	v19, v20, _ =	vpop (xrf1)  }
0x2fa: {  	v14 =	vsel vm0, v25, v21;
	v21, v22, _ =	vpop (xrf1)  }
0x2fb: {  	v7 =	vsub.f32 v7, v28;
	(xrf1) =	vsort.dscd.msk.f32 $0xffff, v16, v14  }
0x2fc: {  	s30 =	simm.s32 $0x45B0;
	v19 =	vperm.xlane v19, v4;
	v16 =	vperm.xlane v20, v4;
	v15 =	vsel vm0, v21, v15;
	v20, v21, _ =	vpop (xrf1)  }
0x2fd: {  	(xrf0) =	vmax.scan.msk.f32 $0xffff, v9;
	v14 =	vld [tilespmem:s30+$0x0];
	v8 =	vsub.f32 v27, v8;
	v18 =	vsel vm0, v22, v18;
	v23, v24, _ =	vpop (xrf1)  }
0x2fe: {  	v7 =	vmul.f32 $1.442695020e+00, v7;
	v22 =	vld [tilespmem:s30+$0xFFFFFFE0];
	(xrf1) =	vsort.dscd.msk.f32 $0xffff, v15, v18;
	v16 =	vsel vm0, v24, v16  }
0x2ff: {  	v8 =	vmul.f32 $1.442695020e+00, v8;
	v15 =	vld [tilespmem:s30+$0xFFFFFFF0];
	v18 =	vsel vm0, v23, v19  }
0x300: {  	(erf) = vpow2.f32 v7;
	v19 =	vpop (erf);
	(xrf1) =	vsort.dscd.msk.f32 $0xffff, v18, v16  }
0x301: {  	v7 =	vld [tilespmem:s30+$0xFFFFFF80];
	(erf) = vpow2.f32 v8;
	v16, _, _ =	vpop (xrf2)  }
0x302: {  	v8 =	vld [tilespmem:s30+$0xFFFFFFD0];
	v18, v23, _ =	vpop (xrf1);
	(xrf1) =	vsort.dscd.msk.f32 $0xffff, v14, v3  }
0x303: {  	v24 =	vld [tilespmem:s30+$0xFFFFFF60];
	v14, _, _ =	vpop (xrf0);
	(xrf1) =	vsort.dscd.msk.f32 $0xffff, v22, v1  }
0x304: {  	v22, v25, _ =	vpop (xrf1);
	(xrf1) =	vsort.dscd.msk.f32 $0xffff, v15, v2  }
0x305: {  	v15, v26, _ =	vpop (xrf1)  }
0x306: {  	v16 =	vbroadcast v16, $0xF;
	(xrf1) =	vsort.dscd.msk.f32 $0xffff, v7, v3;
	v7 =	vld [tilespmem:s30+$0xFFFFFF70];
	v27, v28, _ =	vpop (xrf1)  }
0x307: {  	(xrf1) =	vsort.dscd.msk.f32 $0xffff, v8, v0;
	v29, v53, _ =	vpop (xrf1)  }
0x308: {  	v54 =	vld [tilespmem:s30+$0xFFFFFF50];
	v21 =	vperm.xlane v21, v4;
	v18 =	vperm.xlane v18, v4;
	(xrf1) =	vsort.dscd.msk.f32 $0xffff, v24, v1;
	v24, v8, _ =	vpop (xrf1)  }
0x309: {  	v20 =	vperm.xlane v20, v4;
	v55 =	vpop (erf);
	v14 =	vbroadcast v14, $0xF;
	(xrf0) =	vmax.scan.msk.f32 $0xffff, v24  }
0x30a: {  	v23 =	vperm.xlane v23, v4;
	v21 =	vsel vm0, v25, v21;
	(erf) = vrcp.f32 v16;
	v16 =	vpop (erf)  }
0x30b: {  	v20 =	vsel vm0, v22, v20;
	v9 =	vsub.f32 v9, v14;
	v16 =	vnsel vm0, $0x0, v16;
	(xrf1) =	vsort.dscd.msk.f32 $0xffff, v7, v2;
	v22, v7, _ =	vpop (xrf1)  }
0x30c: {  	v14 =	vsel vm0, v15, v18;
	v23 =	vsel vm0, v26, v23;
	v26 =	vperm.xlane v28, v4;
	(xrf2) =	vadd.scan.msk.f32 $0xffff, v16;
	v18, v25, _ =	vpop (xrf1)  }
0x30d: {  	(xrf1) =	vsort.dscd.msk.f32 $0xffff, v54, v0;
	v18 =	vperm.xlane v18, v4;
	v25 =	vperm.xlane v25, v4  }
0x30e: {  	v15 =	vperm.xlane v27, v4;
	(xrf1) =	vsort.dscd.msk.f32 $0xffff, v20, v21;
	v20, v21, _ =	vpop (xrf1)  }
0x30f: {  	(xrf1) =	vsort.dscd.msk.f32 $0xffff, v14, v23;
	v14 =	vsel vm0, v20, v18;
	v18 =	vsel vm0, v21, v25;
	v20, _, _ =	vpop (xrf0)  }
0x310: {  	v9 =	vmul.f32 $1.442695020e+00, v9;
	v21, v23, _ =	vpop (xrf1);
	(xrf1) =	vsort.dscd.msk.f32 $0xffff, v14, v18;
	v14 =	vbroadcast v20, $0xF  }
0x311: {  	v18 =	vperm.xlane v21, v4;
	v20 =	vperm.xlane v23, v4;
	v21, v23, _ =	vpop (xrf1)  }
0x312: {  	v15 =	vsel vm0, v29, v15;
	(erf) = vpow2.f32 v9;
	v9 =	vsel vm0, v53, v26;
	(xrf0) =	vmax.scan.msk.f32 $0xffff, v22;
	v25, v26, _ =	vpop (xrf1)  }
0x313: {  	(xrf1) =	vsort.dscd.msk.f32 $0xffff, v15, v9;
	v21 =	vperm.xlane v21, v4;
	v14 =	vsub.f32 v24, v14  }
0x314: {  	s31 =	simm.s32 $0x46B0;
	v23 =	vperm.xlane v23, v4;
	v18 =	vsel vm0, v25, v18;
	v20 =	vsel vm0, v26, v20;
	v24, v25, _ =	vpop (xrf1)  }
0x315: {  	s18 =	simm.s32 $0x4080;
	v15 =	vld [tilespmem:s31+$0x0];
	(xrf1) =	vsort.dscd.msk.f32 $0xffff, v18, v20;
	v14 =	vmul.f32 $1.442695020e+00, v14;
	v27, v28, _ =	vpop (xrf1)  }
0x316: {  	s23 =	simm.s32 $0x4180;
	v26 =	vld [tilespmem:s31+$0xFFFFFFE0];
	v21 =	vsel vm0, v27, v21;
	v23 =	vsel vm0, v28, v23;
	v27 =	vor.u32 s18, v0  }
0x317: {  	v56 =	vor.u32 s23, v0;
	v20 =	vld [tilespmem:s31+$0xFFFFFFF0];
	v28, _, _ =	vpop (xrf2)  }
0x318: {  	v29 =	vld [tilespmem:s31+$0xFFFFFF80];
	v9 =	vnsel vm0, $0x0, v55;
	v57, _, _ =	vpop (xrf0);
	(erf) = vpow2.f32 v14;
	(xrf1) =	vsort.dscd.msk.f32 $0xffff, v21, v23;
	v28 =	vbroadcast v28, $0xF  }
0x319: {  	v12 =	vmul.f32 v19, v12;
	(xrf2) =	vadd.scan.msk.f32 $0xffff, v9;
	v18 =	vpop (erf);
	v14 =	vld [tilespmem:s31+$0xFFFFFFD0]  }
0x31a: {  	(xrf1) =	vsort.dscd.msk.f32 $0xffff, v15, v3;
	v21, v23, _ =	vpop (xrf1)  }
0x31b: {  	v15, v19, _ =	vpop (xrf1);
	(xrf1) =	vsort.dscd.msk.f32 $0xffff, v26, v1;
	[tilespmem:v27+s20+$0x0] =	vst.idx.msk $0xff, v12;
	v12 =	vmul.f32 v18, v13  }
0x31c: {  	(erf) = vrcp.f32 v28;
	v13 =	vld [tilespmem:s31+$0xFFFFFF60];
	(xrf1) =	vsort.dscd.msk.f32 $0xffff, v20, v2;
	v18, v20, _ =	vpop (xrf1);
	[tilespmem:v27+s21+$0x0] =	vst.idx.msk $0xff, v10  }
0x31d: {  	v10 =	vld [tilespmem:s31+$0xFFFFFF70];
	(xrf1) =	vsort.dscd.msk.f32 $0xffff, v29, v3;
	v27, v28, _ =	vpop (xrf1);
	[tilespmem:v56+s20+$0x0] =	vst.idx.msk $0xff, v12;
	v12 =	vperm.xlane v24, v4  }
0x31e: {  	v21 =	vperm.xlane v21, v4;
	(xrf1) =	vsort.dscd.msk.f32 $0xffff, v14, v0;
	v14 =	vperm.xlane v25, v4;
	v24, v25, _ =	vpop (xrf1)  }
0x31f: {  	[tilespmem:v56+s21+$0x0] =	vst.idx.msk $0xff, v11;
	v59, v11, _ =	vpop (xrf1);
	v60 =	vsel vm0, v15, v12;
	v15 =	vperm.xlane v27, v4  }
0x320: {  	v58 =	vld [tilespmem:s31+$0xFFFFFF50];
	v26 =	vpop (erf);
	v23 =	vperm.xlane v23, v4;
	(xrf0) =	vmax.scan.msk.f32 $0xffff, v59  }
0x321: {  	v29 =	vbroadcast v57, $0xF;
	v21 =	vsel vm0, v18, v21;
	(xrf1) =	vsort.dscd.msk.f32 $0xffff, v13, v1;
	v13 =	vpop (erf)  }
0x322: {  	v20 =	vsel vm0, v20, v23;
	v19 =	vsel vm0, v19, v14;
	(xrf1) =	vsort.dscd.msk.f32 $0xffff, v10, v2;
	v18, v10, _ =	vpop (xrf1)  }
0x323: {  	v23 =	vperm.xlane v28, v4;
	v14 =	vnsel vm0, $0x0, v13;
	v24 =	vsel vm0, v24, v15;
	v15, v28, _ =	vpop (xrf1)  }
0x324: {  	v61, _, _ =	vpop (xrf2);
	(xrf2) =	vadd.scan.msk.f32 $0xffff, v14;
	v28 =	vperm.xlane v28, v4  }
0x325: {  	s26 =	simm.s32 $0x4280;
	v22 =	vsub.f32 v22, v29;
	v23 =	vsel vm0, v25, v23;
	v29 =	vpop (erf);
	(xrf1) =	vsort.dscd.msk.f32 $0xffff, v58, v0  }
0x326: {  	v27 =	vor.u32 s26, v0;
	v25 =	vmul.f32 v29, v16;
	(xrf1) =	vsort.dscd.msk.f32 $0xffff, v60, v19;
	v62 =	vperm.xlane v15, v4;
	v16, v19, _ =	vpop (xrf1)  }
0x327: {  	v15 =	vnsel vm0, $0x0, v26;
	v26, _, _ =	vpop (xrf0)  }
0x328: {  	v22 =	vmul.f32 $1.442695020e+00, v22;
	(xrf1) =	vsort.dscd.msk.f32 $0xffff, v21, v20;
	v20 =	vsel vm0, v16, v62;
	v21 =	vsel vm0, v19, v28;
	v28, v29, _ =	vpop (xrf1)  }
0x329: {  	(xrf1) =	vsort.dscd.msk.f32 $0xffff, v20, v21;
	v20 =	vbroadcast v26, $0xF;
	v26 =	vperm.xlane v29, v4;
	_ =	sdelay $0x1  }
0x32a: {  	s24 =	simm.s32 $0x4000;
	(erf) = vpow2.f32 v22;
	[tilespmem:v27+s20+$0x0] =	vst.idx.msk $0xff, v25;
	v21 =	vperm.xlane v28, v4;
	v25, v28, _ =	vpop (xrf1)  }
0x32b: {  	s30 =	simm.s32 $0x4100;
	v12 =	vor.u32 s24, v0;
	(xrf0) =	vmax.scan.msk.f32 $0xffff, v18;
	v31 =	vsub.f32 v59, v20;
	v22 =	vperm.xlane v25, v4;
	v29, v63, _ =	vpop (xrf1)  }
0x32c: {  	s31 =	simm.s32 $0x4200;
	s26 =	simm.s32 $0x47B0;
	v13 =	vor.u32 s30, v0;
	(xrf1) =	vsort.dscd.msk.f32 $0xffff, v24, v23;
	v25 =	vperm.xlane v28, v4;
	v28 =	vsel vm0, v63, v26;
	v26, v24, _ =	vpop (xrf1)  }
0x32d: {  	s28 =	simm.s32 $0x90;
	s16 =	simm.s32 $0x8E;
	s17 =	simm.s32 $0x8C;
	(xrf2) =	vadd.scan.msk.f32 $0xffff, v15;
	v19 =	vbroadcast v61, $0xF;
	v16 =	vor.u32 s31, v0;
	v20 =	vld [tilespmem:s26+$0x0];
	v21 =	vsel vm0, v29, v21  }
0x32e: {  	s23 =	simm.s32 $0x88;
	s18 =	simm.s32 $0x8A;
	s24 =	simm.s32 $0x86;
	[tilespmem:v27+s21+$0x0] =	vst.idx.msk $0xff, v17;
	v23 =	vld [tilespmem:s26+$0xFFFFFFE0];
	v17 =	vperm.xlane v26, v4;
	v27, v26, _ =	vpop (xrf1);
	(xrf1) =	vsort.dscd.msk.f32 $0xffff, v21, v28;
	v21 =	vmul.f32 $1.442695020e+00, v31  }
.LBB2_6:
0x32f: {  	p0 =	slt.u32 s28, $0xBE;
	v28 =	vld [tilespmem:s26+$0xFFFFFFF0];
	v24 =	vperm.xlane v24, v4;
	v31 =	vsel vm0, v27, v22;
	v25 =	vsel vm0, v26, v25;
	v26, _, _ =	vpop (xrf2)  }
0x330: {  	v22 =	vmov v12;
	v27 =	vld [tilespmem:s26+$0xFFFFFF80];
	v29, v30, _ =	vpop (xrf1);
	(xrf1) =	vsort.dscd.msk.f32 $0xffff, v31, v25;
	(erf) = vpow2.f32 v21;
	v21 =	vbroadcast v26, $0xF  }
0x331: {  	v12 =	vmov v13;
	v25 =	vld [tilespmem:s26+$0xFFFFFFD0];
	v26 =	vperm.xlane v29, v4;
	v29 =	vperm.xlane v30, v4;
	v30, _, _ =	vpop (xrf0)  }
0x332: {  	v13 =	vmov v16;
	v31 =	vld [tilespmem:s26+$0xFFFFFF60];
	(xrf1) =	vsort.dscd.msk.f32 $0xffff, v20, v3;
	v20, v32, _ =	vpop (xrf1);
	v30 =	vbroadcast v30, $0xF;
	(erf) = vrcp.f32 v21  }
0x333: {  	v21 =	vld [tilespmem:s26+$0xFFFFFF70];
	(xrf1) =	vsort.dscd.msk.f32 $0xffff, v23, v1;
	v17 =	vsel vm0, v20, v17;
	v20 =	vsel vm0, v32, v24;
	v16 =	vpop (erf);
	v23 =	vmov v5  }
0x334: {  	v24 =	vld [tilespmem:s26+$0xFFFFFF50];
	(xrf1) =	vsort.dscd.msk.f32 $0xffff, v28, v2;
	v5, v28, _ =	vpop (xrf1);
	v33 =	vsub.f32 v18, v30;
	v30 =	vnsel vm0, $0x0, v16;
	(erf) = vrcp.f32 v19  }
0x335: {  	(xrf1) =	vsort.dscd.msk.f32 $0xffff, v27, v3;
	v26 =	vsel vm0, v5, v26;
	v27 =	vsel vm0, v28, v29;
	v16, v19, _ =	vpop (xrf1);
	v5 =	vmov v6  }
0x336: {  	v6 =	vmov v7;
	(xrf1) =	vsort.dscd.msk.f32 $0xffff, v25, v0;
	v16 =	vperm.xlane v16, v4;
	v19 =	vperm.xlane v19, v4;
	v25, v28, _ =	vpop (xrf1)  }
0x337: {  	s30 =	sshll.u32 s24, $0x7;
	s24 =	smov.u32 s23;
	s23 =	smov.u32 s18;
	v7 =	vmov v10;
	v29 =	vmul.f32 $1.442695020e+00, v33;
	v18, _, _ =	vpop (xrf2)  }
0x338: {  	s18 =	smov.u32 s17;
	s17 =	smov.u32 s16;
	s31 =	sadd.s32 $0x80, s30;
	(xrf1) =	vsort.dscd.msk.f32 $0xffff, v31, v1;
	v25 =	vsel vm0, v25, v16;
	v28 =	vsel vm0, v28, v19;
	v31, v32, _ =	vpop (xrf1);
	v19 =	vbroadcast v18, $0xF  }
0x339: {  	s16 =	smov.u32 s28;
	v33 =	vor.u32 s31, v0;
	v16 =	vor.u32 s30, v0;
	(xrf0) =	vmax.scan.msk.f32 $0xffff, v31;
	v34 =	vpop (erf)  }
0x33a: {  	(xrf1) =	vsort.dscd.msk.f32 $0xffff, v21, v2;
	v21 =	vnsel vm0, $0x0, v34;
	v18, v10, _ =	vpop (xrf1)  }
0x33b: {  	(xrf2) =	vadd.scan.msk.f32 $0xffff, v21;
	v34 =	vpop (erf)  }
0x33c: {  	(xrf1) =	vsort.dscd.msk.f32 $0xffff, v24, v0;
	v24, v35, _ =	vpop (xrf1);
	v34 =	vmul.f32 v34, v14  }
0x33d: {  	v14 =	vmov v21;
	v21 =	vperm.xlane v24, v4;
	v24 =	vperm.xlane v35, v4;
	_ =	sdelay $0x1  }
0x33e: {  	(xrf1) =	vsort.dscd.msk.f32 $0xffff, v17, v20;
	v17 =	vpop (erf)  }
0x33f: {  	(xrf1) =	vsort.dscd.msk.f32 $0xffff, v26, v27;
	v20, v26, _ =	vpop (xrf1);
	[tilespmem:v33+s20+$0x0] =	vst.idx.msk $0xff, v34;
	v17 =	vmul.f32 v17, v9;
	v9 =	vmov v15  }
0x340: {  	v15 =	vmov v30;
	v20 =	vsel vm0, v20, v21;
	v21 =	vsel vm0, v26, v24;
	[tilespmem:v33+s21+$0x0] =	vst.idx.msk $0xff, v8;
	v24, _, _ =	vpop (xrf0)  }
.Ltmp2:
0x341: {  	v8, v26, _ =	vpop (xrf1);
	(xrf1) =	vsort.dscd.msk.f32 $0xffff, v20, v21;
	v20 =	vbroadcast v24, $0xF;
	(erf) = vpow2.f32 v29;
	[tilespmem:v22+s20+$0x0] =	vst.idx.msk $0xff, v17;
	(pc) =	sbr.rel @p0 .LBB2_6-.Ltmp2, $4  }
0x342: {  	v30 =	vperm.xlane v8, v4;
	v21 =	vperm.xlane v26, v4;
	v8, v24, _ =	vpop (xrf1);
	(xrf0) =	vmax.scan.msk.f32 $0xffff, v18;
	[tilespmem:v22+s21+$0x0] =	vst.idx.msk $0xff, v23  }
0x343: {  	s26 =	sadd.s32 $0x100, s26;
	v22 =	vperm.xlane v8, v4;
	v23, v26, _ =	vpop (xrf1);
	v29 =	vsub.f32 v31, v20;
	(xrf1) =	vsort.dscd.msk.f32 $0xffff, v25, v28;
	v8 =	vmov v11  }
0x344: {  	v25 =	vperm.xlane v24, v4;
	v20 =	vld [tilespmem:s26+$0x0];
	v28 =	vsel vm0, v23, v30;
	v21 =	vsel vm0, v26, v21;
	v17, v24, _ =	vpop (xrf1);
	(xrf2) =	vadd.scan.msk.f32 $0xffff, v15  }
0x345: {  	s28 =	sadd.s32 $0x2, s28;
	v11 =	vmov v32;
	v23 =	vld [tilespmem:s26+$0xFFFFFFE0];
	v17 =	vperm.xlane v17, v4;
	v27, v26, _ =	vpop (xrf1);
	(xrf1) =	vsort.dscd.msk.f32 $0xffff, v28, v21;
	v21 =	vmul.f32 $1.442695020e+00, v29  }
0x346: {  	v28 =	vld [tilespmem:s26+$0xFFFFFFF0]  }
0x347: {  	v22 =	vsel vm0, v27, v22;
	v25 =	vsel vm0, v26, v25;
	v26 =	vld [tilespmem:s26+$0xFFFFFF80]  }
0x348: {  	(xrf1) =	vsort.dscd.msk.f32 $0xffff, v22, v25;
	v22 =	vld [tilespmem:s26+$0xFFFFFFD0]  }
0x349: {  	(xrf1) =	vsort.dscd.msk.f32 $0xffff, v20, v3  }
0x34a: {  	(xrf1) =	vsort.dscd.msk.f32 $0xffff, v23, v1  }
0x34b: {  	(xrf1) =	vsort.dscd.msk.f32 $0xffff, v28, v2  }
0x34c: {  	v20, v23, _ =	vpop (xrf1);
	(xrf1) =	vsort.dscd.msk.f32 $0xffff, v26, v3  }
0x34d: {  	v26 =	vld [tilespmem:s26+$0xFFFFFF60];
	(xrf1) =	vsort.dscd.msk.f32 $0xffff, v22, v0;
	v22, v25, _ =	vpop (xrf1)  }
0x34e: {  	v29 =	vld [tilespmem:s26+$0xFFFFFF70];
	v27, v28, _ =	vpop (xrf1)  }
0x34f: {  	v24 =	vperm.xlane v24, v4;
	v31, v32, _ =	vpop (xrf1)  }
0x350: {  	v30 =	vld [tilespmem:s26+$0xFFFFFF50];
	v34, v35, _ =	vpop (xrf1)  }
0x351: {  	v33 =	vperm.xlane v20, v4;
	v24 =	vsel vm0, v25, v24;
	v25, v20, _ =	vpop (xrf1)  }
0x352: {  	v23 =	vperm.xlane v23, v4;
	v22 =	vsel vm0, v22, v17;
	(xrf1) =	vsort.dscd.msk.f32 $0xffff, v26, v1;
	v26, v17, _ =	vpop (xrf1)  }
0x353: {  	(xrf1) =	vsort.dscd.msk.f32 $0xffff, v29, v2;
	v29, v49, _ =	vpop (xrf1)  }
0x354: {  	v23 =	vsel vm0, v28, v23;
	v28 =	vperm.xlane v31, v4;
	v29 =	vperm.xlane v29, v4  }
0x355: {  	v27 =	vsel vm0, v27, v33;
	(xrf1) =	vsort.dscd.msk.f32 $0xffff, v30, v0;
	v50 =	vperm.xlane v49, v4  }
0x356: {  	v48 =	vperm.xlane v32, v4;
	v28 =	vsel vm0, v34, v28;
	(xrf1) =	vsort.dscd.msk.f32 $0xffff, v22, v24;
	v22, v24, _ =	vpop (xrf1)  }
0x357: {  	(erf) = vpow2.f32 v21;
	(xrf1) =	vsort.dscd.msk.f32 $0xffff, v27, v23;
	v21 =	vsel vm0, v22, v29;
	v22 =	vsel vm0, v24, v50;
	v23, v24, _ =	vpop (xrf1)  }
0x358: {  	(xrf1) =	vsort.dscd.msk.f32 $0xffff, v21, v22;
	v21 =	vperm.xlane v23, v4;
	v22 =	vperm.xlane v24, v4;
	v23, v24, _ =	vpop (xrf1)  }
0x359: {  	v31 =	vsel vm0, v35, v48;
	v27, v29, _ =	vpop (xrf1)  }
0x35a: {  	(xrf1) =	vsort.dscd.msk.f32 $0xffff, v28, v31;
	v23 =	vperm.xlane v23, v4;
	v21 =	vsel vm0, v27, v21;
	v27, v28, _ =	vpop (xrf1)  }
0x35b: {  	(xrf0) =	vmax.scan.msk.f32 $0xffff, v25;
	v24 =	vperm.xlane v24, v4;
	v22 =	vsel vm0, v29, v22;
	v29, v51, _ =	vpop (xrf1)  }
0x35c: {  	(xrf1) =	vsort.dscd.msk.f32 $0xffff, v21, v22;
	v21 =	vsel vm0, v29, v23  }
0x35d: {  	v22 =	vsel vm0, v51, v24  }
0x35e: {  	v23, _, _ =	vpop (xrf2);
	(xrf1) =	vsort.dscd.msk.f32 $0xffff, v21, v22  }
0x35f: {  	v21, _, _ =	vpop (xrf0)  }
0x360: {  	v24 =	vpop (erf);
	v21 =	vbroadcast v21, $0xF  }
0x361: {  	v29, _, _ =	vpop (xrf0)  }
0x362: {  	v22 =	vpop (erf);
	v29 =	vbroadcast v29, $0xF;
	v18 =	vsub.f32 v18, v21  }
0x363: {  	v53, v52, _ =	vpop (xrf1)  }
0x364: {  	v21, v54, _ =	vpop (xrf1);
	v18 =	vmul.f32 $1.442695020e+00, v18  }
0x365: {  	v23 =	vbroadcast v23, $0xF;
	v55, v56, _ =	vpop (xrf1)  }
0x366: {  	v27 =	vperm.xlane v27, v4;
	v28 =	vperm.xlane v28, v4;
	v57, v36, _ =	vpop (xrf1)  }
0x367: {  	(erf) = vrcp.f32 v23;
	v23 =	vsub.f32 v25, v29;
	v25, v29, _ =	vpop (xrf1)  }
0x368: {  	(erf) = vrcp.f32 v19;
	v28 =	vsel vm0, v54, v28;
	v37, v19, _ =	vpop (xrf1)  }
0x369: {  	v30 =	vperm.xlane v53, v4;
	v21 =	vsel vm0, v21, v27;
	(erf) = vpow2.f32 v18;
	v38, v18, _ =	vpop (xrf1)  }
0x36a: {  	v22 =	vnsel vm0, $0x0, v22;
	v31 =	vperm.xlane v52, v4;
	v23 =	vmul.f32 $1.442695020e+00, v23;
	v27, v39, _ =	vpop (xrf1)  }
0x36b: {  	(xrf2) =	vadd.scan.msk.f32 $0xffff, v22;
	v27 =	vperm.xlane v27, v4;
	v58 =	vperm.xlane v39, v4  }
0x36c: {  	v59 =	vsel vm0, v56, v31;
	(xrf1) =	vsort.dscd.msk.f32 $0xffff, v21, v28;
	(erf) = vpow2.f32 v23;
	v23 =	vsel vm0, v55, v30;
	v21, v28, _ =	vpop (xrf1)  }
0x36d: {  	(xrf1) =	vsort.dscd.msk.f32 $0xffff, v23, v59;
	v21 =	vsel vm0, v21, v27;
	v23 =	vsel vm0, v28, v58  }
0x36e: {  	(xrf1) =	vsort.dscd.msk.f32 $0xffff, v21, v23;
	_ =	sdelay $0x3  }
0x36f: {  	(xrf0) =	vmax.scan.msk.f32 $0xffff, v26;
	v23 =	vnsel vm0, $0x0, v24;
	v24, _, _ =	vpop (xrf2)  }
0x370: {  	(xrf0) =	vmax.scan.msk.f32 $0xffff, v37;
	v27 =	vpop (erf)  }
0x371: {  	v28 =	vpop (erf)  }
0x372: {  	v60 =	vpop (erf)  }
0x373: {  	(xrf2) =	vadd.scan.msk.f32 $0xffff, v23;
	v21 =	vpop (erf)  }
0x374: {  	v61, _, _ =	vpop (xrf2);
	v31 =	vnsel vm0, $0x0, v21  }
0x375: {  	v35 =	vperm.xlane v57, v4;
	v21, _, _ =	vpop (xrf0);
	(xrf2) =	vadd.scan.msk.f32 $0xffff, v31  }
0x376: {  	v36 =	vperm.xlane v36, v4;
	v62, _, _ =	vpop (xrf0);
	v42 =	vbroadcast v21, $0xF  }
0x377: {  	v45, v63, _ =	vpop (xrf1)  }
0x378: {  	v25 =	vsel vm0, v25, v35;
	v29 =	vsel vm0, v29, v36;
	(xrf0) =	vmax.scan.msk.f32 $0xffff, v38;
	v40, v41, _ =	vpop (xrf1);
	v26 =	vsub.f32 v26, v42  }
0x379: {  	(xrf1) =	vsort.dscd.msk.f32 $0xffff, v25, v29;
	v32 =	vbroadcast v61, $0xF;
	v43, v21, _ =	vpop (xrf1)  }
0x37a: {  	v33 =	vbroadcast v62, $0xF;
	v26 =	vmul.f32 $1.442695020e+00, v26;
	(xrf0) =	vmax.scan.msk.f32 $0xffff, v43  }
0x37b: {  	v24 =	vbroadcast v24, $0xF  }
0x37c: {  	(erf) = vrcp.f32 v32;
	v46 =	vsub.f32 v37, v33  }
0x37d: {  	(erf) = vrcp.f32 v24;
	v47, _, _ =	vpop (xrf2)  }
0x37e: {  	v24 =	vmul.f32 $1.442695020e+00, v46;
	(erf) = vpow2.f32 v26;
	v26, _, _ =	vpop (xrf0)  }
0x37f: {  	v25, _, _ =	vpop (xrf2)  }
0x380: {  	(erf) = vpow2.f32 v24;
	v24 =	vbroadcast v26, $0xF;
	v26, _, _ =	vpop (xrf0)  }
0x381: {  	v25 =	vbroadcast v25, $0xF;
	v26 =	vbroadcast v26, $0xF  }
0x382: {  	v29 =	vperm.xlane v45, v4;
	v48 =	vperm.xlane v63, v4;
	v24 =	vsub.f32 v38, v24  }
0x383: {  	v33 =	vbroadcast v47, $0xF;
	(erf) = vrcp.f32 v25;
	v25 =	vsub.f32 v43, v26  }
0x384: {  	v24 =	vmul.f32 $1.442695020e+00, v24;
	v26 =	vsel vm0, v40, v29;
	v29 =	vsel vm0, v41, v48  }
0x385: {  	(erf) = vrcp.f32 v33;
	(xrf1) =	vsort.dscd.msk.f32 $0xffff, v26, v29;
	v25 =	vmul.f32 $1.442695020e+00, v25  }
0x386: {  	(erf) = vpow2.f32 v24  }
0x387: {  	(erf) = vpow2.f32 v25  }
0x388: {  	v49, v33, _ =	vpop (xrf1)  }
0x389: {  	v24 =	vpop (erf)  }
0x38a: {  	v25 =	vpop (erf)  }
0x38b: {  	v26 =	vpop (erf)  }
0x38c: {  	v29 =	vpop (erf)  }
0x38d: {  	v30 =	vnsel vm0, $0x0, v60;
	v34 =	vpop (erf)  }
0x38e: {  	(xrf2) =	vadd.scan.msk.f32 $0xffff, v30;
	v29 =	vnsel vm0, $0x0, v29;
	v35 =	vpop (erf)  }
0x38f: {  	(xrf2) =	vadd.scan.msk.f32 $0xffff, v29;
	v50 =	vpop (erf)  }
0x390: {  	(xrf0) =	vmax.scan.msk.f32 $0xffff, v49;
	v26 =	vnsel vm0, $0x0, v26;
	v51 =	vpop (erf)  }
0x391: {  	(xrf2) =	vadd.scan.msk.f32 $0xffff, v26;
	v37 =	vnsel vm0, $0x0, v51  }
0x392: {  	(xrf2) =	vadd.scan.msk.f32 $0xffff, v37  }
0x393: {  	v52, v39, _ =	vpop (xrf1)  }
0x394: {  	(xrf0) =	vmax.scan.msk.f32 $0xffff, v52;
	_ =	sdelay $0x2  }
0x395: {  	v53, _, _ =	vpop (xrf0)  }
0x396: {  	v54, _, _ =	vpop (xrf2);
	v40 =	vbroadcast v53, $0xF  }
0x397: {  	v55, _, _ =	vpop (xrf2)  }
0x398: {  	v32 =	vsub.f32 v49, v40;
	v42 =	vbroadcast v55, $0xF;
	v56, _, _ =	vpop (xrf0)  }
0x399: {  	v41 =	vbroadcast v54, $0xF;
	v57, _, _ =	vpop (xrf2);
	v40 =	vbroadcast v56, $0xF  }
0x39a: {  	v32 =	vmul.f32 $1.442695020e+00, v32;
	(erf) = vrcp.f32 v42;
	v58, _, _ =	vpop (xrf2)  }
0x39b: {  	(erf) = vrcp.f32 v41;
	v38 =	vsub.f32 v52, v40;
	v59 =	vbroadcast v58, $0xF  }
0x39c: {  	v60 =	vbroadcast v57, $0xF;
	(erf) = vpow2.f32 v32  }
0x39d: {  	v61 =	vmul.f32 $1.442695020e+00, v38;
	(erf) = vrcp.f32 v59  }
0x39e: {  	(erf) = vrcp.f32 v60  }
0x39f: {  	(erf) = vpow2.f32 v61;
	_ =	sdelay $0x3  }
0x3a0: {  	v62 =	vpop (erf)  }
0x3a1: {  	v36 =	vnsel vm0, $0x0, v50;
	v63 =	vpop (erf)  }
0x3a2: {  	s24 =	sshll.u32 s24, $0x7;
	(xrf2) =	vadd.scan.msk.f32 $0xffff, v36;
	v48 =	vpop (erf)  }
0x3a3: {  	s30 =	sadd.s32 $0x80, s24;
	v50 =	vpop (erf)  }
0x3a4: {  	v49 =	vor.u32 s30, v0;
	v40 =	vnsel vm0, $0x0, v48;
	v51 =	vpop (erf)  }
0x3a5: {  	s23 =	sshll.u32 s23, $0x7;
	(xrf2) =	vadd.scan.msk.f32 $0xffff, v40;
	v44 =	vpop (erf)  }
0x3a6: {  	s31 =	sadd.s32 $0x80, s23;
	v14 =	vmul.f32 v27, v14;
	v9 =	vmul.f32 v28, v9;
	v27 =	vnsel vm0, $0x0, v44  }
0x3a7: {  	v52 =	vor.u32 s31, v0;
	(xrf2) =	vadd.scan.msk.f32 $0xffff, v27  }
0x3a8: {  	[tilespmem:v12+s20+$0x0] =	vst.idx.msk $0xff, v9  }
0x3a9: {  	s18 =	sshll.u32 s18, $0x7;
	[tilespmem:v49+s20+$0x0] =	vst.idx.msk $0xff, v14  }
0x3aa: {  	s30 =	sadd.s32 $0x80, s18;
	[tilespmem:v49+s21+$0x0] =	vst.idx.msk $0xff, v8;
	v8 =	vmul.f32 v24, v22  }
0x3ab: {  	[tilespmem:v12+s21+$0x0] =	vst.idx.msk $0xff, v5;
	v5 =	vor.u32 s30, v0  }
0x3ac: {  	v9, _, _ =	vpop (xrf2);
	[tilespmem:v52+s20+$0x0] =	vst.idx.msk $0xff, v8;
	v8 =	vmul.f32 v25, v15  }
0x3ad: {  	s17 =	sshll.u32 s17, $0x7;
	v9 =	vbroadcast v9, $0xF;
	[tilespmem:v52+s21+$0x0] =	vst.idx.msk $0xff, v11  }
0x3ae: {  	s31 =	sadd.s32 $0x80, s17;
	[tilespmem:v13+s20+$0x0] =	vst.idx.msk $0xff, v8;
	v8 =	vmul.f32 v34, v31  }
0x3af: {  	v11 =	vor.u32 s31, v0;
	(erf) = vrcp.f32 v9;
	[tilespmem:v13+s21+$0x0] =	vst.idx.msk $0xff, v6;
	v12, _, _ =	vpop (xrf2)  }
0x3b0: {  	v6 =	vmul.f32 v35, v23;
	[tilespmem:v5+s20+$0x0] =	vst.idx.msk $0xff, v8;
	v8 =	vbroadcast v12, $0xF  }
0x3b1: {  	s16 =	sshll.u32 s16, $0x7;
	v9 =	vor.u32 s24, v0;
	[tilespmem:v5+s21+$0x0] =	vst.idx.msk $0xff, v20;
	v5 =	vmul.f32 v62, v29;
	v12, _, _ =	vpop (xrf2)  }
0x3b2: {  	s26 =	sadd.s32 $0x80, s16;
	[tilespmem:v16+s20+$0x0] =	vst.idx.msk $0xff, v6;
	(erf) = vrcp.f32 v8;
	v6 =	vbroadcast v12, $0xF  }
0x3b3: {  	[tilespmem:v16+s21+$0x0] =	vst.idx.msk $0xff, v7;
	v7 =	vor.u32 s26, v0  }
0x3b4: {  	[tilespmem:v11+s20+$0x0] =	vst.idx.msk $0xff, v5;
	v5 =	vmul.f32 v63, v30;
	(erf) = vrcp.f32 v6  }
0x3b5: {  	[tilespmem:v11+s21+$0x0] =	vst.idx.msk $0xff, v19;
	v6 =	vor.u32 s23, v0  }
0x3b6: {  	[tilespmem:v9+s20+$0x0] =	vst.idx.msk $0xff, v5;
	v5 =	vmul.f32 v50, v37  }
0x3b7: {  	[tilespmem:v9+s21+$0x0] =	vst.idx.msk $0xff, v10;
	v8 =	vor.u32 s18, v0  }
0x3b8: {  	[tilespmem:v7+s20+$0x0] =	vst.idx.msk $0xff, v5;
	v5 =	vmul.f32 v51, v26  }
0x3b9: {  	v9 =	vor.u32 s17, v0;
	[tilespmem:v7+s21+$0x0] =	vst.idx.msk $0xff, v21;
	v7 =	vpop (erf)  }
0x3ba: {  	[tilespmem:v6+s20+$0x0] =	vst.idx.msk $0xff, v5;
	v5 =	vmul.f32 v7, v36  }
0x3bb: {  	v7 =	vor.u32 s16, v0;
	[tilespmem:v6+s21+$0x0] =	vst.idx.msk $0xff, v17;
	v6 =	vpop (erf)  }
0x3bc: {  	[tilespmem:v8+s20+$0x0] =	vst.idx.msk $0xff, v5;
	v5 =	vmul.f32 v6, v40  }
0x3bd: {  	[tilespmem:v8+s21+$0x0] =	vst.idx.msk $0xff, v18;
	v6 =	vpop (erf)  }
0x3be: {  	[tilespmem:v9+s20+$0x0] =	vst.idx.msk $0xff, v5;
	v5 =	vmul.f32 v6, v27  }
0x3bf: {  	[tilespmem:v9+s21+$0x0] =	vst.idx.msk $0xff, v33  }
0x3c0: {  	[tilespmem:v7+s20+$0x0] =	vst.idx.msk $0xff, v5  }
0x3c1: {  	s30 =	simm.s32 $0xC000;
	[tilespmem:v7+s21+$0x0] =	vst.idx.msk $0xff, v39  }
0x3c2: {  	[hbm4b:s11+s1] =	stream.linear.scatter [tilespmem:s30], [sflag:$0x5], $0x2000, $0x38;
	[tilespmem:$0x18000] =	vst v63  }
0x3c3: {  	s31 =	simm.s32 $0x14000  }
0x3c4: {  	[hbm4b:s12+s1] =	stream.linear.scatter [tilespmem:s31], [sflag:$0x5], $0x2000, $0x38;
	[tilespmem:$0x18000] =	vst v63  }
0x3c5: {  	_ =	swait.ge [sflag:s29], $0x2000  }
0x3c6: {  	[sflag:s29] =	ssyncset.done $0x0  }
0x3c7: {  	s17 =	simm.s32 $0x60B0;
	[sflag:s29] =	ssyncadd.s32 $0xFFFFE000  }
0x3c8: {  	v5 =	vld [tilespmem:s17+$0x0]  }
0x3c9: {  	v6 =	vld [tilespmem:s17+$0xFFFFFFE0]  }
0x3ca: {  	v7 =	vld [tilespmem:s17+$0xFFFFFFF0];
	_ =	sdelay $0x1  }
0x3cb: {  	v8 =	vld [tilespmem:s17+$0xFFFFFF80]  }
0x3cc: {  	v9 =	vld [tilespmem:s17+$0xFFFFFFD0];
	(xrf1) =	vsort.dscd.msk.f32 $0xffff, v5, v3  }
0x3cd: {  	(xrf1) =	vsort.dscd.msk.f32 $0xffff, v6, v1  }
0x3ce: {  	(xrf1) =	vsort.dscd.msk.f32 $0xffff, v7, v2;
	_ =	sdelay $0x1  }
0x3cf: {  	(xrf1) =	vsort.dscd.msk.f32 $0xffff, v8, v3  }
0x3d0: {  	(xrf1) =	vsort.dscd.msk.f32 $0xffff, v9, v0;
	_ =	sdelay $0x3  }
0x3d1: {  	v5 =	vld [tilespmem:s17+$0xFFFFFF60]  }
0x3d2: {  	v6 =	vld [tilespmem:s17+$0xFFFFFF70]  }
0x3d3: {  	v7 =	vld [tilespmem:s17+$0xFFFFFF50];
	_ =	sdelay $0x2  }
0x3d4: {  	(xrf1) =	vsort.dscd.msk.f32 $0xffff, v5, v1;
	v5, v8, _ =	vpop (xrf1)  }
0x3d5: {  	(xrf1) =	vsort.dscd.msk.f32 $0xffff, v6, v2;
	v5 =	vperm.xlane v5, v4;
	v6 =	vperm.xlane v8, v4;
	v8, v9, _ =	vpop (xrf1)  }
0x3d6: {  	(xrf1) =	vsort.dscd.msk.f32 $0xffff, v7, v0;
	v7 =	vperm.xlane v8, v4;
	v8, v10, _ =	vpop (xrf1)  }
0x3d7: {  	s18 =	simm.s32 $0x61B0;
	v5 =	vsel vm0, v8, v5;
	v6 =	vsel vm0, v10, v6  }
0x3d8: {  	v11 =	vld [tilespmem:s18+$0x0];
	v9 =	vperm.xlane v9, v4;
	v8, v10, _ =	vpop (xrf1);
	(xrf1) =	vsort.dscd.msk.f32 $0xffff, v5, v6  }
0x3d9: {  	v12 =	vld [tilespmem:s18+$0xFFFFFFE0];
	v13, v14, _ =	vpop (xrf1)  }
0x3da: {  	v5 =	vld [tilespmem:s18+$0xFFFFFFF0];
	v6 =	vsel vm0, v13, v7;
	v7 =	vsel vm0, v14, v9  }
0x3db: {  	v9 =	vld [tilespmem:s18+$0xFFFFFF80];
	(xrf1) =	vsort.dscd.msk.f32 $0xffff, v6, v7  }
0x3dc: {  	v6 =	vld [tilespmem:s18+$0xFFFFFFD0]  }
0x3dd: {  	(xrf1) =	vsort.dscd.msk.f32 $0xffff, v11, v3  }
0x3de: {  	(xrf1) =	vsort.dscd.msk.f32 $0xffff, v12, v1  }
0x3df: {  	(xrf1) =	vsort.dscd.msk.f32 $0xffff, v5, v2  }
0x3e0: {  	v5 =	vld [tilespmem:s18+$0xFFFFFF60];
	(xrf1) =	vsort.dscd.msk.f32 $0xffff, v9, v3  }
0x3e1: {  	v10 =	vperm.xlane v10, v4;
	(xrf1) =	vsort.dscd.msk.f32 $0xffff, v6, v0;
	v6 =	vld [tilespmem:s18+$0xFFFFFF70]  }
0x3e2: {  	v7 =	vld [tilespmem:s18+$0xFFFFFF50]  }
0x3e3: {  	v8 =	vperm.xlane v8, v4;
	v9, v11, _ =	vpop (xrf1)  }
0x3e4: {  	v12, v13, _ =	vpop (xrf1)  }
0x3e5: {  	v14, v15, _ =	vpop (xrf1);
	(xrf1) =	vsort.dscd.msk.f32 $0xffff, v5, v1;
	v5 =	vsel vm0, v12, v8;
	v8 =	vsel vm0, v13, v10  }
0x3e6: {  	v9 =	vperm.xlane v9, v4;
	(xrf1) =	vsort.dscd.msk.f32 $0xffff, v6, v2;
	v6, v10, _ =	vpop (xrf1)  }
0x3e7: {  	v11 =	vperm.xlane v11, v4;
	(xrf1) =	vsort.dscd.msk.f32 $0xffff, v7, v0;
	v7 =	vperm.xlane v10, v4  }
0x3e8: {  	v6 =	vperm.xlane v6, v4  }
0x3e9: {  	v9 =	vsel vm0, v14, v9;
	(xrf1) =	vsort.dscd.msk.f32 $0xffff, v5, v8;
	v10 =	vsel vm0, v15, v11;
	v5, v8, _ =	vpop (xrf1)  }
0x3ea: {  	(xrf1) =	vsort.dscd.msk.f32 $0xffff, v9, v10;
	v5 =	vsel vm0, v5, v6;
	v6 =	vsel vm0, v8, v7  }
0x3eb: {  	(xrf1) =	vsort.dscd.msk.f32 $0xffff, v5, v6;
	v7, v8, _ =	vpop (xrf1)  }
0x3ec: {  	v5 =	vperm.xlane v7, v4;
	v6 =	vperm.xlane v8, v4;
	v7, v8, _ =	vpop (xrf1)  }
0x3ed: {  	s23 =	simm.s32 $0x62B0;
	v7 =	vperm.xlane v7, v4;
	v9, v10, _ =	vpop (xrf1)  }
0x3ee: {  	v11 =	vld [tilespmem:s23+$0x0];
	v8 =	vperm.xlane v8, v4;
	v5 =	vsel vm0, v9, v5;
	v6 =	vsel vm0, v10, v6;
	v9, v12, _ =	vpop (xrf1)  }
0x3ef: {  	v10 =	vld [tilespmem:s23+$0xFFFFFFE0];
	v13, v14, _ =	vpop (xrf1);
	(xrf1) =	vsort.dscd.msk.f32 $0xffff, v5, v6  }
0x3f0: {  	v5 =	vld [tilespmem:s23+$0xFFFFFFF0];
	v6 =	vsel vm0, v13, v7;
	v7 =	vsel vm0, v14, v8  }
0x3f1: {  	(xrf1) =	vsort.dscd.msk.f32 $0xffff, v6, v7  }
0x3f2: {  	v8 =	vld [tilespmem:s23+$0xFFFFFF80]  }
0x3f3: {  	v6 =	vld [tilespmem:s23+$0xFFFFFFD0];
	(xrf1) =	vsort.dscd.msk.f32 $0xffff, v11, v3  }
0x3f4: {  	v7, v11, _ =	vpop (xrf1);
	(xrf1) =	vsort.dscd.msk.f32 $0xffff, v10, v1  }
0x3f5: {  	v13, v14, _ =	vpop (xrf1);
	(xrf1) =	vsort.dscd.msk.f32 $0xffff, v5, v2  }
0x3f6: {  	v5, v15, _ =	vpop (xrf1)  }
0x3f7: {  	(xrf1) =	vsort.dscd.msk.f32 $0xffff, v8, v3;
	v8 =	vld [tilespmem:s23+$0xFFFFFF60];
	v16, v17, _ =	vpop (xrf1)  }
0x3f8: {  	v9 =	vperm.xlane v9, v4;
	(xrf1) =	vsort.dscd.msk.f32 $0xffff, v6, v0;
	v6 =	vld [tilespmem:s23+$0xFFFFFF70];
	v18, v19, _ =	vpop (xrf1)  }
0x3f9: {  	v20 =	vld [tilespmem:s23+$0xFFFFFF50];
	v12 =	vperm.xlane v12, v4;
	v7 =	vperm.xlane v7, v4;
	v21, v10, _ =	vpop (xrf1)  }
0x3fa: {  	v11 =	vperm.xlane v11, v4;
	(xrf0) =	vmax.scan.msk.f32 $0xffff, v21  }
0x3fb: {  	v9 =	vsel vm0, v13, v9;
	v12 =	vsel vm0, v14, v12;
	v5 =	vsel vm0, v5, v7  }
0x3fc: {  	v7 =	vsel vm0, v15, v11;
	v11 =	vperm.xlane v16, v4;
	(xrf1) =	vsort.dscd.msk.f32 $0xffff, v8, v1  }
0x3fd: {  	(xrf1) =	vsort.dscd.msk.f32 $0xffff, v6, v2;
	v6, v8, _ =	vpop (xrf1)  }
0x3fe: {  	(xrf1) =	vsort.dscd.msk.f32 $0xffff, v20, v0;
	v6 =	vperm.xlane v6, v4;
	v8 =	vperm.xlane v8, v4  }
0x3ff: {  	v13 =	vperm.xlane v17, v4;
	(xrf1) =	vsort.dscd.msk.f32 $0xffff, v9, v12;
	v9, v12, _ =	vpop (xrf1)  }
0x400: {  	(xrf1) =	vsort.dscd.msk.f32 $0xffff, v5, v7;
	v7, _, _ =	vpop (xrf0);
	v5 =	vsel vm0, v9, v6;
	v6 =	vsel vm0, v12, v8  }
0x401: {  	v8 =	vsel vm0, v18, v11;
	v9, v11, _ =	vpop (xrf1);
	(xrf1) =	vsort.dscd.msk.f32 $0xffff, v5, v6;
	v5 =	vbroadcast v7, $0xF  }
0x402: {  	v7 =	vperm.xlane v9, v4;
	v9 =	vperm.xlane v11, v4;
	v11, v12, _ =	vpop (xrf1)  }
0x403: {  	v6 =	vsel vm0, v19, v13;
	v13, v14, _ =	vpop (xrf1)  }
0x404: {  	s24 =	simm.s32 $0x63B0;
	(xrf1) =	vsort.dscd.msk.f32 $0xffff, v8, v6;
	v8 =	vperm.xlane v12, v4  }
0x405: {  	v6 =	vld [tilespmem:s24+$0x0];
	v5 =	vsub.f32 v21, v5;
	v7 =	vsel vm0, v13, v7;
	v9 =	vsel vm0, v14, v9;
	v12, v13, _ =	vpop (xrf1)  }
0x406: {  	v11 =	vperm.xlane v11, v4;
	v14 =	vld [tilespmem:s24+$0xFFFFFFE0];
	(xrf1) =	vsort.dscd.msk.f32 $0xffff, v7, v9;
	v15, v16, _ =	vpop (xrf1)  }
0x407: {  	v7 =	vld [tilespmem:s24+$0xFFFFFFF0];
	v5 =	vmul.f32 $1.442695020e+00, v5;
	v8 =	vsel vm0, v16, v8  }
0x408: {  	v9 =	vsel vm0, v15, v11;
	v11 =	vld [tilespmem:s24+$0xFFFFFF80]  }
0x409: {  	(xrf1) =	vsort.dscd.msk.f32 $0xffff, v9, v8;
	(erf) = vpow2.f32 v5;
	v5 =	vld [tilespmem:s24+$0xFFFFFFD0]  }
0x40a: {  	(xrf1) =	vsort.dscd.msk.f32 $0xffff, v6, v3  }
0x40b: {  	v6, v8, _ =	vpop (xrf1);
	(xrf1) =	vsort.dscd.msk.f32 $0xffff, v14, v1  }
0x40c: {  	v9, v14, _ =	vpop (xrf1);
	(xrf1) =	vsort.dscd.msk.f32 $0xffff, v7, v2  }
0x40d: {  	v7 =	vld [tilespmem:s24+$0xFFFFFF60];
	v15, v16, _ =	vpop (xrf1);
	(xrf1) =	vsort.dscd.msk.f32 $0xffff, v11, v3  }
0x40e: {  	v18, v19, _ =	vpop (xrf1);
	(xrf1) =	vsort.dscd.msk.f32 $0xffff, v5, v0;
	v5 =	vperm.xlane v12, v4;
	_ =	sdelay $0x1  }
0x40f: {  	v20, v21, _ =	vpop (xrf1)  }
0x410: {  	v17 =	vld [tilespmem:s24+$0xFFFFFF70];
	v23, v11, _ =	vpop (xrf1)  }
0x411: {  	v22 =	vld [tilespmem:s24+$0xFFFFFF50];
	v13 =	vperm.xlane v13, v4;
	v6 =	vperm.xlane v6, v4;
	(xrf1) =	vsort.dscd.msk.f32 $0xffff, v7, v1;
	v7 =	vpop (erf)  }
0x412: {  	v8 =	vperm.xlane v8, v4;
	v9 =	vsel vm0, v9, v5;
	(xrf0) =	vmax.scan.msk.f32 $0xffff, v23;
	v12 =	vnsel vm0, $0x0, v7;
	v7, v5, _ =	vpop (xrf1)  }
0x413: {  	v13 =	vsel vm0, v14, v13;
	v6 =	vsel vm0, v15, v6;
	v14, v15, _ =	vpop (xrf1)  }
0x414: {  	v8 =	vsel vm0, v16, v8;
	v15 =	vperm.xlane v15, v4  }
0x415: {  	v16 =	vperm.xlane v18, v4;
	(xrf1) =	vsort.dscd.msk.f32 $0xffff, v17, v2;
	v14 =	vperm.xlane v14, v4  }
0x416: {  	(xrf1) =	vsort.dscd.msk.f32 $0xffff, v22, v0  }
0x417: {  	v17 =	vperm.xlane v19, v4;
	(xrf1) =	vsort.dscd.msk.f32 $0xffff, v9, v13;
	v9, v13, _ =	vpop (xrf1)  }
0x418: {  	(xrf1) =	vsort.dscd.msk.f32 $0xffff, v6, v8;
	v6 =	vsel vm0, v9, v14;
	v8 =	vsel vm0, v13, v15;
	v9, _, _ =	vpop (xrf0)  }
0x419: {  	v14, v15, _ =	vpop (xrf1);
	(xrf1) =	vsort.dscd.msk.f32 $0xffff, v6, v8;
	v6 =	vbroadcast v9, $0xF  }
0x41a: {  	v13 =	vsel vm0, v20, v16;
	v9 =	vperm.xlane v14, v4;
	v14 =	vperm.xlane v15, v4;
	v15, v16, _ =	vpop (xrf1)  }
0x41b: {  	(xrf0) =	vmax.scan.msk.f32 $0xffff, v7;
	v8 =	vsel vm0, v21, v17;
	v17, v18, _ =	vpop (xrf1)  }
0x41c: {  	s26 =	simm.s32 $0x64B0;
	(xrf1) =	vsort.dscd.msk.f32 $0xffff, v13, v8;
	v15 =	vperm.xlane v15, v4;
	v6 =	vsub.f32 v23, v6  }
0x41d: {  	(xrf2) =	vadd.scan.msk.f32 $0xffff, v12;
	v8 =	vld [tilespmem:s26+$0x0];
	v13 =	vperm.xlane v16, v4;
	v9 =	vsel vm0, v17, v9;
	v14 =	vsel vm0, v18, v14;
	v16, v17, _ =	vpop (xrf1)  }
0x41e: {  	v18 =	vld [tilespmem:s26+$0xFFFFFFE0];
	(xrf1) =	vsort.dscd.msk.f32 $0xffff, v9, v14;
	v19, v20, _ =	vpop (xrf1)  }
0x41f: {  	v6 =	vmul.f32 $1.442695020e+00, v6;
	v9 =	vld [tilespmem:s26+$0xFFFFFFF0];
	v14 =	vsel vm0, v19, v15  }
0x420: {  	v13 =	vsel vm0, v20, v13;
	v15 =	vld [tilespmem:s26+$0xFFFFFF80]  }
0x421: {  	(erf) = vpow2.f32 v6;
	v6 =	vld [tilespmem:s26+$0xFFFFFFD0];
	(xrf1) =	vsort.dscd.msk.f32 $0xffff, v14, v13  }
0x422: {  	v28, _, _ =	vpop (xrf0);
	(xrf1) =	vsort.dscd.msk.f32 $0xffff, v8, v3  }
0x423: {  	v8, v14, _ =	vpop (xrf1);
	(xrf1) =	vsort.dscd.msk.f32 $0xffff, v18, v1  }
0x424: {  	v18, v19, _ =	vpop (xrf1);
	(xrf1) =	vsort.dscd.msk.f32 $0xffff, v9, v2  }
0x425: {  	v9 =	vld [tilespmem:s26+$0xFFFFFF60];
	v20, v21, _ =	vpop (xrf1);
	(xrf1) =	vsort.dscd.msk.f32 $0xffff, v15, v3  }
0x426: {  	v22, v23, _ =	vpop (xrf1);
	(xrf1) =	vsort.dscd.msk.f32 $0xffff, v6, v0;
	v6 =	vperm.xlane v16, v4  }
0x427: {  	v13, _, _ =	vpop (xrf2);
	v15 =	vld [tilespmem:s26+$0xFFFFFF70]  }
0x428: {  	v16 =	vperm.xlane v17, v4;
	v24, v25, _ =	vpop (xrf1)  }
0x429: {  	v13 =	vbroadcast v13, $0xF;
	v27, v17, _ =	vpop (xrf1)  }
0x42a: {  	v26 =	vld [tilespmem:s26+$0xFFFFFF50];
	(xrf1) =	vsort.dscd.msk.f32 $0xffff, v9, v1;
	v9 =	vpop (erf)  }
0x42b: {  	(erf) = vrcp.f32 v13;
	v18 =	vsel vm0, v18, v6;
	(xrf0) =	vmax.scan.msk.f32 $0xffff, v27;
	v13 =	vnsel vm0, $0x0, v9;
	v9, v6, _ =	vpop (xrf1)  }
0x42c: {  	v8 =	vperm.xlane v8, v4;
	(xrf1) =	vsort.dscd.msk.f32 $0xffff, v15, v2;
	v15 =	vsel vm0, v19, v16;
	v16, v19, _ =	vpop (xrf1)  }
0x42d: {  	v19 =	vperm.xlane v19, v4  }
0x42e: {  	v14 =	vperm.xlane v14, v4;
	v8 =	vsel vm0, v20, v8;
	v20 =	vperm.xlane v22, v4;
	(xrf2) =	vadd.scan.msk.f32 $0xffff, v13  }
0x42f: {  	(xrf1) =	vsort.dscd.msk.f32 $0xffff, v26, v0;
	v16 =	vperm.xlane v16, v4  }
0x430: {  	v14 =	vsel vm0, v21, v14;
	v21 =	vperm.xlane v23, v4;
	(xrf1) =	vsort.dscd.msk.f32 $0xffff, v18, v15;
	v15, v18, _ =	vpop (xrf1)  }
0x431: {  	(xrf1) =	vsort.dscd.msk.f32 $0xffff, v8, v14;
	v8 =	vsel vm0, v15, v16;
	v14 =	vsel vm0, v18, v19;
	v15, _, _ =	vpop (xrf0)  }
0x432: {  	v28 =	vbroadcast v28, $0xF;
	v18, v19, _ =	vpop (xrf1);
	(xrf1) =	vsort.dscd.msk.f32 $0xffff, v8, v14;
	v8 =	vbroadcast v15, $0xF  }
0x433: {  	v16 =	vsel vm0, v24, v20;
	v15 =	vperm.xlane v18, v4;
	v18 =	vperm.xlane v19, v4;
	v19, v20, _ =	vpop (xrf1)  }
0x434: {  	v14 =	vsel vm0, v25, v21;
	v21, v22, _ =	vpop (xrf1)  }
0x435: {  	v7 =	vsub.f32 v7, v28;
	(xrf1) =	vsort.dscd.msk.f32 $0xffff, v16, v14  }
0x436: {  	s30 =	simm.s32 $0x65B0;
	v19 =	vperm.xlane v19, v4;
	v16 =	vperm.xlane v20, v4;
	v15 =	vsel vm0, v21, v15;
	v20, v21, _ =	vpop (xrf1)  }
0x437: {  	(xrf0) =	vmax.scan.msk.f32 $0xffff, v9;
	v14 =	vld [tilespmem:s30+$0x0];
	v8 =	vsub.f32 v27, v8;
	v18 =	vsel vm0, v22, v18;
	v23, v24, _ =	vpop (xrf1)  }
0x438: {  	v7 =	vmul.f32 $1.442695020e+00, v7;
	v22 =	vld [tilespmem:s30+$0xFFFFFFE0];
	(xrf1) =	vsort.dscd.msk.f32 $0xffff, v15, v18;
	v16 =	vsel vm0, v24, v16  }
0x439: {  	v8 =	vmul.f32 $1.442695020e+00, v8;
	v15 =	vld [tilespmem:s30+$0xFFFFFFF0];
	v18 =	vsel vm0, v23, v19  }
0x43a: {  	(erf) = vpow2.f32 v7;
	v19 =	vpop (erf);
	(xrf1) =	vsort.dscd.msk.f32 $0xffff, v18, v16  }
0x43b: {  	v7 =	vld [tilespmem:s30+$0xFFFFFF80];
	(erf) = vpow2.f32 v8;
	v16, _, _ =	vpop (xrf2)  }
0x43c: {  	v8 =	vld [tilespmem:s30+$0xFFFFFFD0];
	v18, v23, _ =	vpop (xrf1);
	(xrf1) =	vsort.dscd.msk.f32 $0xffff, v14, v3  }
0x43d: {  	v24 =	vld [tilespmem:s30+$0xFFFFFF60];
	v14, _, _ =	vpop (xrf0);
	(xrf1) =	vsort.dscd.msk.f32 $0xffff, v22, v1  }
0x43e: {  	v22, v25, _ =	vpop (xrf1);
	(xrf1) =	vsort.dscd.msk.f32 $0xffff, v15, v2  }
0x43f: {  	v15, v26, _ =	vpop (xrf1)  }
0x440: {  	v16 =	vbroadcast v16, $0xF;
	(xrf1) =	vsort.dscd.msk.f32 $0xffff, v7, v3;
	v7 =	vld [tilespmem:s30+$0xFFFFFF70];
	v27, v28, _ =	vpop (xrf1)  }
0x441: {  	(xrf1) =	vsort.dscd.msk.f32 $0xffff, v8, v0;
	v29, v53, _ =	vpop (xrf1)  }
0x442: {  	v54 =	vld [tilespmem:s30+$0xFFFFFF50];
	v21 =	vperm.xlane v21, v4;
	v18 =	vperm.xlane v18, v4;
	(xrf1) =	vsort.dscd.msk.f32 $0xffff, v24, v1;
	v24, v8, _ =	vpop (xrf1)  }
0x443: {  	v20 =	vperm.xlane v20, v4;
	v55 =	vpop (erf);
	v14 =	vbroadcast v14, $0xF;
	(xrf0) =	vmax.scan.msk.f32 $0xffff, v24  }
0x444: {  	v23 =	vperm.xlane v23, v4;
	v21 =	vsel vm0, v25, v21;
	(erf) = vrcp.f32 v16;
	v16 =	vpop (erf)  }
0x445: {  	v20 =	vsel vm0, v22, v20;
	v9 =	vsub.f32 v9, v14;
	v16 =	vnsel vm0, $0x0, v16;
	(xrf1) =	vsort.dscd.msk.f32 $0xffff, v7, v2;
	v22, v7, _ =	vpop (xrf1)  }
0x446: {  	v14 =	vsel vm0, v15, v18;
	v23 =	vsel vm0, v26, v23;
	v26 =	vperm.xlane v28, v4;
	(xrf2) =	vadd.scan.msk.f32 $0xffff, v16;
	v18, v25, _ =	vpop (xrf1)  }
0x447: {  	(xrf1) =	vsort.dscd.msk.f32 $0xffff, v54, v0;
	v18 =	vperm.xlane v18, v4;
	v25 =	vperm.xlane v25, v4  }
0x448: {  	v15 =	vperm.xlane v27, v4;
	(xrf1) =	vsort.dscd.msk.f32 $0xffff, v20, v21;
	v20, v21, _ =	vpop (xrf1)  }
0x449: {  	(xrf1) =	vsort.dscd.msk.f32 $0xffff, v14, v23;
	v14 =	vsel vm0, v20, v18;
	v18 =	vsel vm0, v21, v25;
	v20, _, _ =	vpop (xrf0)  }
0x44a: {  	v9 =	vmul.f32 $1.442695020e+00, v9;
	v21, v23, _ =	vpop (xrf1);
	(xrf1) =	vsort.dscd.msk.f32 $0xffff, v14, v18;
	v14 =	vbroadcast v20, $0xF  }
0x44b: {  	v18 =	vperm.xlane v21, v4;
	v20 =	vperm.xlane v23, v4;
	v21, v23, _ =	vpop (xrf1)  }
0x44c: {  	v15 =	vsel vm0, v29, v15;
	(erf) = vpow2.f32 v9;
	v9 =	vsel vm0, v53, v26;
	(xrf0) =	vmax.scan.msk.f32 $0xffff, v22;
	v25, v26, _ =	vpop (xrf1)  }
0x44d: {  	(xrf1) =	vsort.dscd.msk.f32 $0xffff, v15, v9;
	v21 =	vperm.xlane v21, v4;
	v14 =	vsub.f32 v24, v14  }
0x44e: {  	s31 =	simm.s32 $0x66B0;
	v23 =	vperm.xlane v23, v4;
	v18 =	vsel vm0, v25, v18;
	v20 =	vsel vm0, v26, v20;
	v24, v25, _ =	vpop (xrf1)  }
0x44f: {  	s18 =	simm.s32 $0x6080;
	v15 =	vld [tilespmem:s31+$0x0];
	(xrf1) =	vsort.dscd.msk.f32 $0xffff, v18, v20;
	v14 =	vmul.f32 $1.442695020e+00, v14;
	v27, v28, _ =	vpop (xrf1)  }
0x450: {  	s23 =	simm.s32 $0x6180;
	v26 =	vld [tilespmem:s31+$0xFFFFFFE0];
	v21 =	vsel vm0, v27, v21;
	v23 =	vsel vm0, v28, v23;
	v27 =	vor.u32 s18, v0  }
0x451: {  	v56 =	vor.u32 s23, v0;
	v20 =	vld [tilespmem:s31+$0xFFFFFFF0];
	v28, _, _ =	vpop (xrf2)  }
0x452: {  	v29 =	vld [tilespmem:s31+$0xFFFFFF80];
	v9 =	vnsel vm0, $0x0, v55;
	v57, _, _ =	vpop (xrf0);
	(erf) = vpow2.f32 v14;
	(xrf1) =	vsort.dscd.msk.f32 $0xffff, v21, v23;
	v28 =	vbroadcast v28, $0xF  }
0x453: {  	v12 =	vmul.f32 v19, v12;
	(xrf2) =	vadd.scan.msk.f32 $0xffff, v9;
	v18 =	vpop (erf);
	v14 =	vld [tilespmem:s31+$0xFFFFFFD0]  }
0x454: {  	(xrf1) =	vsort.dscd.msk.f32 $0xffff, v15, v3;
	v21, v23, _ =	vpop (xrf1)  }
0x455: {  	v15, v19, _ =	vpop (xrf1);
	(xrf1) =	vsort.dscd.msk.f32 $0xffff, v26, v1;
	[tilespmem:v27+s20+$0x0] =	vst.idx.msk $0xff, v12;
	v12 =	vmul.f32 v18, v13  }
0x456: {  	(erf) = vrcp.f32 v28;
	v13 =	vld [tilespmem:s31+$0xFFFFFF60];
	(xrf1) =	vsort.dscd.msk.f32 $0xffff, v20, v2;
	v18, v20, _ =	vpop (xrf1);
	[tilespmem:v27+s21+$0x0] =	vst.idx.msk $0xff, v10  }
0x457: {  	v10 =	vld [tilespmem:s31+$0xFFFFFF70];
	(xrf1) =	vsort.dscd.msk.f32 $0xffff, v29, v3;
	v27, v28, _ =	vpop (xrf1);
	[tilespmem:v56+s20+$0x0] =	vst.idx.msk $0xff, v12;
	v12 =	vperm.xlane v24, v4  }
0x458: {  	v21 =	vperm.xlane v21, v4;
	(xrf1) =	vsort.dscd.msk.f32 $0xffff, v14, v0;
	v14 =	vperm.xlane v25, v4;
	v24, v25, _ =	vpop (xrf1)  }
0x459: {  	[tilespmem:v56+s21+$0x0] =	vst.idx.msk $0xff, v11;
	v59, v11, _ =	vpop (xrf1);
	v60 =	vsel vm0, v15, v12;
	v15 =	vperm.xlane v27, v4  }
0x45a: {  	v58 =	vld [tilespmem:s31+$0xFFFFFF50];
	v26 =	vpop (erf);
	v23 =	vperm.xlane v23, v4;
	(xrf0) =	vmax.scan.msk.f32 $0xffff, v59  }
0x45b: {  	v29 =	vbroadcast v57, $0xF;
	v21 =	vsel vm0, v18, v21;
	(xrf1) =	vsort.dscd.msk.f32 $0xffff, v13, v1;
	v13 =	vpop (erf)  }
0x45c: {  	v20 =	vsel vm0, v20, v23;
	v19 =	vsel vm0, v19, v14;
	(xrf1) =	vsort.dscd.msk.f32 $0xffff, v10, v2;
	v18, v10, _ =	vpop (xrf1)  }
0x45d: {  	v23 =	vperm.xlane v28, v4;
	v14 =	vnsel vm0, $0x0, v13;
	v24 =	vsel vm0, v24, v15;
	v15, v28, _ =	vpop (xrf1)  }
0x45e: {  	v61, _, _ =	vpop (xrf2);
	(xrf2) =	vadd.scan.msk.f32 $0xffff, v14;
	v28 =	vperm.xlane v28, v4  }
0x45f: {  	s26 =	simm.s32 $0x6280;
	v22 =	vsub.f32 v22, v29;
	v23 =	vsel vm0, v25, v23;
	v29 =	vpop (erf);
	(xrf1) =	vsort.dscd.msk.f32 $0xffff, v58, v0  }
0x460: {  	v27 =	vor.u32 s26, v0;
	v25 =	vmul.f32 v29, v16;
	(xrf1) =	vsort.dscd.msk.f32 $0xffff, v60, v19;
	v62 =	vperm.xlane v15, v4;
	v16, v19, _ =	vpop (xrf1)  }
0x461: {  	v15 =	vnsel vm0, $0x0, v26;
	v26, _, _ =	vpop (xrf0)  }
0x462: {  	v22 =	vmul.f32 $1.442695020e+00, v22;
	(xrf1) =	vsort.dscd.msk.f32 $0xffff, v21, v20;
	v20 =	vsel vm0, v16, v62;
	v21 =	vsel vm0, v19, v28;
	v28, v29, _ =	vpop (xrf1)  }
0x463: {  	(xrf1) =	vsort.dscd.msk.f32 $0xffff, v20, v21;
	v20 =	vbroadcast v26, $0xF;
	v26 =	vperm.xlane v29, v4;
	_ =	sdelay $0x1  }
0x464: {  	s24 =	simm.s32 $0x6000;
	(erf) = vpow2.f32 v22;
	[tilespmem:v27+s20+$0x0] =	vst.idx.msk $0xff, v25;
	v21 =	vperm.xlane v28, v4;
	v25, v28, _ =	vpop (xrf1)  }
0x465: {  	s30 =	simm.s32 $0x6100;
	v12 =	vor.u32 s24, v0;
	(xrf0) =	vmax.scan.msk.f32 $0xffff, v18;
	v31 =	vsub.f32 v59, v20;
	v22 =	vperm.xlane v25, v4;
	v29, v63, _ =	vpop (xrf1)  }
0x466: {  	s31 =	simm.s32 $0x6200;
	s26 =	simm.s32 $0x67B0;
	v13 =	vor.u32 s30, v0;
	(xrf1) =	vsort.dscd.msk.f32 $0xffff, v24, v23;
	v25 =	vperm.xlane v28, v4;
	v28 =	vsel vm0, v63, v26;
	v26, v24, _ =	vpop (xrf1)  }
0x467: {  	s28 =	simm.s32 $0xD0;
	s16 =	simm.s32 $0xCE;
	s17 =	simm.s32 $0xCC;
	(xrf2) =	vadd.scan.msk.f32 $0xffff, v15;
	v19 =	vbroadcast v61, $0xF;
	v16 =	vor.u32 s31, v0;
	v20 =	vld [tilespmem:s26+$0x0];
	v21 =	vsel vm0, v29, v21  }
0x468: {  	s23 =	simm.s32 $0xC8;
	s18 =	simm.s32 $0xCA;
	s24 =	simm.s32 $0xC6;
	[tilespmem:v27+s21+$0x0] =	vst.idx.msk $0xff, v17;
	v23 =	vld [tilespmem:s26+$0xFFFFFFE0];
	v17 =	vperm.xlane v26, v4;
	v27, v26, _ =	vpop (xrf1);
	(xrf1) =	vsort.dscd.msk.f32 $0xffff, v21, v28;
	v21 =	vmul.f32 $1.442695020e+00, v31  }
.LBB2_8:
0x469: {  	p0 =	slt.u32 s28, $0xFE;
	v28 =	vld [tilespmem:s26+$0xFFFFFFF0];
	v24 =	vperm.xlane v24, v4;
	v31 =	vsel vm0, v27, v22;
	v25 =	vsel vm0, v26, v25;
	v26, _, _ =	vpop (xrf2)  }
0x46a: {  	v22 =	vmov v12;
	v27 =	vld [tilespmem:s26+$0xFFFFFF80];
	v29, v30, _ =	vpop (xrf1);
	(xrf1) =	vsort.dscd.msk.f32 $0xffff, v31, v25;
	(erf) = vpow2.f32 v21;
	v21 =	vbroadcast v26, $0xF  }
0x46b: {  	v12 =	vmov v13;
	v25 =	vld [tilespmem:s26+$0xFFFFFFD0];
	v26 =	vperm.xlane v29, v4;
	v29 =	vperm.xlane v30, v4;
	v30, _, _ =	vpop (xrf0)  }
0x46c: {  	v13 =	vmov v16;
	v31 =	vld [tilespmem:s26+$0xFFFFFF60];
	(xrf1) =	vsort.dscd.msk.f32 $0xffff, v20, v3;
	v20, v32, _ =	vpop (xrf1);
	v30 =	vbroadcast v30, $0xF;
	(erf) = vrcp.f32 v21  }
0x46d: {  	v21 =	vld [tilespmem:s26+$0xFFFFFF70];
	(xrf1) =	vsort.dscd.msk.f32 $0xffff, v23, v1;
	v17 =	vsel vm0, v20, v17;
	v20 =	vsel vm0, v32, v24;
	v16 =	vpop (erf);
	v23 =	vmov v5  }
0x46e: {  	v24 =	vld [tilespmem:s26+$0xFFFFFF50];
	(xrf1) =	vsort.dscd.msk.f32 $0xffff, v28, v2;
	v5, v28, _ =	vpop (xrf1);
	v33 =	vsub.f32 v18, v30;
	v30 =	vnsel vm0, $0x0, v16;
	(erf) = vrcp.f32 v19  }
0x46f: {  	(xrf1) =	vsort.dscd.msk.f32 $0xffff, v27, v3;
	v26 =	vsel vm0, v5, v26;
	v27 =	vsel vm0, v28, v29;
	v16, v19, _ =	vpop (xrf1);
	v5 =	vmov v6  }
0x470: {  	v6 =	vmov v7;
	(xrf1) =	vsort.dscd.msk.f32 $0xffff, v25, v0;
	v16 =	vperm.xlane v16, v4;
	v19 =	vperm.xlane v19, v4;
	v25, v28, _ =	vpop (xrf1)  }
0x471: {  	s30 =	sshll.u32 s24, $0x7;
	s24 =	smov.u32 s23;
	s23 =	smov.u32 s18;
	v7 =	vmov v10;
	v29 =	vmul.f32 $1.442695020e+00, v33;
	v18, _, _ =	vpop (xrf2)  }
0x472: {  	s18 =	smov.u32 s17;
	s17 =	smov.u32 s16;
	s31 =	sadd.s32 $0x80, s30;
	(xrf1) =	vsort.dscd.msk.f32 $0xffff, v31, v1;
	v25 =	vsel vm0, v25, v16;
	v28 =	vsel vm0, v28, v19;
	v31, v32, _ =	vpop (xrf1);
	v19 =	vbroadcast v18, $0xF  }
0x473: {  	s16 =	smov.u32 s28;
	v33 =	vor.u32 s31, v0;
	v16 =	vor.u32 s30, v0;
	(xrf0) =	vmax.scan.msk.f32 $0xffff, v31;
	v34 =	vpop (erf)  }
0x474: {  	(xrf1) =	vsort.dscd.msk.f32 $0xffff, v21, v2;
	v21 =	vnsel vm0, $0x0, v34;
	v18, v10, _ =	vpop (xrf1)  }
0x475: {  	(xrf2) =	vadd.scan.msk.f32 $0xffff, v21;
	v34 =	vpop (erf)  }
0x476: {  	(xrf1) =	vsort.dscd.msk.f32 $0xffff, v24, v0;
	v24, v35, _ =	vpop (xrf1);
	v34 =	vmul.f32 v34, v14  }
0x477: {  	v14 =	vmov v21;
	v21 =	vperm.xlane v24, v4;
	v24 =	vperm.xlane v35, v4;
	_ =	sdelay $0x1  }
0x478: {  	(xrf1) =	vsort.dscd.msk.f32 $0xffff, v17, v20;
	v17 =	vpop (erf)  }
0x479: {  	(xrf1) =	vsort.dscd.msk.f32 $0xffff, v26, v27;
	v20, v26, _ =	vpop (xrf1);
	[tilespmem:v33+s20+$0x0] =	vst.idx.msk $0xff, v34;
	v17 =	vmul.f32 v17, v9;
	v9 =	vmov v15  }
0x47a: {  	v15 =	vmov v30;
	v20 =	vsel vm0, v20, v21;
	v21 =	vsel vm0, v26, v24;
	[tilespmem:v33+s21+$0x0] =	vst.idx.msk $0xff, v8;
	v24, _, _ =	vpop (xrf0)  }
.Ltmp3:
0x47b: {  	v8, v26, _ =	vpop (xrf1);
	(xrf1) =	vsort.dscd.msk.f32 $0xffff, v20, v21;
	v20 =	vbroadcast v24, $0xF;
	(erf) = vpow2.f32 v29;
	[tilespmem:v22+s20+$0x0] =	vst.idx.msk $0xff, v17;
	(pc) =	sbr.rel @p0 .LBB2_8-.Ltmp3, $4  }
0x47c: {  	v30 =	vperm.xlane v8, v4;
	v21 =	vperm.xlane v26, v4;
	v8, v24, _ =	vpop (xrf1);
	(xrf0) =	vmax.scan.msk.f32 $0xffff, v18;
	[tilespmem:v22+s21+$0x0] =	vst.idx.msk $0xff, v23  }
0x47d: {  	s26 =	sadd.s32 $0x100, s26;
	v22 =	vperm.xlane v8, v4;
	v23, v26, _ =	vpop (xrf1);
	v29 =	vsub.f32 v31, v20;
	(xrf1) =	vsort.dscd.msk.f32 $0xffff, v25, v28;
	v8 =	vmov v11  }
0x47e: {  	v25 =	vperm.xlane v24, v4;
	v20 =	vld [tilespmem:s26+$0x0];
	v28 =	vsel vm0, v23, v30;
	v21 =	vsel vm0, v26, v21;
	v17, v24, _ =	vpop (xrf1);
	(xrf2) =	vadd.scan.msk.f32 $0xffff, v15  }
0x47f: {  	s28 =	sadd.s32 $0x2, s28;
	v11 =	vmov v32;
	v23 =	vld [tilespmem:s26+$0xFFFFFFE0];
	v17 =	vperm.xlane v17, v4;
	v27, v26, _ =	vpop (xrf1);
	(xrf1) =	vsort.dscd.msk.f32 $0xffff, v28, v21;
	v21 =	vmul.f32 $1.442695020e+00, v29  }
0x480: {  	v28 =	vld [tilespmem:s26+$0xFFFFFFF0]  }
0x481: {  	v22 =	vsel vm0, v27, v22;
	v25 =	vsel vm0, v26, v25;
	v58 =	vld [tilespmem:s26+$0xFFFFFF80]  }
0x482: {  	v59 =	vld [tilespmem:s26+$0xFFFFFFD0];
	(xrf1) =	vsort.dscd.msk.f32 $0xffff, v22, v25  }
0x483: {  	(xrf1) =	vsort.dscd.msk.f32 $0xffff, v20, v3  }
0x484: {  	(xrf1) =	vsort.dscd.msk.f32 $0xffff, v23, v1  }
0x485: {  	(xrf1) =	vsort.dscd.msk.f32 $0xffff, v28, v2  }
0x486: {  	(xrf1) =	vsort.dscd.msk.f32 $0xffff, v58, v3  }
0x487: {  	v60, v61, _ =	vpop (xrf1);
	(xrf1) =	vsort.dscd.msk.f32 $0xffff, v59, v0  }
0x488: {  	v36 =	vld [tilespmem:s26+$0xFFFFFF60];
	v63, v62, _ =	vpop (xrf1)  }
0x489: {  	v29 =	vld [tilespmem:s26+$0xFFFFFF70];
	v37, v38, _ =	vpop (xrf1)  }
0x48a: {  	v24 =	vperm.xlane v24, v4;
	v30 =	vld [tilespmem:s26+$0xFFFFFF50];
	v31, v32, _ =	vpop (xrf1)  }
0x48b: {  	v33 =	vperm.xlane v60, v4;
	v23 =	vperm.xlane v61, v4;
	v34, v35, _ =	vpop (xrf1)  }
0x48c: {  	v22 =	vsel vm0, v63, v17;
	v24 =	vsel vm0, v62, v24;
	v25, v20, _ =	vpop (xrf1)  }
0x48d: {  	v27 =	vsel vm0, v37, v33;
	v23 =	vsel vm0, v38, v23;
	(xrf1) =	vsort.dscd.msk.f32 $0xffff, v36, v1;
	v26, v17, _ =	vpop (xrf1)  }
0x48e: {  	v39 =	vperm.xlane v31, v4;
	v40 =	vperm.xlane v32, v4;
	(xrf1) =	vsort.dscd.msk.f32 $0xffff, v29, v2;
	v42, v41, _ =	vpop (xrf1)  }
0x48f: {  	(xrf1) =	vsort.dscd.msk.f32 $0xffff, v30, v0;
	v29 =	vperm.xlane v42, v4;
	v43 =	vperm.xlane v41, v4  }
0x490: {  	v28 =	vsel vm0, v34, v39;
	v31 =	vsel vm0, v35, v40;
	(xrf1) =	vsort.dscd.msk.f32 $0xffff, v22, v24;
	v22, v24, _ =	vpop (xrf1)  }
0x491: {  	(xrf1) =	vsort.dscd.msk.f32 $0xffff, v27, v23;
	v44 =	vsel vm0, v22, v29;
	v45 =	vsel vm0, v24, v43;
	v46, v47, _ =	vpop (xrf1)  }
0x492: {  	(xrf1) =	vsort.dscd.msk.f32 $0xffff, v44, v45;
	v48 =	vperm.xlane v46, v4;
	v49 =	vperm.xlane v47, v4;
	v50, v51, _ =	vpop (xrf1)  }
0x493: {  	(erf) = vpow2.f32 v21;
	(xrf1) =	vsort.dscd.msk.f32 $0xffff, v28, v31;
	v23 =	vperm.xlane v50, v4;
	v52, v53, _ =	vpop (xrf1)  }
0x494: {  	(xrf0) =	vmax.scan.msk.f32 $0xffff, v25;
	v24 =	vperm.xlane v51, v4;
	v21 =	vsel vm0, v52, v48;
	v22 =	vsel vm0, v53, v49;
	v55, v54, _ =	vpop (xrf1)  }
0x495: {  	v57, v56, _ =	vpop (xrf1);
	(xrf1) =	vsort.dscd.msk.f32 $0xffff, v21, v22  }
0x496: {  	v58 =	vsel vm0, v57, v23;
	v59 =	vsel vm0, v56, v24  }
0x497: {  	(xrf1) =	vsort.dscd.msk.f32 $0xffff, v58, v59  }
0x498: {  	v61, _, _ =	vpop (xrf0)  }
0x499: {  	v21 =	vbroadcast v61, $0xF  }
0x49a: {  	v40, _, _ =	vpop (xrf0)  }
0x49b: {  	v60, _, _ =	vpop (xrf2);
	v29 =	vbroadcast v40, $0xF;
	v18 =	vsub.f32 v18, v21  }
0x49c: {  	v42, v41, _ =	vpop (xrf1)  }
0x49d: {  	v44, v43, _ =	vpop (xrf1);
	v18 =	vmul.f32 $1.442695020e+00, v18  }
0x49e: {  	v23 =	vbroadcast v60, $0xF;
	v45, v46, _ =	vpop (xrf1)  }
0x49f: {  	v28 =	vperm.xlane v54, v4;
	v47, v36, _ =	vpop (xrf1)  }
0x4a0: {  	v48 =	vsub.f32 v25, v29;
	v27 =	vperm.xlane v55, v4;
	(erf) = vrcp.f32 v23;
	v25, v29, _ =	vpop (xrf1)  }
0x4a1: {  	v28 =	vsel vm0, v43, v28;
	(erf) = vrcp.f32 v19;
	v37, v19, _ =	vpop (xrf1)  }
0x4a2: {  	v21 =	vsel vm0, v44, v27;
	(erf) = vpow2.f32 v18;
	v38, v18, _ =	vpop (xrf1)  }
0x4a3: {  	v30 =	vperm.xlane v42, v4;
	v31 =	vperm.xlane v41, v4;
	v49, v39, _ =	vpop (xrf1)  }
0x4a4: {  	v62 =	vpop (erf);
	(xrf0) =	vmax.scan.msk.f32 $0xffff, v26;
	v27 =	vperm.xlane v49, v4;
	v50 =	vperm.xlane v39, v4  }
0x4a5: {  	v51 =	vsel vm0, v45, v30;
	v52 =	vsel vm0, v46, v31;
	(xrf1) =	vsort.dscd.msk.f32 $0xffff, v21, v28;
	v21, v28, _ =	vpop (xrf1)  }
0x4a6: {  	v63 =	vpop (erf);
	v23 =	vmul.f32 $1.442695020e+00, v48;
	(xrf1) =	vsort.dscd.msk.f32 $0xffff, v51, v52;
	v21 =	vsel vm0, v21, v27;
	v53 =	vsel vm0, v28, v50  }
0x4a7: {  	v22 =	vnsel vm0, $0x0, v63;
	(xrf1) =	vsort.dscd.msk.f32 $0xffff, v21, v53  }
0x4a8: {  	(xrf2) =	vadd.scan.msk.f32 $0xffff, v22;
	(erf) = vpow2.f32 v23;
	_ =	sdelay $0x3  }
0x4a9: {  	v56, _, _ =	vpop (xrf2)  }
0x4aa: {  	v58, _, _ =	vpop (xrf0)  }
0x4ab: {  	v23 =	vnsel vm0, $0x0, v62;
	v27 =	vpop (erf)  }
0x4ac: {  	(xrf2) =	vadd.scan.msk.f32 $0xffff, v23;
	v28 =	vpop (erf)  }
0x4ad: {  	(xrf0) =	vmax.scan.msk.f32 $0xffff, v37;
	v54 =	vpop (erf)  }
0x4ae: {  	v55 =	vpop (erf)  }
0x4af: {  	v57, _, _ =	vpop (xrf2);
	v31 =	vnsel vm0, $0x0, v55  }
0x4b0: {  	(xrf2) =	vadd.scan.msk.f32 $0xffff, v31;
	v61, v60, _ =	vpop (xrf1)  }
0x4b1: {  	v35 =	vperm.xlane v47, v4;
	v36 =	vperm.xlane v36, v4;
	(xrf0) =	vmax.scan.msk.f32 $0xffff, v38;
	v40, v41, _ =	vpop (xrf1)  }
0x4b2: {  	v43, v21, _ =	vpop (xrf1)  }
0x4b3: {  	v42 =	vbroadcast v58, $0xF;
	v25 =	vsel vm0, v25, v35;
	v29 =	vsel vm0, v29, v36;
	v59, _, _ =	vpop (xrf0);
	(xrf0) =	vmax.scan.msk.f32 $0xffff, v43  }
0x4b4: {  	v32 =	vbroadcast v57, $0xF;
	(xrf1) =	vsort.dscd.msk.f32 $0xffff, v25, v29  }
0x4b5: {  	v24 =	vbroadcast v56, $0xF;
	v26 =	vsub.f32 v26, v42;
	v33 =	vbroadcast v59, $0xF  }
0x4b6: {  	(erf) = vrcp.f32 v32;
	v63, _, _ =	vpop (xrf2)  }
0x4b7: {  	v26 =	vmul.f32 $1.442695020e+00, v26;
	(erf) = vrcp.f32 v24;
	v35, _, _ =	vpop (xrf0);
	v62 =	vsub.f32 v37, v33  }
0x4b8: {  	v36 =	vbroadcast v35, $0xF;
	v33 =	vbroadcast v63, $0xF  }
0x4b9: {  	(erf) = vpow2.f32 v26;
	v29 =	vmul.f32 $1.442695020e+00, v62;
	v37, _, _ =	vpop (xrf0)  }
0x4ba: {  	v24 =	vsub.f32 v38, v36;
	v38 =	vperm.xlane v61, v4;
	v32, _, _ =	vpop (xrf2);
	v26 =	vbroadcast v37, $0xF  }
0x4bb: {  	v42 =	vperm.xlane v60, v4;
	v25 =	vbroadcast v32, $0xF  }
0x4bc: {  	v24 =	vmul.f32 $1.442695020e+00, v24;
	(erf) = vpow2.f32 v29;
	v44 =	vsub.f32 v43, v26  }
0x4bd: {  	v45 =	vsel vm0, v40, v38;
	v46 =	vsel vm0, v41, v42;
	(erf) = vrcp.f32 v25  }
0x4be: {  	(xrf1) =	vsort.dscd.msk.f32 $0xffff, v45, v46;
	(erf) = vrcp.f32 v33;
	v25 =	vmul.f32 $1.442695020e+00, v44  }
0x4bf: {  	(erf) = vpow2.f32 v24  }
0x4c0: {  	(erf) = vpow2.f32 v25  }
0x4c1: {  	v24 =	vpop (erf)  }
0x4c2: {  	v49, v33, _ =	vpop (xrf1)  }
0x4c3: {  	v25 =	vpop (erf)  }
0x4c4: {  	v47 =	vpop (erf)  }
0x4c5: {  	v48 =	vpop (erf)  }
0x4c6: {  	v30 =	vnsel vm0, $0x0, v54;
	v34 =	vpop (erf)  }
0x4c7: {  	(xrf2) =	vadd.scan.msk.f32 $0xffff, v30;
	v29 =	vnsel vm0, $0x0, v48;
	v35 =	vpop (erf)  }
0x4c8: {  	(xrf2) =	vadd.scan.msk.f32 $0xffff, v29;
	v50 =	vpop (erf)  }
0x4c9: {  	(xrf0) =	vmax.scan.msk.f32 $0xffff, v49;
	v26 =	vnsel vm0, $0x0, v47;
	v51 =	vpop (erf)  }
0x4ca: {  	(xrf2) =	vadd.scan.msk.f32 $0xffff, v26;
	v37 =	vnsel vm0, $0x0, v51  }
0x4cb: {  	(xrf2) =	vadd.scan.msk.f32 $0xffff, v37  }
0x4cc: {  	v52, v39, _ =	vpop (xrf1)  }
0x4cd: {  	(xrf0) =	vmax.scan.msk.f32 $0xffff, v52;
	_ =	sdelay $0x2  }
0x4ce: {  	v53, _, _ =	vpop (xrf0)  }
0x4cf: {  	v54, _, _ =	vpop (xrf2);
	v40 =	vbroadcast v53, $0xF  }
0x4d0: {  	v55, _, _ =	vpop (xrf2)  }
0x4d1: {  	v32 =	vsub.f32 v49, v40;
	v56, _, _ =	vpop (xrf0);
	v42 =	vbroadcast v55, $0xF  }
0x4d2: {  	v41 =	vbroadcast v54, $0xF;
	v40 =	vbroadcast v56, $0xF;
	v57, _, _ =	vpop (xrf2)  }
0x4d3: {  	v32 =	vmul.f32 $1.442695020e+00, v32;
	(erf) = vrcp.f32 v42;
	v58, _, _ =	vpop (xrf2)  }
0x4d4: {  	v38 =	vsub.f32 v52, v40;
	(erf) = vrcp.f32 v41;
	v59 =	vbroadcast v58, $0xF  }
0x4d5: {  	v60 =	vbroadcast v57, $0xF;
	(erf) = vpow2.f32 v32  }
0x4d6: {  	v61 =	vmul.f32 $1.442695020e+00, v38;
	(erf) = vrcp.f32 v59  }
0x4d7: {  	(erf) = vrcp.f32 v60  }
0x4d8: {  	(erf) = vpow2.f32 v61;
	_ =	sdelay $0x3  }
0x4d9: {  	v62 =	vpop (erf)  }
0x4da: {  	v63 =	vpop (erf)  }
0x4db: {  	v36 =	vnsel vm0, $0x0, v50;
	v47 =	vpop (erf)  }
0x4dc: {  	(xrf2) =	vadd.scan.msk.f32 $0xffff, v36;
	v49 =	vpop (erf)  }
0x4dd: {  	v40 =	vnsel vm0, $0x0, v47;
	v50 =	vpop (erf)  }
0x4de: {  	v9 =	vmul.f32 v28, v9;
	(xrf2) =	vadd.scan.msk.f32 $0xffff, v40;
	v44 =	vpop (erf)  }
0x4df: {  	s24 =	sshll.u32 s24, $0x7;
	v51 =	vnsel vm0, $0x0, v44  }
0x4e0: {  	s18 =	sshll.u32 s18, $0x7;
	s31 =	sadd.s32 $0x80, s24;
	[tilespmem:v12+s20+$0x0] =	vst.idx.msk $0xff, v9;
	v54 =	vmul.f32 v25, v15;
	(xrf2) =	vadd.scan.msk.f32 $0xffff, v51  }
0x4e1: {  	s30 =	sadd.s32 $0x80, s18;
	[tilespmem:v12+s21+$0x0] =	vst.idx.msk $0xff, v5;
	v48 =	vor.u32 s31, v0  }
0x4e2: {  	v5 =	vor.u32 s30, v0;
	[tilespmem:v13+s20+$0x0] =	vst.idx.msk $0xff, v54  }
0x4e3: {  	[tilespmem:v13+s21+$0x0] =	vst.idx.msk $0xff, v6;
	v6 =	vmul.f32 v35, v23  }
0x4e4: {  	s23 =	sshll.u32 s23, $0x7;
	v14 =	vmul.f32 v27, v14  }
0x4e5: {  	s28 =	sadd.s32 $0x80, s23;
	v56 =	vmul.f32 v34, v31;
	[tilespmem:v16+s20+$0x0] =	vst.idx.msk $0xff, v6  }
0x4e6: {  	s17 =	sshll.u32 s17, $0x7;
	v52 =	vor.u32 s28, v0;
	[tilespmem:v48+s20+$0x0] =	vst.idx.msk $0xff, v14;
	v55, _, _ =	vpop (xrf2)  }
0x4e7: {  	s31 =	sadd.s32 $0x80, s17;
	[tilespmem:v5+s20+$0x0] =	vst.idx.msk $0xff, v56;
	v9 =	vbroadcast v55, $0xF  }
0x4e8: {  	v53 =	vmul.f32 v24, v22;
	[tilespmem:v16+s21+$0x0] =	vst.idx.msk $0xff, v7;
	v57 =	vor.u32 s31, v0;
	v58, _, _ =	vpop (xrf2)  }
0x4e9: {  	[tilespmem:v48+s21+$0x0] =	vst.idx.msk $0xff, v8;
	(erf) = vrcp.f32 v9;
	v59 =	vbroadcast v58, $0xF  }
0x4ea: {  	s16 =	sshll.u32 s16, $0x7;
	[tilespmem:v5+s21+$0x0] =	vst.idx.msk $0xff, v20;
	v60 =	vor.u32 s24, v0;
	v5 =	vmul.f32 v62, v29;
	v61, _, _ =	vpop (xrf2)  }
0x4eb: {  	s28 =	sadd.s32 $0x80, s16;
	[tilespmem:v52+s20+$0x0] =	vst.idx.msk $0xff, v53;
	(erf) = vrcp.f32 v59;
	v6 =	vbroadcast v61, $0xF  }
0x4ec: {  	v7 =	vor.u32 s28, v0;
	[tilespmem:v52+s21+$0x0] =	vst.idx.msk $0xff, v11  }
0x4ed: {  	[tilespmem:v57+s20+$0x0] =	vst.idx.msk $0xff, v5;
	v5 =	vmul.f32 v63, v30;
	(erf) = vrcp.f32 v6  }
0x4ee: {  	[tilespmem:v57+s21+$0x0] =	vst.idx.msk $0xff, v19;
	v6 =	vor.u32 s23, v0  }
0x4ef: {  	[tilespmem:v60+s20+$0x0] =	vst.idx.msk $0xff, v5;
	v5 =	vmul.f32 v49, v37  }
0x4f0: {  	v62 =	vor.u32 s18, v0;
	[tilespmem:v60+s21+$0x0] =	vst.idx.msk $0xff, v10  }
0x4f1: {  	[tilespmem:v7+s20+$0x0] =	vst.idx.msk $0xff, v5;
	v5 =	vmul.f32 v50, v26  }
0x4f2: {  	v63 =	vor.u32 s17, v0;
	[tilespmem:v7+s21+$0x0] =	vst.idx.msk $0xff, v21;
	v7 =	vpop (erf)  }
0x4f3: {  	[tilespmem:v6+s20+$0x0] =	vst.idx.msk $0xff, v5;
	v5 =	vmul.f32 v7, v36  }
0x4f4: {  	v7 =	vor.u32 s16, v0;
	[tilespmem:v6+s21+$0x0] =	vst.idx.msk $0xff, v17;
	v6 =	vpop (erf)  }
0x4f5: {  	[tilespmem:v62+s20+$0x0] =	vst.idx.msk $0xff, v5;
	v5 =	vmul.f32 v6, v40  }
0x4f6: {  	[tilespmem:v62+s21+$0x0] =	vst.idx.msk $0xff, v18;
	v6 =	vpop (erf)  }
0x4f7: {  	[tilespmem:v63+s20+$0x0] =	vst.idx.msk $0xff, v5;
	v5 =	vmul.f32 v6, v51  }
0x4f8: {  	[tilespmem:v63+s21+$0x0] =	vst.idx.msk $0xff, v33  }
0x4f9: {  	[tilespmem:v7+s20+$0x0] =	vst.idx.msk $0xff, v5  }
0x4fa: {  	s30 =	simm.s32 $0xE000;
	[tilespmem:v7+s21+$0x0] =	vst.idx.msk $0xff, v39  }
0x4fb: {  	[hbm4b:s13+s1] =	stream.linear.scatter [tilespmem:s30], [sflag:$0x5], $0x2000, $0x38;
	[tilespmem:$0x18000] =	vst v63  }
0x4fc: {  	s31 =	simm.s32 $0x16000  }
0x4fd: {  	[hbm4b:s14+s1] =	stream.linear.scatter [tilespmem:s31], [sflag:$0x5], $0x2000, $0x38;
	[tilespmem:$0x18000] =	vst v63  }
0x4fe: {  	_ =	swait.ge [sflag:s0], $0x2000  }
0x4ff: {  	[sflag:s0] =	ssyncset.done $0x0  }
0x500: {  	[sflag:s0] =	ssyncadd.s32 $0xFFFFE000  }
0x501: {  	_ =	swait.ge [sflag:s0], $0x2000  }
0x502: {  	[sflag:s0] =	ssyncset.done $0x0  }
0x503: {  	[sflag:s0] =	ssyncadd.s32 $0xFFFFE000  }
0x504: {  	_ =	swait.ge [sflag:s0], $0x2000  }
0x505: {  	[sflag:s0] =	ssyncset.done $0x0  }
0x506: {  	[sflag:s0] =	ssyncadd.s32 $0xFFFFE000  }
0x507: {  	_ =	swait.ge [sflag:s0], $0x2000  }
0x508: {  	[sflag:s0] =	ssyncset.done $0x0  }
0x509: {  	[sflag:s0] =	ssyncadd.s32 $0xFFFFE000  }
0x50a: {  	_ =	swait.ge [sflag:s0], $0x2000  }
0x50b: {  	[sflag:s0] =	ssyncset.done $0x0  }
0x50c: {  	[sflag:s0] =	ssyncadd.s32 $0xFFFFE000  }
0x50d: {  	_ =	swait.ge [sflag:s0], $0x2000  }
0x50e: {  	[sflag:s0] =	ssyncset.done $0x0  }
0x50f: {  	s2 =	sadd.s32 $0x1, s2;
	[sflag:s0] =	ssyncadd.s32 $0xFFFFE000  }
0x510: {  	p0 =	sne.s32 s2, s15;
	_ =	swait.ge [sflag:s0], $0x2000  }
.Ltmp4:
0x511: {  	[sflag:s0] =	ssyncset.done $0x0;
	(pc) =	sbr.rel @p0 .LBB2_1-.Ltmp4, $4  }
0x512: {  	[sflag:s0] =	ssyncadd.s32 $0xFFFFE000  }
0x513: {  	_ =	swait.ge [sflag:s0], $0x2000  }
0x514: {  	[sflag:s0] =	ssyncset.done $0x0  }
0x515: {  	[sflag:s0] =	ssyncadd.s32 $0xFFFFE000  }
0x516: {  	_ =	sfence.sel $0x180000  }
0x517: {  	[bflag:$0x0] =	sbarrier.arrive $0xFFFF  }
0x518: {  	_ =	strace $0x90000047  }
0x519: {  	s0 =	stileid.u32;
	[bflag:$0x2] =	sbarrier.arrive $0xFFFF  }
0x51a: {  	p0 =	sne.s32 s0, $0x0;
	s0 =	rddreg [dreg:$0x1]  }
0x51b: {  	s0 =	sadd.s32 @!p0 $0x100000, s0  }
0x51c: {  	[sflag:s0] =	ssyncadd.tile.s32 @!p0 $0x1;
	_ =	shalt  }
.Lfunc_end2:
_tile_overlayer_lowered:
.L_overlay_start_2:
0x51d: {  	(tag) =	ssettag $0x2  }
0x51e: {  	s0 =	rddreg [dreg:$0x0];
	s2 =	stileid.u32  }
0x51f: {  	s1 =	rddreg [dreg:$0x1];
	p0 =	sne.s32 s2, $0x0  }
0x520: {  	s3 =	rddreg [dreg:$0x2];
	[bflag:$0x3] =	sbarrier.arrive $0xFFFF;
	s2 =	simm.s32 @!p0 $0x1C06  }
0x521: {  	[timem:s3], [sflag:s2] =	dma.local @!p0 [hbm:s0], s1  }
0x522: {  	s0 =	simm.s32 @!p0 $0x6  }
0x523: {  	_ =	swait.ge @!p0 [sflag:s0], s1  }
0x524: {  	s1 =	ssub.s32 @!p0 $0x0, s1;
	[sflag:s0] =	ssyncset.done @!p0 $0x0  }
0x525: {  	[sflag:s0] =	ssyncadd.s32 @!p0 s1  }
0x526: {  	[bflag:$0x3] =	sbarrier.arrive $0xFFFF  }
0x527: {  	_ =	shalt  }

</sc_bundles>
